<compile_context>
chip_gen: v7x
topology: tpu7x:2x2x1
jax: 0.10.2.dev20260603
libtpu: 0.0.44.dev20260713+nightly
codegen_flags: <defaults>
</compile_context>

<pallas_src>
import jax
import jax.numpy as jnp
from jax import lax
from jax.experimental import pallas as pl
from jax.experimental.pallas import tpu as pltpu
from jax.experimental.pallas import tpu_sc as plsc

N = 10000
E = 320000
D = 128
OUT = 47
NPAD = 10240
NC, NS = 2, 16
NW = NC * NS
CHUNK = 128
CH = -(-E // (NW * CHUNK))
EPAD = NW * CH * CHUNK
DUMMY = N
RPT = NPAD // NS
ZR = 128


def _make_sc_agg(width, nbuf, zr):
  mesh = plsc.VectorSubcoreMesh(core_axis_name="c", subcore_axis_name="s")
  out_type = [jax.ShapeDtypeStruct((NC, NPAD, width), jnp.float32)]
  scratch = (
      [pltpu.VMEM((CHUNK,), jnp.int32)] * nbuf +
      [pltpu.VMEM((CHUNK,), jnp.int32)] * nbuf +
      [pltpu.VMEM((CHUNK, width), jnp.float32)] * nbuf +
      [pltpu.VMEM((zr, width), jnp.float32),
       pltpu.VMEM_SHARED((NPAD, width), jnp.float32)] +
      [pltpu.SemaphoreType.DMA] * nbuf
  )

  def body(hn, srcw, dstw, parts, *scr):
    src_v = scr[0:nbuf]
    dst_v = scr[nbuf:2 * nbuf]
    rows_v = scr[2 * nbuf:3 * nbuf]
    zbuf = scr[3 * nbuf]
    agg_sh = scr[3 * nbuf + 1]
    sem = scr[3 * nbuf + 2:3 * nbuf + 2 + nbuf]
    cid = lax.axis_index("c")
    sid = lax.axis_index("s")
    wid = cid * NS + sid
    zero16 = jnp.zeros((16,), jnp.float32)

    @pl.loop(0, zr)
    def _(i):
      for j in range(width // 16):
        zbuf[i, pl.ds(j * 16, 16)] = zero16

    r0 = sid * RPT

    @pl.loop(0, RPT // zr)
    def _(k):
      pltpu.sync_copy(zbuf, agg_sh.at[pl.ds(r0 + k * zr, zr)])

    plsc.subcore_barrier()

    if nbuf == 1:
      @pl.loop(0, CH)
      def _(j):
        pltpu.sync_copy(srcw.at[wid, j], src_v[0])
        pltpu.sync_copy(dstw.at[wid, j], dst_v[0])
        pltpu.async_copy(hn.at[src_v[0]], rows_v[0], sem[0]).wait()
        pltpu.sync_copy(rows_v[0], agg_sh.at[dst_v[0]], add=True)
    else:
      for b in range(2):
        pltpu.sync_copy(srcw.at[wid, b], src_v[b])
        pltpu.sync_copy(dstw.at[wid, b], dst_v[b])
        pltpu.async_copy(hn.at[src_v[b]], rows_v[b], sem[b])

      @pl.loop(0, (CH - 1) // 2 - 1)
      def _(j):
        for b in range(2):
          nxt = j * 2 + b + 2
          pltpu.make_async_copy(hn.at[src_v[b]], rows_v[b], sem[b]).wait()
          pltpu.sync_copy(rows_v[b], agg_sh.at[dst_v[b]], add=True)
          pltpu.sync_copy(srcw.at[wid, nxt], src_v[b])
          pltpu.sync_copy(dstw.at[wid, nxt], dst_v[b])
          pltpu.async_copy(hn.at[src_v[b]], rows_v[b], sem[b])

      for b in range(2):
        pltpu.make_async_copy(hn.at[src_v[b]], rows_v[b], sem[b]).wait()
        pltpu.sync_copy(rows_v[b], agg_sh.at[dst_v[b]], add=True)

      if CH % 2 == 1:
        pltpu.sync_copy(srcw.at[wid, CH - 1], src_v[0])
        pltpu.sync_copy(dstw.at[wid, CH - 1], dst_v[0])
        pltpu.async_copy(hn.at[src_v[0]], rows_v[0], sem[0]).wait()
        pltpu.sync_copy(rows_v[0], agg_sh.at[dst_v[0]], add=True)

    plsc.subcore_barrier()

    pltpu.sync_copy(agg_sh.at[pl.ds(r0, RPT)], parts.at[cid, pl.ds(r0, RPT)])

  params = pltpu.CompilerParams(use_tc_tiling_on_sc=False)
  return pl.kernel(body, out_type=out_type, mesh=mesh, scratch_types=scratch,
                   compiler_params=params)


DE = 144
_sc_agg_ext = _make_sc_agg(DE, 2, 8)
_sc_agg = _make_sc_agg(D, 2, 32)


RB = 1280
GRID = NPAD // RB


def _pre_body(x_ref, w_ref, o_ref):
  mm = jnp.dot(x_ref[...], w_ref[...], preferred_element_type=jnp.float32)
  o_ref[:, :D] = mm
  col = lax.broadcasted_iota(jnp.int32, (RB, DE - D), 1)
  o_ref[:, D:] = jnp.where(col == 0, 1.0, 0.0).astype(jnp.float32)


_tc_pre = pl.pallas_call(
    _pre_body,
    grid=(GRID,),
    in_specs=[pl.BlockSpec((RB, D), lambda i: (i, 0)),
              pl.BlockSpec((D, D), lambda i: (0, 0))],
    out_specs=pl.BlockSpec((RB, DE), lambda i: (i, 0)),
    out_shape=jax.ShapeDtypeStruct((NPAD, DE), jnp.float32),
)


_row = pl.BlockSpec((RB, D), lambda i: (i, 0))
_prow = pl.BlockSpec((NC, RB, D), lambda i: (0, i, 0))
_perow = pl.BlockSpec((NC, RB, DE), lambda i: (0, i, 0))
_irow = pl.BlockSpec((RB, 16), lambda i: (i, 0))
_wfull = pl.BlockSpec((D, D), lambda i: (0, 0))
_bfull = pl.BlockSpec((1, D), lambda i: (0, 0))


def _tcb1_body(x_ref, p_ref, ws, b, wn, h_out, hn_out, inv_out):
  p = p_ref[...]
  deg = jnp.maximum(p[0, :, D:D + 16] + p[1, :, D:D + 16], 1.0)
  inv = 1.0 / deg
  inv_out[...] = inv
  mean = (p[0, :, :D] + p[1, :, :D]) * inv[:, 0:1]
  h = jnp.dot(x_ref[...], ws[...], preferred_element_type=jnp.float32)
  h = jnp.maximum(h + mean + b[...], 0.0)
  h_out[...] = h
  hn_out[...] = jnp.dot(h, wn[...], preferred_element_type=jnp.float32)


_tcb1 = pl.pallas_call(
    _tcb1_body,
    grid=(GRID,),
    in_specs=[_row, _perow, _wfull, _bfull, _wfull],
    out_specs=[_row, _row, _irow],
    out_shape=[jax.ShapeDtypeStruct((NPAD, D), jnp.float32),
               jax.ShapeDtypeStruct((NPAD, D), jnp.float32),
               jax.ShapeDtypeStruct((NPAD, 16), jnp.float32)],
)


def _tcb2_body(x_ref, p_ref, inv_ref, ws, b, wn, h_out, hn_out):
  inv = inv_ref[...][:, 0:1]
  p = p_ref[...]
  mean = (p[0] + p[1]) * inv
  h = jnp.dot(x_ref[...], ws[...], preferred_element_type=jnp.float32)
  h = jnp.maximum(h + mean + b[...], 0.0)
  h_out[...] = h
  hn_out[...] = jnp.dot(h, wn[...], preferred_element_type=jnp.float32)


_tcb2 = pl.pallas_call(
    _tcb2_body,
    grid=(GRID,),
    in_specs=[_row, _prow, _irow, _wfull, _bfull, _wfull],
    out_specs=[_row, _row],
    out_shape=[jax.ShapeDtypeStruct((NPAD, D), jnp.float32),
               jax.ShapeDtypeStruct((NPAD, D), jnp.float32)],
)


def _tcc_body(x_ref, p_ref, inv_ref, ws, b, o_ref):
  inv = inv_ref[...][:, 0:1]
  p = p_ref[...]
  mean = (p[0] + p[1]) * inv
  h = jnp.dot(x_ref[...], ws[...], preferred_element_type=jnp.float32)
  o_ref[...] = h + mean + b[...]


_tcc = pl.pallas_call(
    _tcc_body,
    grid=(GRID,),
    in_specs=[_row, _prow, _irow, _wfull, _bfull],
    out_specs=_row,
    out_shape=jax.ShapeDtypeStruct((NPAD, D), jnp.float32),
)


def kernel(x, edge_index, W_self1, W_neigh1, b1, W_self2, W_neigh2, b2,
           W_self3, W_neigh3, b3):
  src = edge_index[0].astype(jnp.int32)
  dst = edge_index[1].astype(jnp.int32)
  pad = EPAD - E
  srcw = jnp.concatenate([src, jnp.zeros((pad,), jnp.int32)]).reshape(NW, CH, CHUNK)
  dstw = jnp.concatenate([dst, jnp.full((pad,), DUMMY, jnp.int32)]).reshape(NW, CH, CHUNK)
  xp = jnp.zeros((NPAD, D), jnp.float32).at[:N].set(x)
  wn3p = jnp.zeros((D, D), jnp.float32).at[:, :OUT].set(W_neigh3)
  ws3p = jnp.zeros((D, D), jnp.float32).at[:, :OUT].set(W_self3)
  b1r = b1.reshape(1, D)
  b2r = b2.reshape(1, D)
  b3p = jnp.zeros((1, D), jnp.float32).at[0, :OUT].set(b3)
  hn1 = _tc_pre(xp, W_neigh1)
  parts1, = _sc_agg_ext(hn1, srcw, dstw)
  h1, hn2, inv = _tcb1(xp, parts1, W_self1, b1r, W_neigh2)
  parts2, = _sc_agg(hn2, srcw, dstw)
  h2, hn3 = _tcb2(h1, parts2, inv, W_self2, b2r, wn3p)
  parts3, = _sc_agg(hn3, srcw, dstw)
  outp = _tcc(h2, parts3, inv, ws3p, b3p)
  return outp[:N, :OUT]

# --- scband reference (transcript-rebuilt; emitter-appended) ---
"""Pipeline reference for scband-sage-32143535243435 (READ-ONLY COPY).

The authoritative reference and input builder live on the scoring server;
editing this copy changes nothing except your own understanding.
"""

import jax, jax.numpy as jnp
import numpy as np

N_NODES = 10000
N_EDGES = 320000
IN_SIZE = 128
HID_SIZE = 128
OUT_SIZE = 47


def _sage_layer(h, src, dst, W_self, W_neigh, b, n_nodes):
    # DGL SAGEConv(aggregator='mean'): rst = fc_self(h_dst) + fc_neigh(mean_{u in N(v)} h_u) + bias
    msgs = h[src]  # gather: [E, d]
    agg = jax.ops.segment_sum(msgs, dst, num_segments=n_nodes)  # scatter-add
    deg = jax.ops.segment_sum(jnp.ones((src.shape[0],), dtype=h.dtype), dst, num_segments=n_nodes)
    mean_neigh = agg / jnp.clip(deg, 1.0, None)[:, None]
    return h @ W_self + mean_neigh @ W_neigh + b


def setup_inputs(seed: int = 0) -> dict:
    key = jax.random.key(seed)
    ks = jax.random.split(key, 12)
    x = jax.random.normal(ks[0], (N_NODES, IN_SIZE), dtype=jnp.float32)
    edge_index = jax.random.randint(ks[1], (2, N_EDGES), 0, N_NODES, dtype=jnp.int64)
    s1 = 1.0 / np.sqrt(IN_SIZE)
    s2 = 1.0 / np.sqrt(HID_SIZE)
    return {
        "x": x,
        "edge_index": edge_index,
        "W_self1": jax.random.normal(ks[2], (IN_SIZE, HID_SIZE), dtype=jnp.float32) * s1,
        "W_neigh1": jax.random.normal(ks[3], (IN_SIZE, HID_SIZE), dtype=jnp.float32) * s1,
        "b1": jnp.zeros((HID_SIZE,), dtype=jnp.float32),
        "W_self2": jax.random.normal(ks[4], (HID_SIZE, HID_SIZE), dtype=jnp.float32) * s2,
        "W_neigh2": jax.random.normal(ks[5], (HID_SIZE, HID_SIZE), dtype=jnp.float32) * s2,
        "b2": jnp.zeros((HID_SIZE,), dtype=jnp.float32),
        "W_self3": jax.random.normal(ks[6], (HID_SIZE, OUT_SIZE), dtype=jnp.float32) * s2,
        "W_neigh3": jax.random.normal(ks[7], (HID_SIZE, OUT_SIZE), dtype=jnp.float32) * s2,
        "b3": jnp.zeros((OUT_SIZE,), dtype=jnp.float32),
    }


def reference(x, edge_index, W_self1, W_neigh1, b1, W_self2, W_neigh2, b2, W_self3, W_neigh3, b3):
    src = edge_index[0]
    dst = edge_index[1]
    n = x.shape[0]
    # layer 1 (+ relu; dropout is identity in eval)
    h = _sage_layer(x, src, dst, W_self1, W_neigh1, b1, n)
    h = jax.nn.relu(h)
    # layer 2
    h = _sage_layer(h, src, dst, W_self2, W_neigh2, b2, n)
    h = jax.nn.relu(h)
    # layer 3 (no activation)
    h = _sage_layer(h, src, dst, W_self3, W_neigh3, b3, n)
    return h

if __name__ == "__main__":
    import jax
    _d = setup_inputs()
    print(jax.jit(kernel)(*tuple(_d.values())))

</pallas_src>

<mosaic_0001>
#map = affine_map<(d0, d1) -> (0, 0)>
#map1 = affine_map<(d0, d1) -> (0, 0, 0)>
module attributes {stable_mosaic.version = 14 : i64} {
  func.func @body(%arg0: i32, %arg1: i32, %arg2: memref<10240x128xf32, #tpu.memory_space<hbm>>, %arg3: memref<32x79x128xi32, #tpu.memory_space<hbm>>, %arg4: memref<32x79x128xi32, #tpu.memory_space<hbm>>, %arg5: memref<2x10240x128xf32, #tpu.memory_space<hbm>>, %arg6: memref<128xi32, #tpu.memory_space<vmem>>, %arg7: memref<128xi32, #tpu.memory_space<vmem>>, %arg8: memref<128xi32, #tpu.memory_space<vmem>>, %arg9: memref<128xi32, #tpu.memory_space<vmem>>, %arg10: memref<128x128xf32, #tpu.memory_space<vmem>>, %arg11: memref<128x128xf32, #tpu.memory_space<vmem>>, %arg12: memref<32x128xf32, #tpu.memory_space<vmem>>, %arg13: memref<10240x128xf32, #tpu.memory_space<vmem_shared>>, %arg14: memref<!tpu.dma_semaphore, #tpu.memory_space<semaphore_mem>>, %arg15: memref<!tpu.dma_semaphore, #tpu.memory_space<semaphore_mem>>) attributes {dimension_semantics = [#tpu.dimension_semantics<core_parallel>, #tpu.dimension_semantics<subcore_parallel>], iteration_bounds = array<i64: 2, 16>, scalar_prefetch = 0 : i64, scratch_operands = 10 : i64, tpu.core_type = #tpu.core_type<sc_vector_subcore>, window_params = [{transform_indices = #map}, {transform_indices = #map1}, {transform_indices = #map1}, {transform_indices = #map1}]} {
    %mul3A = arith.constant 16 : i32
    %mul3A_0 = arith.muli %arg0, %mul3A : i32
    %add3A = arith.addi %mul3A_0, %arg1 : i32
    %broadcast_in_dim3A = arith.constant 0.000000e+00 : f32
    %broadcast_in_dim3A_1 = vector.broadcast %broadcast_in_dim3A : f32 to vector<16xf32>
    %scan3A = arith.constant 0 : i32
    %scan3A_2 = arith.constant 32 : i32
    %scan3A_3 = arith.addi %scan3A, %scan3A_2 : i32
    %scan3A_4 = arith.constant 1 : i32
    scf.for %scan3A_40 = %scan3A to %scan3A_3 step %scan3A_4  : i32 {
      %mul3A_41 = arith.constant 1 : i32
      %mul3A_42 = arith.muli %scan3A_40, %mul3A_41 : i32
      %add3A_43 = arith.constant 0 : i32
      %add3A_44 = arith.addi %add3A_43, %mul3A_42 : i32
      %swap3A = arith.index_cast %add3A_44 : i32 to index
      %swap3A_45 = arith.constant 0 : index
      %swap3A_46 = tpu.vector_load %arg12[%swap3A, %swap3A_45] {strides = array<i32>} : memref<32x128xf32, #tpu.memory_space<vmem>>, vector<1x16xf32>,
      %swap3A_47 = vector.shape_cast %swap3A_46 : vector<1x16xf32> to vector<16xf32>
      %swap3A_48 = vector.shape_cast %broadcast_in_dim3A_1 : vector<16xf32> to vector<1x16xf32>
      tpu.vector_store %arg12[%swap3A, %swap3A_45], %swap3A_48 {strides = array<i32>} : memref<32x128xf32, #tpu.memory_space<vmem>>, vector<1x16xf32>,
      %swap3A_49 = arith.index_cast %add3A_44 : i32 to index
      %swap3A_50 = arith.constant 16 : index
      %swap3A_51 = tpu.vector_load %arg12[%swap3A_49, %swap3A_50] {strides = array<i32>} : memref<32x128xf32, #tpu.memory_space<vmem>>, vector<1x16xf32>,
      %swap3A_52 = vector.shape_cast %swap3A_51 : vector<1x16xf32> to vector<16xf32>
      %swap3A_53 = vector.shape_cast %broadcast_in_dim3A_1 : vector<16xf32> to vector<1x16xf32>
      tpu.vector_store %arg12[%swap3A_49, %swap3A_50], %swap3A_53 {strides = array<i32>} : memref<32x128xf32, #tpu.memory_space<vmem>>, vector<1x16xf32>,
      %swap3A_54 = arith.index_cast %add3A_44 : i32 to index
      %swap3A_55 = arith.constant 32 : index
      %swap3A_56 = tpu.vector_load %arg12[%swap3A_54, %swap3A_55] {strides = array<i32>} : memref<32x128xf32, #tpu.memory_space<vmem>>, vector<1x16xf32>,
      %swap3A_57 = vector.shape_cast %swap3A_56 : vector<1x16xf32> to vector<16xf32>
      %swap3A_58 = vector.shape_cast %broadcast_in_dim3A_1 : vector<16xf32> to vector<1x16xf32>
      tpu.vector_store %arg12[%swap3A_54, %swap3A_55], %swap3A_58 {strides = array<i32>} : memref<32x128xf32, #tpu.memory_space<vmem>>, vector<1x16xf32>,
      %swap3A_59 = arith.index_cast %add3A_44 : i32 to index
      %swap3A_60 = arith.constant 48 : index
      %swap3A_61 = tpu.vector_load %arg12[%swap3A_59, %swap3A_60] {strides = array<i32>} : memref<32x128xf32, #tpu.memory_space<vmem>>, vector<1x16xf32>,
      %swap3A_62 = vector.shape_cast %swap3A_61 : vector<1x16xf32> to vector<16xf32>
      %swap3A_63 = vector.shape_cast %broadcast_in_dim3A_1 : vector<16xf32> to vector<1x16xf32>
      tpu.vector_store %arg12[%swap3A_59, %swap3A_60], %swap3A_63 {strides = array<i32>} : memref<32x128xf32, #tpu.memory_space<vmem>>, vector<1x16xf32>,
      %swap3A_64 = arith.index_cast %add3A_44 : i32 to index
      %swap3A_65 = arith.constant 64 : index
      %swap3A_66 = tpu.vector_load %arg12[%swap3A_64, %swap3A_65] {strides = array<i32>} : memref<32x128xf32, #tpu.memory_space<vmem>>, vector<1x16xf32>,
      %swap3A_67 = vector.shape_cast %swap3A_66 : vector<1x16xf32> to vector<16xf32>
      %swap3A_68 = vector.shape_cast %broadcast_in_dim3A_1 : vector<16xf32> to vector<1x16xf32>
      tpu.vector_store %arg12[%swap3A_64, %swap3A_65], %swap3A_68 {strides = array<i32>} : memref<32x128xf32, #tpu.memory_space<vmem>>, vector<1x16xf32>,
      %swap3A_69 = arith.index_cast %add3A_44 : i32 to index
      %swap3A_70 = arith.constant 80 : index
      %swap3A_71 = tpu.vector_load %arg12[%swap3A_69, %swap3A_70] {strides = array<i32>} : memref<32x128xf32, #tpu.memory_space<vmem>>, vector<1x16xf32>,
      %swap3A_72 = vector.shape_cast %swap3A_71 : vector<1x16xf32> to vector<16xf32>
      %swap3A_73 = vector.shape_cast %broadcast_in_dim3A_1 : vector<16xf32> to vector<1x16xf32>
      tpu.vector_store %arg12[%swap3A_69, %swap3A_70], %swap3A_73 {strides = array<i32>} : memref<32x128xf32, #tpu.memory_space<vmem>>, vector<1x16xf32>,
      %swap3A_74 = arith.index_cast %add3A_44 : i32 to index
      %swap3A_75 = arith.constant 96 : index
      %swap3A_76 = tpu.vector_load %arg12[%swap3A_74, %swap3A_75] {strides = array<i32>} : memref<32x128xf32, #tpu.memory_space<vmem>>, vector<1x16xf32>,
      %swap3A_77 = vector.shape_cast %swap3A_76 : vector<1x16xf32> to vector<16xf32>
      %swap3A_78 = vector.shape_cast %broadcast_in_dim3A_1 : vector<16xf32> to vector<1x16xf32>
      tpu.vector_store %arg12[%swap3A_74, %swap3A_75], %swap3A_78 {strides = array<i32>} : memref<32x128xf32, #tpu.memory_space<vmem>>, vector<1x16xf32>,
      %swap3A_79 = arith.index_cast %add3A_44 : i32 to index
      %swap3A_80 = arith.constant 112 : index
      %swap3A_81 = tpu.vector_load %arg12[%swap3A_79, %swap3A_80] {strides = array<i32>} : memref<32x128xf32, #tpu.memory_space<vmem>>, vector<1x16xf32>,
      %swap3A_82 = vector.shape_cast %swap3A_81 : vector<1x16xf32> to vector<16xf32>
      %swap3A_83 = vector.shape_cast %broadcast_in_dim3A_1 : vector<16xf32> to vector<1x16xf32>
      tpu.vector_store %arg12[%swap3A_79, %swap3A_80], %swap3A_83 {strides = array<i32>} : memref<32x128xf32, #tpu.memory_space<vmem>>, vector<1x16xf32>,
    }
    %scan3A_5 = arith.constant 32 : i32
    %mul3A_6 = arith.constant 640 : i32
    %mul3A_7 = arith.muli %arg1, %mul3A_6 : i32
    %scan3A_8 = arith.constant 0 : i32
    %scan3A_9 = arith.constant 20 : i32
    %scan3A_10 = arith.addi %scan3A_8, %scan3A_9 : i32
    %scan3A_11 = arith.constant 1 : i32
    scf.for %scan3A_40 = %scan3A_8 to %scan3A_10 step %scan3A_11  : i32 {
      %mul3A_41 = arith.constant 1 : i32
      %mul3A_42 = arith.muli %scan3A_40, %mul3A_41 : i32
      %add3A_43 = arith.constant 0 : i32
      %add3A_44 = arith.addi %add3A_43, %mul3A_42 : i32
      %mul3A_45 = arith.constant 32 : i32
      %mul3A_46 = arith.muli %add3A_44, %mul3A_45 : i32
      %add3A_47 = arith.addi %mul3A_7, %mul3A_46 : i32
      "tpu.region"() ({
        %run_scoped3A_48 = tpu.sem_alloc : memref<!tpu.dma_semaphore, #tpu.memory_space<semaphore_mem>>
        %dma_start3A_49 = arith.constant 0 : i32
        %dma_start3A_50 = tpu.memref_slice %arg13[%add3A_47, %dma_start3A_49] : memref<10240x128xf32, #tpu.memory_space<vmem_shared>> -> memref<32x128xf32, #tpu.memory_space<vmem_shared>>
        %dma_start3A_51 = arith.constant 0 : i32
        %dma_start3A_52 = tpu.memref_slice %arg13[%add3A_47, %dma_start3A_51] : memref<10240x128xf32, #tpu.memory_space<vmem_shared>> -> memref<32x128xf32, #tpu.memory_space<vmem_shared>>
        tpu.enqueue_dma source(%arg12 : memref<32x128xf32, #tpu.memory_space<vmem>>) target(%dma_start3A_52 : memref<32x128xf32, #tpu.memory_space<vmem_shared>>) target_semaphore(%run_scoped3A_48 : memref<!tpu.dma_semaphore, #tpu.memory_space<semaphore_mem>>)
        %dma_wait3A_53 = arith.constant 0 : i32
        %dma_wait3A_54 = tpu.memref_slice %arg13[%add3A_47, %dma_wait3A_53] : memref<10240x128xf32, #tpu.memory_space<vmem_shared>> -> memref<32x128xf32, #tpu.memory_space<vmem_shared>>
        %dma_wait3A_55 = arith.constant 0 : i32
        %dma_wait3A_56 = tpu.memref_slice %arg13[%add3A_47, %dma_wait3A_55] : memref<10240x128xf32, #tpu.memory_space<vmem_shared>> -> memref<32x128xf32, #tpu.memory_space<vmem_shared>>
        tpu.wait_dma2 semaphore(%run_scoped3A_48 : memref<!tpu.dma_semaphore, #tpu.memory_space<semaphore_mem>>) src(%arg12 : memref<32x128xf32, #tpu.memory_space<vmem>>) dst(%dma_wait3A_56 : memref<32x128xf32, #tpu.memory_space<vmem_shared>>)
        tpu.yield
      }) : () -> ()
    }
    %scan3A_12 = arith.constant 20 : i32
    %barrier3A = arith.constant 0 : index
    tpu.barrier barrier_id(%barrier3A)
    %run_scoped3A = arith.constant 0 : i32
    "tpu.region"() ({
      %run_scoped3A_40 = tpu.sem_alloc : memref<!tpu.dma_semaphore, #tpu.memory_space<semaphore_mem>>
      %dma_start3A_41 = arith.constant 0 : i32
      %dma_start3A_42 = tpu.memref_slice %arg3[%add3A, %run_scoped3A, %dma_start3A_41] : memref<32x79x128xi32, #tpu.memory_space<hbm>> -> memref<1x1x128xi32, #tpu.memory_space<hbm>>
      %dma_start3A_43 = tpu.memref_squeeze %dma_start3A_42 : memref<1x1x128xi32, #tpu.memory_space<hbm>> -> memref<128xi32, #tpu.memory_space<hbm>>
      %dma_start3A_44 = arith.constant 0 : i32
      %dma_start3A_45 = tpu.memref_slice %arg3[%add3A, %run_scoped3A, %dma_start3A_44] : memref<32x79x128xi32, #tpu.memory_space<hbm>> -> memref<1x1x128xi32, #tpu.memory_space<hbm>>
      %dma_start3A_46 = tpu.memref_squeeze %dma_start3A_45 : memref<1x1x128xi32, #tpu.memory_space<hbm>> -> memref<128xi32, #tpu.memory_space<hbm>>
      tpu.enqueue_dma source(%dma_start3A_46 : memref<128xi32, #tpu.memory_space<hbm>>) target(%arg6 : memref<128xi32, #tpu.memory_space<vmem>>) target_semaphore(%run_scoped3A_40 : memref<!tpu.dma_semaphore, #tpu.memory_space<semaphore_mem>>)
      %dma_wait3A_47 = arith.constant 0 : i32
      %dma_wait3A_48 = tpu.memref_slice %arg3[%add3A, %run_scoped3A, %dma_wait3A_47] : memref<32x79x128xi32, #tpu.memory_space<hbm>> -> memref<1x1x128xi32, #tpu.memory_space<hbm>>
      %dma_wait3A_49 = tpu.memref_squeeze %dma_wait3A_48 : memref<1x1x128xi32, #tpu.memory_space<hbm>> -> memref<128xi32, #tpu.memory_space<hbm>>
      %dma_wait3A_50 = arith.constant 0 : i32
      %dma_wait3A_51 = tpu.memref_slice %arg3[%add3A, %run_scoped3A, %dma_wait3A_50] : memref<32x79x128xi32, #tpu.memory_space<hbm>> -> memref<1x1x128xi32, #tpu.memory_space<hbm>>
      %dma_wait3A_52 = tpu.memref_squeeze %dma_wait3A_51 : memref<1x1x128xi32, #tpu.memory_space<hbm>> -> memref<128xi32, #tpu.memory_space<hbm>>
      tpu.wait_dma2 semaphore(%run_scoped3A_40 : memref<!tpu.dma_semaphore, #tpu.memory_space<semaphore_mem>>) src(%dma_wait3A_52 : memref<128xi32, #tpu.memory_space<hbm>>) dst(%arg6 : memref<128xi32, #tpu.memory_space<vmem>>)
      tpu.yield
    }) : () -> ()
    %run_scoped3A_13 = arith.constant 0 : i32
    "tpu.region"() ({
      %run_scoped3A_40 = tpu.sem_alloc : memref<!tpu.dma_semaphore, #tpu.memory_space<semaphore_mem>>
      %dma_start3A_41 = arith.constant 0 : i32
      %dma_start3A_42 = tpu.memref_slice %arg4[%add3A, %run_scoped3A_13, %dma_start3A_41] : memref<32x79x128xi32, #tpu.memory_space<hbm>> -> memref<1x1x128xi32, #tpu.memory_space<hbm>>
      %dma_start3A_43 = tpu.memref_squeeze %dma_start3A_42 : memref<1x1x128xi32, #tpu.memory_space<hbm>> -> memref<128xi32, #tpu.memory_space<hbm>>
      %dma_start3A_44 = arith.constant 0 : i32
      %dma_start3A_45 = tpu.memref_slice %arg4[%add3A, %run_scoped3A_13, %dma_start3A_44] : memref<32x79x128xi32, #tpu.memory_space<hbm>> -> memref<1x1x128xi32, #tpu.memory_space<hbm>>
      %dma_start3A_46 = tpu.memref_squeeze %dma_start3A_45 : memref<1x1x128xi32, #tpu.memory_space<hbm>> -> memref<128xi32, #tpu.memory_space<hbm>>
      tpu.enqueue_dma source(%dma_start3A_46 : memref<128xi32, #tpu.memory_space<hbm>>) target(%arg8 : memref<128xi32, #tpu.memory_space<vmem>>) target_semaphore(%run_scoped3A_40 : memref<!tpu.dma_semaphore, #tpu.memory_space<semaphore_mem>>)
      %dma_wait3A_47 = arith.constant 0 : i32
      %dma_wait3A_48 = tpu.memref_slice %arg4[%add3A, %run_scoped3A_13, %dma_wait3A_47] : memref<32x79x128xi32, #tpu.memory_space<hbm>> -> memref<1x1x128xi32, #tpu.memory_space<hbm>>
      %dma_wait3A_49 = tpu.memref_squeeze %dma_wait3A_48 : memref<1x1x128xi32, #tpu.memory_space<hbm>> -> memref<128xi32, #tpu.memory_space<hbm>>
      %dma_wait3A_50 = arith.constant 0 : i32
      %dma_wait3A_51 = tpu.memref_slice %arg4[%add3A, %run_scoped3A_13, %dma_wait3A_50] : memref<32x79x128xi32, #tpu.memory_space<hbm>> -> memref<1x1x128xi32, #tpu.memory_space<hbm>>
      %dma_wait3A_52 = tpu.memref_squeeze %dma_wait3A_51 : memref<1x1x128xi32, #tpu.memory_space<hbm>> -> memref<128xi32, #tpu.memory_space<hbm>>
      tpu.wait_dma2 semaphore(%run_scoped3A_40 : memref<!tpu.dma_semaphore, #tpu.memory_space<semaphore_mem>>) src(%dma_wait3A_52 : memref<128xi32, #tpu.memory_space<hbm>>) dst(%arg8 : memref<128xi32, #tpu.memory_space<vmem>>)
      tpu.yield
    }) : () -> ()
    %dma_start3A = arith.constant 0 : i32
    %dma_start3A_14 = arith.constant 0 : i32
    %dma_start3A_15 = tpu.memref_slice %arg2[%dma_start3A, %dma_start3A_14] : memref<10240x128xf32, #tpu.memory_space<hbm>> -> memref<10240x128xf32, #tpu.memory_space<hbm>>
    tpu.enqueue_indirect_dma source(%dma_start3A_15 : memref<10240x128xf32, #tpu.memory_space<hbm>>) target(%arg10 : memref<128x128xf32, #tpu.memory_space<vmem>>) offsets(%arg6 : memref<128xi32, #tpu.memory_space<vmem>>) semaphore(%arg14 : memref<!tpu.dma_semaphore, #tpu.memory_space<semaphore_mem>>)
    %run_scoped3A_16 = arith.constant 1 : i32
    "tpu.region"() ({
      %run_scoped3A_40 = tpu.sem_alloc : memref<!tpu.dma_semaphore, #tpu.memory_space<semaphore_mem>>
      %dma_start3A_41 = arith.constant 0 : i32
      %dma_start3A_42 = tpu.memref_slice %arg3[%add3A, %run_scoped3A_16, %dma_start3A_41] : memref<32x79x128xi32, #tpu.memory_space<hbm>> -> memref<1x1x128xi32, #tpu.memory_space<hbm>>
      %dma_start3A_43 = tpu.memref_squeeze %dma_start3A_42 : memref<1x1x128xi32, #tpu.memory_space<hbm>> -> memref<128xi32, #tpu.memory_space<hbm>>
      %dma_start3A_44 = arith.constant 0 : i32
      %dma_start3A_45 = tpu.memref_slice %arg3[%add3A, %run_scoped3A_16, %dma_start3A_44] : memref<32x79x128xi32, #tpu.memory_space<hbm>> -> memref<1x1x128xi32, #tpu.memory_space<hbm>>
      %dma_start3A_46 = tpu.memref_squeeze %dma_start3A_45 : memref<1x1x128xi32, #tpu.memory_space<hbm>> -> memref<128xi32, #tpu.memory_space<hbm>>
      tpu.enqueue_dma source(%dma_start3A_46 : memref<128xi32, #tpu.memory_space<hbm>>) target(%arg7 : memref<128xi32, #tpu.memory_space<vmem>>) target_semaphore(%run_scoped3A_40 : memref<!tpu.dma_semaphore, #tpu.memory_space<semaphore_mem>>)
      %dma_wait3A_47 = arith.constant 0 : i32
      %dma_wait3A_48 = tpu.memref_slice %arg3[%add3A, %run_scoped3A_16, %dma_wait3A_47] : memref<32x79x128xi32, #tpu.memory_space<hbm>> -> memref<1x1x128xi32, #tpu.memory_space<hbm>>
      %dma_wait3A_49 = tpu.memref_squeeze %dma_wait3A_48 : memref<1x1x128xi32, #tpu.memory_space<hbm>> -> memref<128xi32, #tpu.memory_space<hbm>>
      %dma_wait3A_50 = arith.constant 0 : i32
      %dma_wait3A_51 = tpu.memref_slice %arg3[%add3A, %run_scoped3A_16, %dma_wait3A_50] : memref<32x79x128xi32, #tpu.memory_space<hbm>> -> memref<1x1x128xi32, #tpu.memory_space<hbm>>
      %dma_wait3A_52 = tpu.memref_squeeze %dma_wait3A_51 : memref<1x1x128xi32, #tpu.memory_space<hbm>> -> memref<128xi32, #tpu.memory_space<hbm>>
      tpu.wait_dma2 semaphore(%run_scoped3A_40 : memref<!tpu.dma_semaphore, #tpu.memory_space<semaphore_mem>>) src(%dma_wait3A_52 : memref<128xi32, #tpu.memory_space<hbm>>) dst(%arg7 : memref<128xi32, #tpu.memory_space<vmem>>)
      tpu.yield
    }) : () -> ()
    %run_scoped3A_17 = arith.constant 1 : i32
    "tpu.region"() ({
      %run_scoped3A_40 = tpu.sem_alloc : memref<!tpu.dma_semaphore, #tpu.memory_space<semaphore_mem>>
      %dma_start3A_41 = arith.constant 0 : i32
      %dma_start3A_42 = tpu.memref_slice %arg4[%add3A, %run_scoped3A_17, %dma_start3A_41] : memref<32x79x128xi32, #tpu.memory_space<hbm>> -> memref<1x1x128xi32, #tpu.memory_space<hbm>>
      %dma_start3A_43 = tpu.memref_squeeze %dma_start3A_42 : memref<1x1x128xi32, #tpu.memory_space<hbm>> -> memref<128xi32, #tpu.memory_space<hbm>>
      %dma_start3A_44 = arith.constant 0 : i32
      %dma_start3A_45 = tpu.memref_slice %arg4[%add3A, %run_scoped3A_17, %dma_start3A_44] : memref<32x79x128xi32, #tpu.memory_space<hbm>> -> memref<1x1x128xi32, #tpu.memory_space<hbm>>
      %dma_start3A_46 = tpu.memref_squeeze %dma_start3A_45 : memref<1x1x128xi32, #tpu.memory_space<hbm>> -> memref<128xi32, #tpu.memory_space<hbm>>
      tpu.enqueue_dma source(%dma_start3A_46 : memref<128xi32, #tpu.memory_space<hbm>>) target(%arg9 : memref<128xi32, #tpu.memory_space<vmem>>) target_semaphore(%run_scoped3A_40 : memref<!tpu.dma_semaphore, #tpu.memory_space<semaphore_mem>>)
      %dma_wait3A_47 = arith.constant 0 : i32
      %dma_wait3A_48 = tpu.memref_slice %arg4[%add3A, %run_scoped3A_17, %dma_wait3A_47] : memref<32x79x128xi32, #tpu.memory_space<hbm>> -> memref<1x1x128xi32, #tpu.memory_space<hbm>>
      %dma_wait3A_49 = tpu.memref_squeeze %dma_wait3A_48 : memref<1x1x128xi32, #tpu.memory_space<hbm>> -> memref<128xi32, #tpu.memory_space<hbm>>
      %dma_wait3A_50 = arith.constant 0 : i32
      %dma_wait3A_51 = tpu.memref_slice %arg4[%add3A, %run_scoped3A_17, %dma_wait3A_50] : memref<32x79x128xi32, #tpu.memory_space<hbm>> -> memref<1x1x128xi32, #tpu.memory_space<hbm>>
      %dma_wait3A_52 = tpu.memref_squeeze %dma_wait3A_51 : memref<1x1x128xi32, #tpu.memory_space<hbm>> -> memref<128xi32, #tpu.memory_space<hbm>>
      tpu.wait_dma2 semaphore(%run_scoped3A_40 : memref<!tpu.dma_semaphore, #tpu.memory_space<semaphore_mem>>) src(%dma_wait3A_52 : memref<128xi32, #tpu.memory_space<hbm>>) dst(%arg9 : memref<128xi32, #tpu.memory_space<vmem>>)
      tpu.yield
    }) : () -> ()
    %dma_start3A_18 = arith.constant 0 : i32
    %dma_start3A_19 = arith.constant 0 : i32
    %dma_start3A_20 = tpu.memref_slice %arg2[%dma_start3A_18, %dma_start3A_19] : memref<10240x128xf32, #tpu.memory_space<hbm>> -> memref<10240x128xf32, #tpu.memory_space<hbm>>
    tpu.enqueue_indirect_dma source(%dma_start3A_20 : memref<10240x128xf32, #tpu.memory_space<hbm>>) target(%arg11 : memref<128x128xf32, #tpu.memory_space<vmem>>) offsets(%arg7 : memref<128xi32, #tpu.memory_space<vmem>>) semaphore(%arg15 : memref<!tpu.dma_semaphore, #tpu.memory_space<semaphore_mem>>)
    %scan3A_21 = arith.constant 0 : i32
    %scan3A_22 = arith.constant 38 : i32
    %scan3A_23 = arith.addi %scan3A_21, %scan3A_22 : i32
    %scan3A_24 = arith.constant 1 : i32
    scf.for %scan3A_40 = %scan3A_21 to %scan3A_23 step %scan3A_24  : i32 {
      %mul3A_41 = arith.constant 1 : i32
      %mul3A_42 = arith.muli %scan3A_40, %mul3A_41 : i32
      %add3A_43 = arith.constant 0 : i32
      %add3A_44 = arith.addi %add3A_43, %mul3A_42 : i32
      %mul3A_45 = arith.constant 2 : i32
      %mul3A_46 = arith.muli %add3A_44, %mul3A_45 : i32
      %add3A_47 = arith.constant 0 : i32
      %add3A_48 = arith.addi %mul3A_46, %add3A_47 : i32
      %add3A_49 = arith.constant 2 : i32
      %add3A_50 = arith.addi %add3A_48, %add3A_49 : i32
      %dma_wait3A_51 = arith.constant 0 : i32
      %dma_wait3A_52 = arith.constant 0 : i32
      %dma_wait3A_53 = tpu.memref_slice %arg2[%dma_wait3A_51, %dma_wait3A_52] : memref<10240x128xf32, #tpu.memory_space<hbm>> -> memref<10240x128xf32, #tpu.memory_space<hbm>>
      tpu.wait_indirect_dma semaphore(%arg14 : memref<!tpu.dma_semaphore, #tpu.memory_space<semaphore_mem>>) src(%dma_wait3A_53 : memref<10240x128xf32, #tpu.memory_space<hbm>>) dst(%arg10 : memref<128x128xf32, #tpu.memory_space<vmem>>)
      "tpu.region"() ({
        %run_scoped3A_69 = tpu.sem_alloc : memref<!tpu.dma_semaphore, #tpu.memory_space<semaphore_mem>>
        %dma_start3A_70 = arith.constant 0 : i32
        %dma_start3A_71 = arith.constant 0 : i32
        %dma_start3A_72 = tpu.memref_slice %arg13[%dma_start3A_70, %dma_start3A_71] : memref<10240x128xf32, #tpu.memory_space<vmem_shared>> -> memref<10240x128xf32, #tpu.memory_space<vmem_shared>>
        tpu.enqueue_indirect_dma source(%arg10 : memref<128x128xf32, #tpu.memory_space<vmem>>) target(%dma_start3A_72 : memref<10240x128xf32, #tpu.memory_space<vmem_shared>>) offsets(%arg8 : memref<128xi32, #tpu.memory_space<vmem>>) semaphore(%run_scoped3A_69 : memref<!tpu.dma_semaphore, #tpu.memory_space<semaphore_mem>>) {add = true}
        %dma_wait3A_73 = arith.constant 0 : i32
        %dma_wait3A_74 = arith.constant 0 : i32
        %dma_wait3A_75 = tpu.memref_slice %arg13[%dma_wait3A_73, %dma_wait3A_74] : memref<10240x128xf32, #tpu.memory_space<vmem_shared>> -> memref<10240x128xf32, #tpu.memory_space<vmem_shared>>
        tpu.wait_indirect_dma semaphore(%run_scoped3A_69 : memref<!tpu.dma_semaphore, #tpu.memory_space<semaphore_mem>>) src(%arg10 : memref<128x128xf32, #tpu.memory_space<vmem>>) dst(%dma_wait3A_75 : memref<10240x128xf32, #tpu.memory_space<vmem_shared>>)
        tpu.yield
      }) : () -> ()
      "tpu.region"() ({
        %run_scoped3A_69 = tpu.sem_alloc : memref<!tpu.dma_semaphore, #tpu.memory_space<semaphore_mem>>
        %dma_start3A_70 = arith.constant 0 : i32
        %dma_start3A_71 = tpu.memref_slice %arg3[%add3A, %add3A_50, %dma_start3A_70] : memref<32x79x128xi32, #tpu.memory_space<hbm>> -> memref<1x1x128xi32, #tpu.memory_space<hbm>>
        %dma_start3A_72 = tpu.memref_squeeze %dma_start3A_71 : memref<1x1x128xi32, #tpu.memory_space<hbm>> -> memref<128xi32, #tpu.memory_space<hbm>>
        %dma_start3A_73 = arith.constant 0 : i32
        %dma_start3A_74 = tpu.memref_slice %arg3[%add3A, %add3A_50, %dma_start3A_73] : memref<32x79x128xi32, #tpu.memory_space<hbm>> -> memref<1x1x128xi32, #tpu.memory_space<hbm>>
        %dma_start3A_75 = tpu.memref_squeeze %dma_start3A_74 : memref<1x1x128xi32, #tpu.memory_space<hbm>> -> memref<128xi32, #tpu.memory_space<hbm>>
        tpu.enqueue_dma source(%dma_start3A_75 : memref<128xi32, #tpu.memory_space<hbm>>) target(%arg6 : memref<128xi32, #tpu.memory_space<vmem>>) target_semaphore(%run_scoped3A_69 : memref<!tpu.dma_semaphore, #tpu.memory_space<semaphore_mem>>)
        %dma_wait3A_76 = arith.constant 0 : i32
        %dma_wait3A_77 = tpu.memref_slice %arg3[%add3A, %add3A_50, %dma_wait3A_76] : memref<32x79x128xi32, #tpu.memory_space<hbm>> -> memref<1x1x128xi32, #tpu.memory_space<hbm>>
        %dma_wait3A_78 = tpu.memref_squeeze %dma_wait3A_77 : memref<1x1x128xi32, #tpu.memory_space<hbm>> -> memref<128xi32, #tpu.memory_space<hbm>>
        %dma_wait3A_79 = arith.constant 0 : i32
        %dma_wait3A_80 = tpu.memref_slice %arg3[%add3A, %add3A_50, %dma_wait3A_79] : memref<32x79x128xi32, #tpu.memory_space<hbm>> -> memref<1x1x128xi32, #tpu.memory_space<hbm>>
        %dma_wait3A_81 = tpu.memref_squeeze %dma_wait3A_80 : memref<1x1x128xi32, #tpu.memory_space<hbm>> -> memref<128xi32, #tpu.memory_space<hbm>>
        tpu.wait_dma2 semaphore(%run_scoped3A_69 : memref<!tpu.dma_semaphore, #tpu.memory_space<semaphore_mem>>) src(%dma_wait3A_81 : memref<128xi32, #tpu.memory_space<hbm>>) dst(%arg6 : memref<128xi32, #tpu.memory_space<vmem>>)
        tpu.yield
      }) : () -> ()
      "tpu.region"() ({
        %run_scoped3A_69 = tpu.sem_alloc : memref<!tpu.dma_semaphore, #tpu.memory_space<semaphore_mem>>
        %dma_start3A_70 = arith.constant 0 : i32
        %dma_start3A_71 = tpu.memref_slice %arg4[%add3A, %add3A_50, %dma_start3A_70] : memref<32x79x128xi32, #tpu.memory_space<hbm>> -> memref<1x1x128xi32, #tpu.memory_space<hbm>>
        %dma_start3A_72 = tpu.memref_squeeze %dma_start3A_71 : memref<1x1x128xi32, #tpu.memory_space<hbm>> -> memref<128xi32, #tpu.memory_space<hbm>>
        %dma_start3A_73 = arith.constant 0 : i32
        %dma_start3A_74 = tpu.memref_slice %arg4[%add3A, %add3A_50, %dma_start3A_73] : memref<32x79x128xi32, #tpu.memory_space<hbm>> -> memref<1x1x128xi32, #tpu.memory_space<hbm>>
        %dma_start3A_75 = tpu.memref_squeeze %dma_start3A_74 : memref<1x1x128xi32, #tpu.memory_space<hbm>> -> memref<128xi32, #tpu.memory_space<hbm>>
        tpu.enqueue_dma source(%dma_start3A_75 : memref<128xi32, #tpu.memory_space<hbm>>) target(%arg8 : memref<128xi32, #tpu.memory_space<vmem>>) target_semaphore(%run_scoped3A_69 : memref<!tpu.dma_semaphore, #tpu.memory_space<semaphore_mem>>)
        %dma_wait3A_76 = arith.constant 0 : i32
        %dma_wait3A_77 = tpu.memref_slice %arg4[%add3A, %add3A_50, %dma_wait3A_76] : memref<32x79x128xi32, #tpu.memory_space<hbm>> -> memref<1x1x128xi32, #tpu.memory_space<hbm>>
        %dma_wait3A_78 = tpu.memref_squeeze %dma_wait3A_77 : memref<1x1x128xi32, #tpu.memory_space<hbm>> -> memref<128xi32, #tpu.memory_space<hbm>>
        %dma_wait3A_79 = arith.constant 0 : i32
        %dma_wait3A_80 = tpu.memref_slice %arg4[%add3A, %add3A_50, %dma_wait3A_79] : memref<32x79x128xi32, #tpu.memory_space<hbm>> -> memref<1x1x128xi32, #tpu.memory_space<hbm>>
        %dma_wait3A_81 = tpu.memref_squeeze %dma_wait3A_80 : memref<1x1x128xi32, #tpu.memory_space<hbm>> -> memref<128xi32, #tpu.memory_space<hbm>>
        tpu.wait_dma2 semaphore(%run_scoped3A_69 : memref<!tpu.dma_semaphore, #tpu.memory_space<semaphore_mem>>) src(%dma_wait3A_81 : memref<128xi32, #tpu.memory_space<hbm>>) dst(%arg8 : memref<128xi32, #tpu.memory_space<vmem>>)
        tpu.yield
      }) : () -> ()
      %dma_start3A_54 = arith.constant 0 : i32
      %dma_start3A_55 = arith.constant 0 : i32
      %dma_start3A_56 = tpu.memref_slice %arg2[%dma_start3A_54, %dma_start3A_55] : memref<10240x128xf32, #tpu.memory_space<hbm>> -> memref<10240x128xf32, #tpu.memory_space<hbm>>
      tpu.enqueue_indirect_dma source(%dma_start3A_56 : memref<10240x128xf32, #tpu.memory_space<hbm>>) target(%arg10 : memref<128x128xf32, #tpu.memory_space<vmem>>) offsets(%arg6 : memref<128xi32, #tpu.memory_space<vmem>>) semaphore(%arg14 : memref<!tpu.dma_semaphore, #tpu.memory_space<semaphore_mem>>)
      %mul3A_57 = arith.constant 2 : i32
      %mul3A_58 = arith.muli %add3A_44, %mul3A_57 : i32
      %add3A_59 = arith.constant 1 : i32
      %add3A_60 = arith.addi %mul3A_58, %add3A_59 : i32
      %add3A_61 = arith.constant 2 : i32
      %add3A_62 = arith.addi %add3A_60, %add3A_61 : i32
      %dma_wait3A_63 = arith.constant 0 : i32
      %dma_wait3A_64 = arith.constant 0 : i32
      %dma_wait3A_65 = tpu.memref_slice %arg2[%dma_wait3A_63, %dma_wait3A_64] : memref<10240x128xf32, #tpu.memory_space<hbm>> -> memref<10240x128xf32, #tpu.memory_space<hbm>>
      tpu.wait_indirect_dma semaphore(%arg15 : memref<!tpu.dma_semaphore, #tpu.memory_space<semaphore_mem>>) src(%dma_wait3A_65 : memref<10240x128xf32, #tpu.memory_space<hbm>>) dst(%arg11 : memref<128x128xf32, #tpu.memory_space<vmem>>)
      "tpu.region"() ({
        %run_scoped3A_69 = tpu.sem_alloc : memref<!tpu.dma_semaphore, #tpu.memory_space<semaphore_mem>>
        %dma_start3A_70 = arith.constant 0 : i32
        %dma_start3A_71 = arith.constant 0 : i32
        %dma_start3A_72 = tpu.memref_slice %arg13[%dma_start3A_70, %dma_start3A_71] : memref<10240x128xf32, #tpu.memory_space<vmem_shared>> -> memref<10240x128xf32, #tpu.memory_space<vmem_shared>>
        tpu.enqueue_indirect_dma source(%arg11 : memref<128x128xf32, #tpu.memory_space<vmem>>) target(%dma_start3A_72 : memref<10240x128xf32, #tpu.memory_space<vmem_shared>>) offsets(%arg9 : memref<128xi32, #tpu.memory_space<vmem>>) semaphore(%run_scoped3A_69 : memref<!tpu.dma_semaphore, #tpu.memory_space<semaphore_mem>>) {add = true}
        %dma_wait3A_73 = arith.constant 0 : i32
        %dma_wait3A_74 = arith.constant 0 : i32
        %dma_wait3A_75 = tpu.memref_slice %arg13[%dma_wait3A_73, %dma_wait3A_74] : memref<10240x128xf32, #tpu.memory_space<vmem_shared>> -> memref<10240x128xf32, #tpu.memory_space<vmem_shared>>
        tpu.wait_indirect_dma semaphore(%run_scoped3A_69 : memref<!tpu.dma_semaphore, #tpu.memory_space<semaphore_mem>>) src(%arg11 : memref<128x128xf32, #tpu.memory_space<vmem>>) dst(%dma_wait3A_75 : memref<10240x128xf32, #tpu.memory_space<vmem_shared>>)
        tpu.yield
      }) : () -> ()
      "tpu.region"() ({
        %run_scoped3A_69 = tpu.sem_alloc : memref<!tpu.dma_semaphore, #tpu.memory_space<semaphore_mem>>
        %dma_start3A_70 = arith.constant 0 : i32
        %dma_start3A_71 = tpu.memref_slice %arg3[%add3A, %add3A_62, %dma_start3A_70] : memref<32x79x128xi32, #tpu.memory_space<hbm>> -> memref<1x1x128xi32, #tpu.memory_space<hbm>>
        %dma_start3A_72 = tpu.memref_squeeze %dma_start3A_71 : memref<1x1x128xi32, #tpu.memory_space<hbm>> -> memref<128xi32, #tpu.memory_space<hbm>>
        %dma_start3A_73 = arith.constant 0 : i32
        %dma_start3A_74 = tpu.memref_slice %arg3[%add3A, %add3A_62, %dma_start3A_73] : memref<32x79x128xi32, #tpu.memory_space<hbm>> -> memref<1x1x128xi32, #tpu.memory_space<hbm>>
        %dma_start3A_75 = tpu.memref_squeeze %dma_start3A_74 : memref<1x1x128xi32, #tpu.memory_space<hbm>> -> memref<128xi32, #tpu.memory_space<hbm>>
        tpu.enqueue_dma source(%dma_start3A_75 : memref<128xi32, #tpu.memory_space<hbm>>) target(%arg7 : memref<128xi32, #tpu.memory_space<vmem>>) target_semaphore(%run_scoped3A_69 : memref<!tpu.dma_semaphore, #tpu.memory_space<semaphore_mem>>)
        %dma_wait3A_76 = arith.constant 0 : i32
        %dma_wait3A_77 = tpu.memref_slice %arg3[%add3A, %add3A_62, %dma_wait3A_76] : memref<32x79x128xi32, #tpu.memory_space<hbm>> -> memref<1x1x128xi32, #tpu.memory_space<hbm>>
        %dma_wait3A_78 = tpu.memref_squeeze %dma_wait3A_77 : memref<1x1x128xi32, #tpu.memory_space<hbm>> -> memref<128xi32, #tpu.memory_space<hbm>>
        %dma_wait3A_79 = arith.constant 0 : i32
        %dma_wait3A_80 = tpu.memref_slice %arg3[%add3A, %add3A_62, %dma_wait3A_79] : memref<32x79x128xi32, #tpu.memory_space<hbm>> -> memref<1x1x128xi32, #tpu.memory_space<hbm>>
        %dma_wait3A_81 = tpu.memref_squeeze %dma_wait3A_80 : memref<1x1x128xi32, #tpu.memory_space<hbm>> -> memref<128xi32, #tpu.memory_space<hbm>>
        tpu.wait_dma2 semaphore(%run_scoped3A_69 : memref<!tpu.dma_semaphore, #tpu.memory_space<semaphore_mem>>) src(%dma_wait3A_81 : memref<128xi32, #tpu.memory_space<hbm>>) dst(%arg7 : memref<128xi32, #tpu.memory_space<vmem>>)
        tpu.yield
      }) : () -> ()
      "tpu.region"() ({
        %run_scoped3A_69 = tpu.sem_alloc : memref<!tpu.dma_semaphore, #tpu.memory_space<semaphore_mem>>
        %dma_start3A_70 = arith.constant 0 : i32
        %dma_start3A_71 = tpu.memref_slice %arg4[%add3A, %add3A_62, %dma_start3A_70] : memref<32x79x128xi32, #tpu.memory_space<hbm>> -> memref<1x1x128xi32, #tpu.memory_space<hbm>>
        %dma_start3A_72 = tpu.memref_squeeze %dma_start3A_71 : memref<1x1x128xi32, #tpu.memory_space<hbm>> -> memref<128xi32, #tpu.memory_space<hbm>>
        %dma_start3A_73 = arith.constant 0 : i32
        %dma_start3A_74 = tpu.memref_slice %arg4[%add3A, %add3A_62, %dma_start3A_73] : memref<32x79x128xi32, #tpu.memory_space<hbm>> -> memref<1x1x128xi32, #tpu.memory_space<hbm>>
        %dma_start3A_75 = tpu.memref_squeeze %dma_start3A_74 : memref<1x1x128xi32, #tpu.memory_space<hbm>> -> memref<128xi32, #tpu.memory_space<hbm>>
        tpu.enqueue_dma source(%dma_start3A_75 : memref<128xi32, #tpu.memory_space<hbm>>) target(%arg9 : memref<128xi32, #tpu.memory_space<vmem>>) target_semaphore(%run_scoped3A_69 : memref<!tpu.dma_semaphore, #tpu.memory_space<semaphore_mem>>)
        %dma_wait3A_76 = arith.constant 0 : i32
        %dma_wait3A_77 = tpu.memref_slice %arg4[%add3A, %add3A_62, %dma_wait3A_76] : memref<32x79x128xi32, #tpu.memory_space<hbm>> -> memref<1x1x128xi32, #tpu.memory_space<hbm>>
        %dma_wait3A_78 = tpu.memref_squeeze %dma_wait3A_77 : memref<1x1x128xi32, #tpu.memory_space<hbm>> -> memref<128xi32, #tpu.memory_space<hbm>>
        %dma_wait3A_79 = arith.constant 0 : i32
        %dma_wait3A_80 = tpu.memref_slice %arg4[%add3A, %add3A_62, %dma_wait3A_79] : memref<32x79x128xi32, #tpu.memory_space<hbm>> -> memref<1x1x128xi32, #tpu.memory_space<hbm>>
        %dma_wait3A_81 = tpu.memref_squeeze %dma_wait3A_80 : memref<1x1x128xi32, #tpu.memory_space<hbm>> -> memref<128xi32, #tpu.memory_space<hbm>>
        tpu.wait_dma2 semaphore(%run_scoped3A_69 : memref<!tpu.dma_semaphore, #tpu.memory_space<semaphore_mem>>) src(%dma_wait3A_81 : memref<128xi32, #tpu.memory_space<hbm>>) dst(%arg9 : memref<128xi32, #tpu.memory_space<vmem>>)
        tpu.yield
      }) : () -> ()
      %dma_start3A_66 = arith.constant 0 : i32
      %dma_start3A_67 = arith.constant 0 : i32
      %dma_start3A_68 = tpu.memref_slice %arg2[%dma_start3A_66, %dma_start3A_67] : memref<10240x128xf32, #tpu.memory_space<hbm>> -> memref<10240x128xf32, #tpu.memory_space<hbm>>
      tpu.enqueue_indirect_dma source(%dma_start3A_68 : memref<10240x128xf32, #tpu.memory_space<hbm>>) target(%arg11 : memref<128x128xf32, #tpu.memory_space<vmem>>) offsets(%arg7 : memref<128xi32, #tpu.memory_space<vmem>>) semaphore(%arg15 : memref<!tpu.dma_semaphore, #tpu.memory_space<semaphore_mem>>)
    }
    %scan3A_25 = arith.constant 38 : i32
    %dma_wait3A = arith.constant 0 : i32
    %dma_wait3A_26 = arith.constant 0 : i32
    %dma_wait3A_27 = tpu.memref_slice %arg2[%dma_wait3A, %dma_wait3A_26] : memref<10240x128xf32, #tpu.memory_space<hbm>> -> memref<10240x128xf32, #tpu.memory_space<hbm>>
    tpu.wait_indirect_dma semaphore(%arg14 : memref<!tpu.dma_semaphore, #tpu.memory_space<semaphore_mem>>) src(%dma_wait3A_27 : memref<10240x128xf32, #tpu.memory_space<hbm>>) dst(%arg10 : memref<128x128xf32, #tpu.memory_space<vmem>>)
    "tpu.region"() ({
      %run_scoped3A_40 = tpu.sem_alloc : memref<!tpu.dma_semaphore, #tpu.memory_space<semaphore_mem>>
      %dma_start3A_41 = arith.constant 0 : i32
      %dma_start3A_42 = arith.constant 0 : i32
      %dma_start3A_43 = tpu.memref_slice %arg13[%dma_start3A_41, %dma_start3A_42] : memref<10240x128xf32, #tpu.memory_space<vmem_shared>> -> memref<10240x128xf32, #tpu.memory_space<vmem_shared>>
      tpu.enqueue_indirect_dma source(%arg10 : memref<128x128xf32, #tpu.memory_space<vmem>>) target(%dma_start3A_43 : memref<10240x128xf32, #tpu.memory_space<vmem_shared>>) offsets(%arg8 : memref<128xi32, #tpu.memory_space<vmem>>) semaphore(%run_scoped3A_40 : memref<!tpu.dma_semaphore, #tpu.memory_space<semaphore_mem>>) {add = true}
      %dma_wait3A_44 = arith.constant 0 : i32
      %dma_wait3A_45 = arith.constant 0 : i32
      %dma_wait3A_46 = tpu.memref_slice %arg13[%dma_wait3A_44, %dma_wait3A_45] : memref<10240x128xf32, #tpu.memory_space<vmem_shared>> -> memref<10240x128xf32, #tpu.memory_space<vmem_shared>>
      tpu.wait_indirect_dma semaphore(%run_scoped3A_40 : memref<!tpu.dma_semaphore, #tpu.memory_space<semaphore_mem>>) src(%arg10 : memref<128x128xf32, #tpu.memory_space<vmem>>) dst(%dma_wait3A_46 : memref<10240x128xf32, #tpu.memory_space<vmem_shared>>)
      tpu.yield
    }) : () -> ()
    %dma_wait3A_28 = arith.constant 0 : i32
    %dma_wait3A_29 = arith.constant 0 : i32
    %dma_wait3A_30 = tpu.memref_slice %arg2[%dma_wait3A_28, %dma_wait3A_29] : memref<10240x128xf32, #tpu.memory_space<hbm>> -> memref<10240x128xf32, #tpu.memory_space<hbm>>
    tpu.wait_indirect_dma semaphore(%arg15 : memref<!tpu.dma_semaphore, #tpu.memory_space<semaphore_mem>>) src(%dma_wait3A_30 : memref<10240x128xf32, #tpu.memory_space<hbm>>) dst(%arg11 : memref<128x128xf32, #tpu.memory_space<vmem>>)
    "tpu.region"() ({
      %run_scoped3A_40 = tpu.sem_alloc : memref<!tpu.dma_semaphore, #tpu.memory_space<semaphore_mem>>
      %dma_start3A_41 = arith.constant 0 : i32
      %dma_start3A_42 = arith.constant 0 : i32
      %dma_start3A_43 = tpu.memref_slice %arg13[%dma_start3A_41, %dma_start3A_42] : memref<10240x128xf32, #tpu.memory_space<vmem_shared>> -> memref<10240x128xf32, #tpu.memory_space<vmem_shared>>
      tpu.enqueue_indirect_dma source(%arg11 : memref<128x128xf32, #tpu.memory_space<vmem>>) target(%dma_start3A_43 : memref<10240x128xf32, #tpu.memory_space<vmem_shared>>) offsets(%arg9 : memref<128xi32, #tpu.memory_space<vmem>>) semaphore(%run_scoped3A_40 : memref<!tpu.dma_semaphore, #tpu.memory_space<semaphore_mem>>) {add = true}
      %dma_wait3A_44 = arith.constant 0 : i32
      %dma_wait3A_45 = arith.constant 0 : i32
      %dma_wait3A_46 = tpu.memref_slice %arg13[%dma_wait3A_44, %dma_wait3A_45] : memref<10240x128xf32, #tpu.memory_space<vmem_shared>> -> memref<10240x128xf32, #tpu.memory_space<vmem_shared>>
      tpu.wait_indirect_dma semaphore(%run_scoped3A_40 : memref<!tpu.dma_semaphore, #tpu.memory_space<semaphore_mem>>) src(%arg11 : memref<128x128xf32, #tpu.memory_space<vmem>>) dst(%dma_wait3A_46 : memref<10240x128xf32, #tpu.memory_space<vmem_shared>>)
      tpu.yield
    }) : () -> ()
    %run_scoped3A_31 = arith.constant 78 : i32
    "tpu.region"() ({
      %run_scoped3A_40 = tpu.sem_alloc : memref<!tpu.dma_semaphore, #tpu.memory_space<semaphore_mem>>
      %dma_start3A_41 = arith.constant 0 : i32
      %dma_start3A_42 = tpu.memref_slice %arg3[%add3A, %run_scoped3A_31, %dma_start3A_41] : memref<32x79x128xi32, #tpu.memory_space<hbm>> -> memref<1x1x128xi32, #tpu.memory_space<hbm>>
      %dma_start3A_43 = tpu.memref_squeeze %dma_start3A_42 : memref<1x1x128xi32, #tpu.memory_space<hbm>> -> memref<128xi32, #tpu.memory_space<hbm>>
      %dma_start3A_44 = arith.constant 0 : i32
      %dma_start3A_45 = tpu.memref_slice %arg3[%add3A, %run_scoped3A_31, %dma_start3A_44] : memref<32x79x128xi32, #tpu.memory_space<hbm>> -> memref<1x1x128xi32, #tpu.memory_space<hbm>>
      %dma_start3A_46 = tpu.memref_squeeze %dma_start3A_45 : memref<1x1x128xi32, #tpu.memory_space<hbm>> -> memref<128xi32, #tpu.memory_space<hbm>>
      tpu.enqueue_dma source(%dma_start3A_46 : memref<128xi32, #tpu.memory_space<hbm>>) target(%arg6 : memref<128xi32, #tpu.memory_space<vmem>>) target_semaphore(%run_scoped3A_40 : memref<!tpu.dma_semaphore, #tpu.memory_space<semaphore_mem>>)
      %dma_wait3A_47 = arith.constant 0 : i32
      %dma_wait3A_48 = tpu.memref_slice %arg3[%add3A, %run_scoped3A_31, %dma_wait3A_47] : memref<32x79x128xi32, #tpu.memory_space<hbm>> -> memref<1x1x128xi32, #tpu.memory_space<hbm>>
      %dma_wait3A_49 = tpu.memref_squeeze %dma_wait3A_48 : memref<1x1x128xi32, #tpu.memory_space<hbm>> -> memref<128xi32, #tpu.memory_space<hbm>>
      %dma_wait3A_50 = arith.constant 0 : i32
      %dma_wait3A_51 = tpu.memref_slice %arg3[%add3A, %run_scoped3A_31, %dma_wait3A_50] : memref<32x79x128xi32, #tpu.memory_space<hbm>> -> memref<1x1x128xi32, #tpu.memory_space<hbm>>
      %dma_wait3A_52 = tpu.memref_squeeze %dma_wait3A_51 : memref<1x1x128xi32, #tpu.memory_space<hbm>> -> memref<128xi32, #tpu.memory_space<hbm>>
      tpu.wait_dma2 semaphore(%run_scoped3A_40 : memref<!tpu.dma_semaphore, #tpu.memory_space<semaphore_mem>>) src(%dma_wait3A_52 : memref<128xi32, #tpu.memory_space<hbm>>) dst(%arg6 : memref<128xi32, #tpu.memory_space<vmem>>)
      tpu.yield
    }) : () -> ()
    %run_scoped3A_32 = arith.constant 78 : i32
    "tpu.region"() ({
      %run_scoped3A_40 = tpu.sem_alloc : memref<!tpu.dma_semaphore, #tpu.memory_space<semaphore_mem>>
      %dma_start3A_41 = arith.constant 0 : i32
      %dma_start3A_42 = tpu.memref_slice %arg4[%add3A, %run_scoped3A_32, %dma_start3A_41] : memref<32x79x128xi32, #tpu.memory_space<hbm>> -> memref<1x1x128xi32, #tpu.memory_space<hbm>>
      %dma_start3A_43 = tpu.memref_squeeze %dma_start3A_42 : memref<1x1x128xi32, #tpu.memory_space<hbm>> -> memref<128xi32, #tpu.memory_space<hbm>>
      %dma_start3A_44 = arith.constant 0 : i32
      %dma_start3A_45 = tpu.memref_slice %arg4[%add3A, %run_scoped3A_32, %dma_start3A_44] : memref<32x79x128xi32, #tpu.memory_space<hbm>> -> memref<1x1x128xi32, #tpu.memory_space<hbm>>
      %dma_start3A_46 = tpu.memref_squeeze %dma_start3A_45 : memref<1x1x128xi32, #tpu.memory_space<hbm>> -> memref<128xi32, #tpu.memory_space<hbm>>
      tpu.enqueue_dma source(%dma_start3A_46 : memref<128xi32, #tpu.memory_space<hbm>>) target(%arg8 : memref<128xi32, #tpu.memory_space<vmem>>) target_semaphore(%run_scoped3A_40 : memref<!tpu.dma_semaphore, #tpu.memory_space<semaphore_mem>>)
      %dma_wait3A_47 = arith.constant 0 : i32
      %dma_wait3A_48 = tpu.memref_slice %arg4[%add3A, %run_scoped3A_32, %dma_wait3A_47] : memref<32x79x128xi32, #tpu.memory_space<hbm>> -> memref<1x1x128xi32, #tpu.memory_space<hbm>>
      %dma_wait3A_49 = tpu.memref_squeeze %dma_wait3A_48 : memref<1x1x128xi32, #tpu.memory_space<hbm>> -> memref<128xi32, #tpu.memory_space<hbm>>
      %dma_wait3A_50 = arith.constant 0 : i32
      %dma_wait3A_51 = tpu.memref_slice %arg4[%add3A, %run_scoped3A_32, %dma_wait3A_50] : memref<32x79x128xi32, #tpu.memory_space<hbm>> -> memref<1x1x128xi32, #tpu.memory_space<hbm>>
      %dma_wait3A_52 = tpu.memref_squeeze %dma_wait3A_51 : memref<1x1x128xi32, #tpu.memory_space<hbm>> -> memref<128xi32, #tpu.memory_space<hbm>>
      tpu.wait_dma2 semaphore(%run_scoped3A_40 : memref<!tpu.dma_semaphore, #tpu.memory_space<semaphore_mem>>) src(%dma_wait3A_52 : memref<128xi32, #tpu.memory_space<hbm>>) dst(%arg8 : memref<128xi32, #tpu.memory_space<vmem>>)
      tpu.yield
    }) : () -> ()
    %dma_start3A_33 = arith.constant 0 : i32
    %dma_start3A_34 = arith.constant 0 : i32
    %dma_start3A_35 = tpu.memref_slice %arg2[%dma_start3A_33, %dma_start3A_34] : memref<10240x128xf32, #tpu.memory_space<hbm>> -> memref<10240x128xf32, #tpu.memory_space<hbm>>
    tpu.enqueue_indirect_dma source(%dma_start3A_35 : memref<10240x128xf32, #tpu.memory_space<hbm>>) target(%arg10 : memref<128x128xf32, #tpu.memory_space<vmem>>) offsets(%arg6 : memref<128xi32, #tpu.memory_space<vmem>>) semaphore(%arg14 : memref<!tpu.dma_semaphore, #tpu.memory_space<semaphore_mem>>)
    %dma_wait3A_36 = arith.constant 0 : i32
    %dma_wait3A_37 = arith.constant 0 : i32
    %dma_wait3A_38 = tpu.memref_slice %arg2[%dma_wait3A_36, %dma_wait3A_37] : memref<10240x128xf32, #tpu.memory_space<hbm>> -> memref<10240x128xf32, #tpu.memory_space<hbm>>
    tpu.wait_indirect_dma semaphore(%arg14 : memref<!tpu.dma_semaphore, #tpu.memory_space<semaphore_mem>>) src(%dma_wait3A_38 : memref<10240x128xf32, #tpu.memory_space<hbm>>) dst(%arg10 : memref<128x128xf32, #tpu.memory_space<vmem>>)
    "tpu.region"() ({
      %run_scoped3A_40 = tpu.sem_alloc : memref<!tpu.dma_semaphore, #tpu.memory_space<semaphore_mem>>
      %dma_start3A_41 = arith.constant 0 : i32
      %dma_start3A_42 = arith.constant 0 : i32
      %dma_start3A_43 = tpu.memref_slice %arg13[%dma_start3A_41, %dma_start3A_42] : memref<10240x128xf32, #tpu.memory_space<vmem_shared>> -> memref<10240x128xf32, #tpu.memory_space<vmem_shared>>
      tpu.enqueue_indirect_dma source(%arg10 : memref<128x128xf32, #tpu.memory_space<vmem>>) target(%dma_start3A_43 : memref<10240x128xf32, #tpu.memory_space<vmem_shared>>) offsets(%arg8 : memref<128xi32, #tpu.memory_space<vmem>>) semaphore(%run_scoped3A_40 : memref<!tpu.dma_semaphore, #tpu.memory_space<semaphore_mem>>) {add = true}
      %dma_wait3A_44 = arith.constant 0 : i32
      %dma_wait3A_45 = arith.constant 0 : i32
      %dma_wait3A_46 = tpu.memref_slice %arg13[%dma_wait3A_44, %dma_wait3A_45] : memref<10240x128xf32, #tpu.memory_space<vmem_shared>> -> memref<10240x128xf32, #tpu.memory_space<vmem_shared>>
      tpu.wait_indirect_dma semaphore(%run_scoped3A_40 : memref<!tpu.dma_semaphore, #tpu.memory_space<semaphore_mem>>) src(%arg10 : memref<128x128xf32, #tpu.memory_space<vmem>>) dst(%dma_wait3A_46 : memref<10240x128xf32, #tpu.memory_space<vmem_shared>>)
      tpu.yield
    }) : () -> ()
    %barrier3A_39 = arith.constant 0 : index
    tpu.barrier barrier_id(%barrier3A_39)
    "tpu.region"() ({
      %run_scoped3A_40 = tpu.sem_alloc : memref<!tpu.dma_semaphore, #tpu.memory_space<semaphore_mem>>
      %dma_start3A_41 = arith.constant 0 : i32
      %dma_start3A_42 = tpu.memref_slice %arg5[%arg0, %mul3A_7, %dma_start3A_41] : memref<2x10240x128xf32, #tpu.memory_space<hbm>> -> memref<1x640x128xf32, #tpu.memory_space<hbm>>
      %dma_start3A_43 = tpu.memref_squeeze %dma_start3A_42 : memref<1x640x128xf32, #tpu.memory_space<hbm>> -> memref<640x128xf32, #tpu.memory_space<hbm>>
      %dma_start3A_44 = arith.constant 0 : i32
      %dma_start3A_45 = tpu.memref_slice %arg13[%mul3A_7, %dma_start3A_44] : memref<10240x128xf32, #tpu.memory_space<vmem_shared>> -> memref<640x128xf32, #tpu.memory_space<vmem_shared>>
      tpu.enqueue_dma source(%dma_start3A_45 : memref<640x128xf32, #tpu.memory_space<vmem_shared>>) target(%dma_start3A_43 : memref<640x128xf32, #tpu.memory_space<hbm>>) target_semaphore(%run_scoped3A_40 : memref<!tpu.dma_semaphore, #tpu.memory_space<semaphore_mem>>)
      %dma_wait3A_46 = arith.constant 0 : i32
      %dma_wait3A_47 = tpu.memref_slice %arg5[%arg0, %mul3A_7, %dma_wait3A_46] : memref<2x10240x128xf32, #tpu.memory_space<hbm>> -> memref<1x640x128xf32, #tpu.memory_space<hbm>>
      %dma_wait3A_48 = tpu.memref_squeeze %dma_wait3A_47 : memref<1x640x128xf32, #tpu.memory_space<hbm>> -> memref<640x128xf32, #tpu.memory_space<hbm>>
      %dma_wait3A_49 = arith.constant 0 : i32
      %dma_wait3A_50 = tpu.memref_slice %arg13[%mul3A_7, %dma_wait3A_49] : memref<10240x128xf32, #tpu.memory_space<vmem_shared>> -> memref<640x128xf32, #tpu.memory_space<vmem_shared>>
      tpu.wait_dma2 semaphore(%run_scoped3A_40 : memref<!tpu.dma_semaphore, #tpu.memory_space<semaphore_mem>>) src(%dma_wait3A_50 : memref<640x128xf32, #tpu.memory_space<vmem_shared>>) dst(%dma_wait3A_48 : memref<640x128xf32, #tpu.memory_space<hbm>>)
      tpu.yield
    }) : () -> ()
    return
  }
}

#map = affine_map<(d0, d1) -> (0, 0)>
#map1 = affine_map<(d0, d1) -> (0, 0, 0)>
module attributes {stable_mosaic.version = 14 : i64} {
  func.func @body(%arg0: i32, %arg1: i32, %arg2: memref<10240x144xf32, #tpu.memory_space<hbm>>, %arg3: memref<32x79x128xi32, #tpu.memory_space<hbm>>, %arg4: memref<32x79x128xi32, #tpu.memory_space<hbm>>, %arg5: memref<2x10240x144xf32, #tpu.memory_space<hbm>>, %arg6: memref<128xi32, #tpu.memory_space<vmem>>, %arg7: memref<128xi32, #tpu.memory_space<vmem>>, %arg8: memref<128xi32, #tpu.memory_space<vmem>>, %arg9: memref<128xi32, #tpu.memory_space<vmem>>, %arg10: memref<128x144xf32, #tpu.memory_space<vmem>>, %arg11: memref<128x144xf32, #tpu.memory_space<vmem>>, %arg12: memref<8x144xf32, #tpu.memory_space<vmem>>, %arg13: memref<10240x144xf32, #tpu.memory_space<vmem_shared>>, %arg14: memref<!tpu.dma_semaphore, #tpu.memory_space<semaphore_mem>>, %arg15: memref<!tpu.dma_semaphore, #tpu.memory_space<semaphore_mem>>) attributes {dimension_semantics = [#tpu.dimension_semantics<core_parallel>, #tpu.dimension_semantics<subcore_parallel>], iteration_bounds = array<i64: 2, 16>, scalar_prefetch = 0 : i64, scratch_operands = 10 : i64, tpu.core_type = #tpu.core_type<sc_vector_subcore>, window_params = [{transform_indices = #map}, {transform_indices = #map1}, {transform_indices = #map1}, {transform_indices = #map1}]} {
    %mul3A = arith.constant 16 : i32
    %mul3A_0 = arith.muli %arg0, %mul3A : i32
    %add3A = arith.addi %mul3A_0, %arg1 : i32
    %broadcast_in_dim3A = arith.constant 0.000000e+00 : f32
    %broadcast_in_dim3A_1 = vector.broadcast %broadcast_in_dim3A : f32 to vector<16xf32>
    %scan3A = arith.constant 0 : i32
    %scan3A_2 = arith.constant 8 : i32
    %scan3A_3 = arith.addi %scan3A, %scan3A_2 : i32
    %scan3A_4 = arith.constant 1 : i32
    scf.for %scan3A_40 = %scan3A to %scan3A_3 step %scan3A_4  : i32 {
      %mul3A_41 = arith.constant 1 : i32
      %mul3A_42 = arith.muli %scan3A_40, %mul3A_41 : i32
      %add3A_43 = arith.constant 0 : i32
      %add3A_44 = arith.addi %add3A_43, %mul3A_42 : i32
      %swap3A = arith.index_cast %add3A_44 : i32 to index
      %swap3A_45 = arith.constant 0 : index
      %swap3A_46 = tpu.vector_load %arg12[%swap3A, %swap3A_45] {strides = array<i32>} : memref<8x144xf32, #tpu.memory_space<vmem>>, vector<1x16xf32>,
      %swap3A_47 = vector.shape_cast %swap3A_46 : vector<1x16xf32> to vector<16xf32>
      %swap3A_48 = vector.shape_cast %broadcast_in_dim3A_1 : vector<16xf32> to vector<1x16xf32>
      tpu.vector_store %arg12[%swap3A, %swap3A_45], %swap3A_48 {strides = array<i32>} : memref<8x144xf32, #tpu.memory_space<vmem>>, vector<1x16xf32>,
      %swap3A_49 = arith.index_cast %add3A_44 : i32 to index
      %swap3A_50 = arith.constant 16 : index
      %swap3A_51 = tpu.vector_load %arg12[%swap3A_49, %swap3A_50] {strides = array<i32>} : memref<8x144xf32, #tpu.memory_space<vmem>>, vector<1x16xf32>,
      %swap3A_52 = vector.shape_cast %swap3A_51 : vector<1x16xf32> to vector<16xf32>
      %swap3A_53 = vector.shape_cast %broadcast_in_dim3A_1 : vector<16xf32> to vector<1x16xf32>
      tpu.vector_store %arg12[%swap3A_49, %swap3A_50], %swap3A_53 {strides = array<i32>} : memref<8x144xf32, #tpu.memory_space<vmem>>, vector<1x16xf32>,
      %swap3A_54 = arith.index_cast %add3A_44 : i32 to index
      %swap3A_55 = arith.constant 32 : index
      %swap3A_56 = tpu.vector_load %arg12[%swap3A_54, %swap3A_55] {strides = array<i32>} : memref<8x144xf32, #tpu.memory_space<vmem>>, vector<1x16xf32>,
      %swap3A_57 = vector.shape_cast %swap3A_56 : vector<1x16xf32> to vector<16xf32>
      %swap3A_58 = vector.shape_cast %broadcast_in_dim3A_1 : vector<16xf32> to vector<1x16xf32>
      tpu.vector_store %arg12[%swap3A_54, %swap3A_55], %swap3A_58 {strides = array<i32>} : memref<8x144xf32, #tpu.memory_space<vmem>>, vector<1x16xf32>,
      %swap3A_59 = arith.index_cast %add3A_44 : i32 to index
      %swap3A_60 = arith.constant 48 : index
      %swap3A_61 = tpu.vector_load %arg12[%swap3A_59, %swap3A_60] {strides = array<i32>} : memref<8x144xf32, #tpu.memory_space<vmem>>, vector<1x16xf32>,
      %swap3A_62 = vector.shape_cast %swap3A_61 : vector<1x16xf32> to vector<16xf32>
      %swap3A_63 = vector.shape_cast %broadcast_in_dim3A_1 : vector<16xf32> to vector<1x16xf32>
      tpu.vector_store %arg12[%swap3A_59, %swap3A_60], %swap3A_63 {strides = array<i32>} : memref<8x144xf32, #tpu.memory_space<vmem>>, vector<1x16xf32>,
      %swap3A_64 = arith.index_cast %add3A_44 : i32 to index
      %swap3A_65 = arith.constant 64 : index
      %swap3A_66 = tpu.vector_load %arg12[%swap3A_64, %swap3A_65] {strides = array<i32>} : memref<8x144xf32, #tpu.memory_space<vmem>>, vector<1x16xf32>,
      %swap3A_67 = vector.shape_cast %swap3A_66 : vector<1x16xf32> to vector<16xf32>
      %swap3A_68 = vector.shape_cast %broadcast_in_dim3A_1 : vector<16xf32> to vector<1x16xf32>
      tpu.vector_store %arg12[%swap3A_64, %swap3A_65], %swap3A_68 {strides = array<i32>} : memref<8x144xf32, #tpu.memory_space<vmem>>, vector<1x16xf32>,
      %swap3A_69 = arith.index_cast %add3A_44 : i32 to index
      %swap3A_70 = arith.constant 80 : index
      %swap3A_71 = tpu.vector_load %arg12[%swap3A_69, %swap3A_70] {strides = array<i32>} : memref<8x144xf32, #tpu.memory_space<vmem>>, vector<1x16xf32>,
      %swap3A_72 = vector.shape_cast %swap3A_71 : vector<1x16xf32> to vector<16xf32>
      %swap3A_73 = vector.shape_cast %broadcast_in_dim3A_1 : vector<16xf32> to vector<1x16xf32>
      tpu.vector_store %arg12[%swap3A_69, %swap3A_70], %swap3A_73 {strides = array<i32>} : memref<8x144xf32, #tpu.memory_space<vmem>>, vector<1x16xf32>,
      %swap3A_74 = arith.index_cast %add3A_44 : i32 to index
      %swap3A_75 = arith.constant 96 : index
      %swap3A_76 = tpu.vector_load %arg12[%swap3A_74, %swap3A_75] {strides = array<i32>} : memref<8x144xf32, #tpu.memory_space<vmem>>, vector<1x16xf32>,
      %swap3A_77 = vector.shape_cast %swap3A_76 : vector<1x16xf32> to vector<16xf32>
      %swap3A_78 = vector.shape_cast %broadcast_in_dim3A_1 : vector<16xf32> to vector<1x16xf32>
      tpu.vector_store %arg12[%swap3A_74, %swap3A_75], %swap3A_78 {strides = array<i32>} : memref<8x144xf32, #tpu.memory_space<vmem>>, vector<1x16xf32>,
      %swap3A_79 = arith.index_cast %add3A_44 : i32 to index
      %swap3A_80 = arith.constant 112 : index
      %swap3A_81 = tpu.vector_load %arg12[%swap3A_79, %swap3A_80] {strides = array<i32>} : memref<8x144xf32, #tpu.memory_space<vmem>>, vector<1x16xf32>,
      %swap3A_82 = vector.shape_cast %swap3A_81 : vector<1x16xf32> to vector<16xf32>
      %swap3A_83 = vector.shape_cast %broadcast_in_dim3A_1 : vector<16xf32> to vector<1x16xf32>
      tpu.vector_store %arg12[%swap3A_79, %swap3A_80], %swap3A_83 {strides = array<i32>} : memref<8x144xf32, #tpu.memory_space<vmem>>, vector<1x16xf32>,
      %swap3A_84 = arith.index_cast %add3A_44 : i32 to index
      %swap3A_85 = arith.constant 128 : index
      %swap3A_86 = tpu.vector_load %arg12[%swap3A_84, %swap3A_85] {strides = array<i32>} : memref<8x144xf32, #tpu.memory_space<vmem>>, vector<1x16xf32>,
      %swap3A_87 = vector.shape_cast %swap3A_86 : vector<1x16xf32> to vector<16xf32>
      %swap3A_88 = vector.shape_cast %broadcast_in_dim3A_1 : vector<16xf32> to vector<1x16xf32>
      tpu.vector_store %arg12[%swap3A_84, %swap3A_85], %swap3A_88 {strides = array<i32>} : memref<8x144xf32, #tpu.memory_space<vmem>>, vector<1x16xf32>,
    }
    %scan3A_5 = arith.constant 8 : i32
    %mul3A_6 = arith.constant 640 : i32
    %mul3A_7 = arith.muli %arg1, %mul3A_6 : i32
    %scan3A_8 = arith.constant 0 : i32
    %scan3A_9 = arith.constant 80 : i32
    %scan3A_10 = arith.addi %scan3A_8, %scan3A_9 : i32
    %scan3A_11 = arith.constant 1 : i32
    scf.for %scan3A_40 = %scan3A_8 to %scan3A_10 step %scan3A_11  : i32 {
      %mul3A_41 = arith.constant 1 : i32
      %mul3A_42 = arith.muli %scan3A_40, %mul3A_41 : i32
      %add3A_43 = arith.constant 0 : i32
      %add3A_44 = arith.addi %add3A_43, %mul3A_42 : i32
      %mul3A_45 = arith.constant 8 : i32
      %mul3A_46 = arith.muli %add3A_44, %mul3A_45 : i32
      %add3A_47 = arith.addi %mul3A_7, %mul3A_46 : i32
      "tpu.region"() ({
        %run_scoped3A_48 = tpu.sem_alloc : memref<!tpu.dma_semaphore, #tpu.memory_space<semaphore_mem>>
        %dma_start3A_49 = arith.constant 0 : i32
        %dma_start3A_50 = tpu.memref_slice %arg13[%add3A_47, %dma_start3A_49] : memref<10240x144xf32, #tpu.memory_space<vmem_shared>> -> memref<8x144xf32, #tpu.memory_space<vmem_shared>>
        %dma_start3A_51 = arith.constant 0 : i32
        %dma_start3A_52 = tpu.memref_slice %arg13[%add3A_47, %dma_start3A_51] : memref<10240x144xf32, #tpu.memory_space<vmem_shared>> -> memref<8x144xf32, #tpu.memory_space<vmem_shared>>
        tpu.enqueue_dma source(%arg12 : memref<8x144xf32, #tpu.memory_space<vmem>>) target(%dma_start3A_52 : memref<8x144xf32, #tpu.memory_space<vmem_shared>>) target_semaphore(%run_scoped3A_48 : memref<!tpu.dma_semaphore, #tpu.memory_space<semaphore_mem>>)
        %dma_wait3A_53 = arith.constant 0 : i32
        %dma_wait3A_54 = tpu.memref_slice %arg13[%add3A_47, %dma_wait3A_53] : memref<10240x144xf32, #tpu.memory_space<vmem_shared>> -> memref<8x144xf32, #tpu.memory_space<vmem_shared>>
        %dma_wait3A_55 = arith.constant 0 : i32
        %dma_wait3A_56 = tpu.memref_slice %arg13[%add3A_47, %dma_wait3A_55] : memref<10240x144xf32, #tpu.memory_space<vmem_shared>> -> memref<8x144xf32, #tpu.memory_space<vmem_shared>>
        tpu.wait_dma2 semaphore(%run_scoped3A_48 : memref<!tpu.dma_semaphore, #tpu.memory_space<semaphore_mem>>) src(%arg12 : memref<8x144xf32, #tpu.memory_space<vmem>>) dst(%dma_wait3A_56 : memref<8x144xf32, #tpu.memory_space<vmem_shared>>)
        tpu.yield
      }) : () -> ()
    }
    %scan3A_12 = arith.constant 80 : i32
    %barrier3A = arith.constant 0 : index
    tpu.barrier barrier_id(%barrier3A)
    %run_scoped3A = arith.constant 0 : i32
    "tpu.region"() ({
      %run_scoped3A_40 = tpu.sem_alloc : memref<!tpu.dma_semaphore, #tpu.memory_space<semaphore_mem>>
      %dma_start3A_41 = arith.constant 0 : i32
      %dma_start3A_42 = tpu.memref_slice %arg3[%add3A, %run_scoped3A, %dma_start3A_41] : memref<32x79x128xi32, #tpu.memory_space<hbm>> -> memref<1x1x128xi32, #tpu.memory_space<hbm>>
      %dma_start3A_43 = tpu.memref_squeeze %dma_start3A_42 : memref<1x1x128xi32, #tpu.memory_space<hbm>> -> memref<128xi32, #tpu.memory_space<hbm>>
      %dma_start3A_44 = arith.constant 0 : i32
      %dma_start3A_45 = tpu.memref_slice %arg3[%add3A, %run_scoped3A, %dma_start3A_44] : memref<32x79x128xi32, #tpu.memory_space<hbm>> -> memref<1x1x128xi32, #tpu.memory_space<hbm>>
      %dma_start3A_46 = tpu.memref_squeeze %dma_start3A_45 : memref<1x1x128xi32, #tpu.memory_space<hbm>> -> memref<128xi32, #tpu.memory_space<hbm>>
      tpu.enqueue_dma source(%dma_start3A_46 : memref<128xi32, #tpu.memory_space<hbm>>) target(%arg6 : memref<128xi32, #tpu.memory_space<vmem>>) target_semaphore(%run_scoped3A_40 : memref<!tpu.dma_semaphore, #tpu.memory_space<semaphore_mem>>)
      %dma_wait3A_47 = arith.constant 0 : i32
      %dma_wait3A_48 = tpu.memref_slice %arg3[%add3A, %run_scoped3A, %dma_wait3A_47] : memref<32x79x128xi32, #tpu.memory_space<hbm>> -> memref<1x1x128xi32, #tpu.memory_space<hbm>>
      %dma_wait3A_49 = tpu.memref_squeeze %dma_wait3A_48 : memref<1x1x128xi32, #tpu.memory_space<hbm>> -> memref<128xi32, #tpu.memory_space<hbm>>
      %dma_wait3A_50 = arith.constant 0 : i32
      %dma_wait3A_51 = tpu.memref_slice %arg3[%add3A, %run_scoped3A, %dma_wait3A_50] : memref<32x79x128xi32, #tpu.memory_space<hbm>> -> memref<1x1x128xi32, #tpu.memory_space<hbm>>
      %dma_wait3A_52 = tpu.memref_squeeze %dma_wait3A_51 : memref<1x1x128xi32, #tpu.memory_space<hbm>> -> memref<128xi32, #tpu.memory_space<hbm>>
      tpu.wait_dma2 semaphore(%run_scoped3A_40 : memref<!tpu.dma_semaphore, #tpu.memory_space<semaphore_mem>>) src(%dma_wait3A_52 : memref<128xi32, #tpu.memory_space<hbm>>) dst(%arg6 : memref<128xi32, #tpu.memory_space<vmem>>)
      tpu.yield
    }) : () -> ()
    %run_scoped3A_13 = arith.constant 0 : i32
    "tpu.region"() ({
      %run_scoped3A_40 = tpu.sem_alloc : memref<!tpu.dma_semaphore, #tpu.memory_space<semaphore_mem>>
      %dma_start3A_41 = arith.constant 0 : i32
      %dma_start3A_42 = tpu.memref_slice %arg4[%add3A, %run_scoped3A_13, %dma_start3A_41] : memref<32x79x128xi32, #tpu.memory_space<hbm>> -> memref<1x1x128xi32, #tpu.memory_space<hbm>>
      %dma_start3A_43 = tpu.memref_squeeze %dma_start3A_42 : memref<1x1x128xi32, #tpu.memory_space<hbm>> -> memref<128xi32, #tpu.memory_space<hbm>>
      %dma_start3A_44 = arith.constant 0 : i32
      %dma_start3A_45 = tpu.memref_slice %arg4[%add3A, %run_scoped3A_13, %dma_start3A_44] : memref<32x79x128xi32, #tpu.memory_space<hbm>> -> memref<1x1x128xi32, #tpu.memory_space<hbm>>
      %dma_start3A_46 = tpu.memref_squeeze %dma_start3A_45 : memref<1x1x128xi32, #tpu.memory_space<hbm>> -> memref<128xi32, #tpu.memory_space<hbm>>
      tpu.enqueue_dma source(%dma_start3A_46 : memref<128xi32, #tpu.memory_space<hbm>>) target(%arg8 : memref<128xi32, #tpu.memory_space<vmem>>) target_semaphore(%run_scoped3A_40 : memref<!tpu.dma_semaphore, #tpu.memory_space<semaphore_mem>>)
      %dma_wait3A_47 = arith.constant 0 : i32
      %dma_wait3A_48 = tpu.memref_slice %arg4[%add3A, %run_scoped3A_13, %dma_wait3A_47] : memref<32x79x128xi32, #tpu.memory_space<hbm>> -> memref<1x1x128xi32, #tpu.memory_space<hbm>>
      %dma_wait3A_49 = tpu.memref_squeeze %dma_wait3A_48 : memref<1x1x128xi32, #tpu.memory_space<hbm>> -> memref<128xi32, #tpu.memory_space<hbm>>
      %dma_wait3A_50 = arith.constant 0 : i32
      %dma_wait3A_51 = tpu.memref_slice %arg4[%add3A, %run_scoped3A_13, %dma_wait3A_50] : memref<32x79x128xi32, #tpu.memory_space<hbm>> -> memref<1x1x128xi32, #tpu.memory_space<hbm>>
      %dma_wait3A_52 = tpu.memref_squeeze %dma_wait3A_51 : memref<1x1x128xi32, #tpu.memory_space<hbm>> -> memref<128xi32, #tpu.memory_space<hbm>>
      tpu.wait_dma2 semaphore(%run_scoped3A_40 : memref<!tpu.dma_semaphore, #tpu.memory_space<semaphore_mem>>) src(%dma_wait3A_52 : memref<128xi32, #tpu.memory_space<hbm>>) dst(%arg8 : memref<128xi32, #tpu.memory_space<vmem>>)
      tpu.yield
    }) : () -> ()
    %dma_start3A = arith.constant 0 : i32
    %dma_start3A_14 = arith.constant 0 : i32
    %dma_start3A_15 = tpu.memref_slice %arg2[%dma_start3A, %dma_start3A_14] : memref<10240x144xf32, #tpu.memory_space<hbm>> -> memref<10240x144xf32, #tpu.memory_space<hbm>>
    tpu.enqueue_indirect_dma source(%dma_start3A_15 : memref<10240x144xf32, #tpu.memory_space<hbm>>) target(%arg10 : memref<128x144xf32, #tpu.memory_space<vmem>>) offsets(%arg6 : memref<128xi32, #tpu.memory_space<vmem>>) semaphore(%arg14 : memref<!tpu.dma_semaphore, #tpu.memory_space<semaphore_mem>>)
    %run_scoped3A_16 = arith.constant 1 : i32
    "tpu.region"() ({
      %run_scoped3A_40 = tpu.sem_alloc : memref<!tpu.dma_semaphore, #tpu.memory_space<semaphore_mem>>
      %dma_start3A_41 = arith.constant 0 : i32
      %dma_start3A_42 = tpu.memref_slice %arg3[%add3A, %run_scoped3A_16, %dma_start3A_41] : memref<32x79x128xi32, #tpu.memory_space<hbm>> -> memref<1x1x128xi32, #tpu.memory_space<hbm>>
      %dma_start3A_43 = tpu.memref_squeeze %dma_start3A_42 : memref<1x1x128xi32, #tpu.memory_space<hbm>> -> memref<128xi32, #tpu.memory_space<hbm>>
      %dma_start3A_44 = arith.constant 0 : i32
      %dma_start3A_45 = tpu.memref_slice %arg3[%add3A, %run_scoped3A_16, %dma_start3A_44] : memref<32x79x128xi32, #tpu.memory_space<hbm>> -> memref<1x1x128xi32, #tpu.memory_space<hbm>>
      %dma_start3A_46 = tpu.memref_squeeze %dma_start3A_45 : memref<1x1x128xi32, #tpu.memory_space<hbm>> -> memref<128xi32, #tpu.memory_space<hbm>>
      tpu.enqueue_dma source(%dma_start3A_46 : memref<128xi32, #tpu.memory_space<hbm>>) target(%arg7 : memref<128xi32, #tpu.memory_space<vmem>>) target_semaphore(%run_scoped3A_40 : memref<!tpu.dma_semaphore, #tpu.memory_space<semaphore_mem>>)
      %dma_wait3A_47 = arith.constant 0 : i32
      %dma_wait3A_48 = tpu.memref_slice %arg3[%add3A, %run_scoped3A_16, %dma_wait3A_47] : memref<32x79x128xi32, #tpu.memory_space<hbm>> -> memref<1x1x128xi32, #tpu.memory_space<hbm>>
      %dma_wait3A_49 = tpu.memref_squeeze %dma_wait3A_48 : memref<1x1x128xi32, #tpu.memory_space<hbm>> -> memref<128xi32, #tpu.memory_space<hbm>>
      %dma_wait3A_50 = arith.constant 0 : i32
      %dma_wait3A_51 = tpu.memref_slice %arg3[%add3A, %run_scoped3A_16, %dma_wait3A_50] : memref<32x79x128xi32, #tpu.memory_space<hbm>> -> memref<1x1x128xi32, #tpu.memory_space<hbm>>
      %dma_wait3A_52 = tpu.memref_squeeze %dma_wait3A_51 : memref<1x1x128xi32, #tpu.memory_space<hbm>> -> memref<128xi32, #tpu.memory_space<hbm>>
      tpu.wait_dma2 semaphore(%run_scoped3A_40 : memref<!tpu.dma_semaphore, #tpu.memory_space<semaphore_mem>>) src(%dma_wait3A_52 : memref<128xi32, #tpu.memory_space<hbm>>) dst(%arg7 : memref<128xi32, #tpu.memory_space<vmem>>)
      tpu.yield
    }) : () -> ()
    %run_scoped3A_17 = arith.constant 1 : i32
    "tpu.region"() ({
      %run_scoped3A_40 = tpu.sem_alloc : memref<!tpu.dma_semaphore, #tpu.memory_space<semaphore_mem>>
      %dma_start3A_41 = arith.constant 0 : i32
      %dma_start3A_42 = tpu.memref_slice %arg4[%add3A, %run_scoped3A_17, %dma_start3A_41] : memref<32x79x128xi32, #tpu.memory_space<hbm>> -> memref<1x1x128xi32, #tpu.memory_space<hbm>>
      %dma_start3A_43 = tpu.memref_squeeze %dma_start3A_42 : memref<1x1x128xi32, #tpu.memory_space<hbm>> -> memref<128xi32, #tpu.memory_space<hbm>>
      %dma_start3A_44 = arith.constant 0 : i32
      %dma_start3A_45 = tpu.memref_slice %arg4[%add3A, %run_scoped3A_17, %dma_start3A_44] : memref<32x79x128xi32, #tpu.memory_space<hbm>> -> memref<1x1x128xi32, #tpu.memory_space<hbm>>
      %dma_start3A_46 = tpu.memref_squeeze %dma_start3A_45 : memref<1x1x128xi32, #tpu.memory_space<hbm>> -> memref<128xi32, #tpu.memory_space<hbm>>
      tpu.enqueue_dma source(%dma_start3A_46 : memref<128xi32, #tpu.memory_space<hbm>>) target(%arg9 : memref<128xi32, #tpu.memory_space<vmem>>) target_semaphore(%run_scoped3A_40 : memref<!tpu.dma_semaphore, #tpu.memory_space<semaphore_mem>>)
      %dma_wait3A_47 = arith.constant 0 : i32
      %dma_wait3A_48 = tpu.memref_slice %arg4[%add3A, %run_scoped3A_17, %dma_wait3A_47] : memref<32x79x128xi32, #tpu.memory_space<hbm>> -> memref<1x1x128xi32, #tpu.memory_space<hbm>>
      %dma_wait3A_49 = tpu.memref_squeeze %dma_wait3A_48 : memref<1x1x128xi32, #tpu.memory_space<hbm>> -> memref<128xi32, #tpu.memory_space<hbm>>
      %dma_wait3A_50 = arith.constant 0 : i32
      %dma_wait3A_51 = tpu.memref_slice %arg4[%add3A, %run_scoped3A_17, %dma_wait3A_50] : memref<32x79x128xi32, #tpu.memory_space<hbm>> -> memref<1x1x128xi32, #tpu.memory_space<hbm>>
      %dma_wait3A_52 = tpu.memref_squeeze %dma_wait3A_51 : memref<1x1x128xi32, #tpu.memory_space<hbm>> -> memref<128xi32, #tpu.memory_space<hbm>>
      tpu.wait_dma2 semaphore(%run_scoped3A_40 : memref<!tpu.dma_semaphore, #tpu.memory_space<semaphore_mem>>) src(%dma_wait3A_52 : memref<128xi32, #tpu.memory_space<hbm>>) dst(%arg9 : memref<128xi32, #tpu.memory_space<vmem>>)
      tpu.yield
    }) : () -> ()
    %dma_start3A_18 = arith.constant 0 : i32
    %dma_start3A_19 = arith.constant 0 : i32
    %dma_start3A_20 = tpu.memref_slice %arg2[%dma_start3A_18, %dma_start3A_19] : memref<10240x144xf32, #tpu.memory_space<hbm>> -> memref<10240x144xf32, #tpu.memory_space<hbm>>
    tpu.enqueue_indirect_dma source(%dma_start3A_20 : memref<10240x144xf32, #tpu.memory_space<hbm>>) target(%arg11 : memref<128x144xf32, #tpu.memory_space<vmem>>) offsets(%arg7 : memref<128xi32, #tpu.memory_space<vmem>>) semaphore(%arg15 : memref<!tpu.dma_semaphore, #tpu.memory_space<semaphore_mem>>)
    %scan3A_21 = arith.constant 0 : i32
    %scan3A_22 = arith.constant 38 : i32
    %scan3A_23 = arith.addi %scan3A_21, %scan3A_22 : i32
    %scan3A_24 = arith.constant 1 : i32
    scf.for %scan3A_40 = %scan3A_21 to %scan3A_23 step %scan3A_24  : i32 {
      %mul3A_41 = arith.constant 1 : i32
      %mul3A_42 = arith.muli %scan3A_40, %mul3A_41 : i32
      %add3A_43 = arith.constant 0 : i32
      %add3A_44 = arith.addi %add3A_43, %mul3A_42 : i32
      %mul3A_45 = arith.constant 2 : i32
      %mul3A_46 = arith.muli %add3A_44, %mul3A_45 : i32
      %add3A_47 = arith.constant 0 : i32
      %add3A_48 = arith.addi %mul3A_46, %add3A_47 : i32
      %add3A_49 = arith.constant 2 : i32
      %add3A_50 = arith.addi %add3A_48, %add3A_49 : i32
      %dma_wait3A_51 = arith.constant 0 : i32
      %dma_wait3A_52 = arith.constant 0 : i32
      %dma_wait3A_53 = tpu.memref_slice %arg2[%dma_wait3A_51, %dma_wait3A_52] : memref<10240x144xf32, #tpu.memory_space<hbm>> -> memref<10240x144xf32, #tpu.memory_space<hbm>>
      tpu.wait_indirect_dma semaphore(%arg14 : memref<!tpu.dma_semaphore, #tpu.memory_space<semaphore_mem>>) src(%dma_wait3A_53 : memref<10240x144xf32, #tpu.memory_space<hbm>>) dst(%arg10 : memref<128x144xf32, #tpu.memory_space<vmem>>)
      "tpu.region"() ({
        %run_scoped3A_69 = tpu.sem_alloc : memref<!tpu.dma_semaphore, #tpu.memory_space<semaphore_mem>>
        %dma_start3A_70 = arith.constant 0 : i32
        %dma_start3A_71 = arith.constant 0 : i32
        %dma_start3A_72 = tpu.memref_slice %arg13[%dma_start3A_70, %dma_start3A_71] : memref<10240x144xf32, #tpu.memory_space<vmem_shared>> -> memref<10240x144xf32, #tpu.memory_space<vmem_shared>>
        tpu.enqueue_indirect_dma source(%arg10 : memref<128x144xf32, #tpu.memory_space<vmem>>) target(%dma_start3A_72 : memref<10240x144xf32, #tpu.memory_space<vmem_shared>>) offsets(%arg8 : memref<128xi32, #tpu.memory_space<vmem>>) semaphore(%run_scoped3A_69 : memref<!tpu.dma_semaphore, #tpu.memory_space<semaphore_mem>>) {add = true}
        %dma_wait3A_73 = arith.constant 0 : i32
        %dma_wait3A_74 = arith.constant 0 : i32
        %dma_wait3A_75 = tpu.memref_slice %arg13[%dma_wait3A_73, %dma_wait3A_74] : memref<10240x144xf32, #tpu.memory_space<vmem_shared>> -> memref<10240x144xf32, #tpu.memory_space<vmem_shared>>
        tpu.wait_indirect_dma semaphore(%run_scoped3A_69 : memref<!tpu.dma_semaphore, #tpu.memory_space<semaphore_mem>>) src(%arg10 : memref<128x144xf32, #tpu.memory_space<vmem>>) dst(%dma_wait3A_75 : memref<10240x144xf32, #tpu.memory_space<vmem_shared>>)
        tpu.yield
      }) : () -> ()
      "tpu.region"() ({
        %run_scoped3A_69 = tpu.sem_alloc : memref<!tpu.dma_semaphore, #tpu.memory_space<semaphore_mem>>
        %dma_start3A_70 = arith.constant 0 : i32
        %dma_start3A_71 = tpu.memref_slice %arg3[%add3A, %add3A_50, %dma_start3A_70] : memref<32x79x128xi32, #tpu.memory_space<hbm>> -> memref<1x1x128xi32, #tpu.memory_space<hbm>>
        %dma_start3A_72 = tpu.memref_squeeze %dma_start3A_71 : memref<1x1x128xi32, #tpu.memory_space<hbm>> -> memref<128xi32, #tpu.memory_space<hbm>>
        %dma_start3A_73 = arith.constant 0 : i32
        %dma_start3A_74 = tpu.memref_slice %arg3[%add3A, %add3A_50, %dma_start3A_73] : memref<32x79x128xi32, #tpu.memory_space<hbm>> -> memref<1x1x128xi32, #tpu.memory_space<hbm>>
        %dma_start3A_75 = tpu.memref_squeeze %dma_start3A_74 : memref<1x1x128xi32, #tpu.memory_space<hbm>> -> memref<128xi32, #tpu.memory_space<hbm>>
        tpu.enqueue_dma source(%dma_start3A_75 : memref<128xi32, #tpu.memory_space<hbm>>) target(%arg6 : memref<128xi32, #tpu.memory_space<vmem>>) target_semaphore(%run_scoped3A_69 : memref<!tpu.dma_semaphore, #tpu.memory_space<semaphore_mem>>)
        %dma_wait3A_76 = arith.constant 0 : i32
        %dma_wait3A_77 = tpu.memref_slice %arg3[%add3A, %add3A_50, %dma_wait3A_76] : memref<32x79x128xi32, #tpu.memory_space<hbm>> -> memref<1x1x128xi32, #tpu.memory_space<hbm>>
        %dma_wait3A_78 = tpu.memref_squeeze %dma_wait3A_77 : memref<1x1x128xi32, #tpu.memory_space<hbm>> -> memref<128xi32, #tpu.memory_space<hbm>>
        %dma_wait3A_79 = arith.constant 0 : i32
        %dma_wait3A_80 = tpu.memref_slice %arg3[%add3A, %add3A_50, %dma_wait3A_79] : memref<32x79x128xi32, #tpu.memory_space<hbm>> -> memref<1x1x128xi32, #tpu.memory_space<hbm>>
        %dma_wait3A_81 = tpu.memref_squeeze %dma_wait3A_80 : memref<1x1x128xi32, #tpu.memory_space<hbm>> -> memref<128xi32, #tpu.memory_space<hbm>>
        tpu.wait_dma2 semaphore(%run_scoped3A_69 : memref<!tpu.dma_semaphore, #tpu.memory_space<semaphore_mem>>) src(%dma_wait3A_81 : memref<128xi32, #tpu.memory_space<hbm>>) dst(%arg6 : memref<128xi32, #tpu.memory_space<vmem>>)
        tpu.yield
      }) : () -> ()
      "tpu.region"() ({
        %run_scoped3A_69 = tpu.sem_alloc : memref<!tpu.dma_semaphore, #tpu.memory_space<semaphore_mem>>
        %dma_start3A_70 = arith.constant 0 : i32
        %dma_start3A_71 = tpu.memref_slice %arg4[%add3A, %add3A_50, %dma_start3A_70] : memref<32x79x128xi32, #tpu.memory_space<hbm>> -> memref<1x1x128xi32, #tpu.memory_space<hbm>>
        %dma_start3A_72 = tpu.memref_squeeze %dma_start3A_71 : memref<1x1x128xi32, #tpu.memory_space<hbm>> -> memref<128xi32, #tpu.memory_space<hbm>>
        %dma_start3A_73 = arith.constant 0 : i32
        %dma_start3A_74 = tpu.memref_slice %arg4[%add3A, %add3A_50, %dma_start3A_73] : memref<32x79x128xi32, #tpu.memory_space<hbm>> -> memref<1x1x128xi32, #tpu.memory_space<hbm>>
        %dma_start3A_75 = tpu.memref_squeeze %dma_start3A_74 : memref<1x1x128xi32, #tpu.memory_space<hbm>> -> memref<128xi32, #tpu.memory_space<hbm>>
        tpu.enqueue_dma source(%dma_start3A_75 : memref<128xi32, #tpu.memory_space<hbm>>) target(%arg8 : memref<128xi32, #tpu.memory_space<vmem>>) target_semaphore(%run_scoped3A_69 : memref<!tpu.dma_semaphore, #tpu.memory_space<semaphore_mem>>)
        %dma_wait3A_76 = arith.constant 0 : i32
        %dma_wait3A_77 = tpu.memref_slice %arg4[%add3A, %add3A_50, %dma_wait3A_76] : memref<32x79x128xi32, #tpu.memory_space<hbm>> -> memref<1x1x128xi32, #tpu.memory_space<hbm>>
        %dma_wait3A_78 = tpu.memref_squeeze %dma_wait3A_77 : memref<1x1x128xi32, #tpu.memory_space<hbm>> -> memref<128xi32, #tpu.memory_space<hbm>>
        %dma_wait3A_79 = arith.constant 0 : i32
        %dma_wait3A_80 = tpu.memref_slice %arg4[%add3A, %add3A_50, %dma_wait3A_79] : memref<32x79x128xi32, #tpu.memory_space<hbm>> -> memref<1x1x128xi32, #tpu.memory_space<hbm>>
        %dma_wait3A_81 = tpu.memref_squeeze %dma_wait3A_80 : memref<1x1x128xi32, #tpu.memory_space<hbm>> -> memref<128xi32, #tpu.memory_space<hbm>>
        tpu.wait_dma2 semaphore(%run_scoped3A_69 : memref<!tpu.dma_semaphore, #tpu.memory_space<semaphore_mem>>) src(%dma_wait3A_81 : memref<128xi32, #tpu.memory_space<hbm>>) dst(%arg8 : memref<128xi32, #tpu.memory_space<vmem>>)
        tpu.yield
      }) : () -> ()
      %dma_start3A_54 = arith.constant 0 : i32
      %dma_start3A_55 = arith.constant 0 : i32
      %dma_start3A_56 = tpu.memref_slice %arg2[%dma_start3A_54, %dma_start3A_55] : memref<10240x144xf32, #tpu.memory_space<hbm>> -> memref<10240x144xf32, #tpu.memory_space<hbm>>
      tpu.enqueue_indirect_dma source(%dma_start3A_56 : memref<10240x144xf32, #tpu.memory_space<hbm>>) target(%arg10 : memref<128x144xf32, #tpu.memory_space<vmem>>) offsets(%arg6 : memref<128xi32, #tpu.memory_space<vmem>>) semaphore(%arg14 : memref<!tpu.dma_semaphore, #tpu.memory_space<semaphore_mem>>)
      %mul3A_57 = arith.constant 2 : i32
      %mul3A_58 = arith.muli %add3A_44, %mul3A_57 : i32
      %add3A_59 = arith.constant 1 : i32
      %add3A_60 = arith.addi %mul3A_58, %add3A_59 : i32
      %add3A_61 = arith.constant 2 : i32
      %add3A_62 = arith.addi %add3A_60, %add3A_61 : i32
      %dma_wait3A_63 = arith.constant 0 : i32
      %dma_wait3A_64 = arith.constant 0 : i32
      %dma_wait3A_65 = tpu.memref_slice %arg2[%dma_wait3A_63, %dma_wait3A_64] : memref<10240x144xf32, #tpu.memory_space<hbm>> -> memref<10240x144xf32, #tpu.memory_space<hbm>>
      tpu.wait_indirect_dma semaphore(%arg15 : memref<!tpu.dma_semaphore, #tpu.memory_space<semaphore_mem>>) src(%dma_wait3A_65 : memref<10240x144xf32, #tpu.memory_space<hbm>>) dst(%arg11 : memref<128x144xf32, #tpu.memory_space<vmem>>)
      "tpu.region"() ({
        %run_scoped3A_69 = tpu.sem_alloc : memref<!tpu.dma_semaphore, #tpu.memory_space<semaphore_mem>>
        %dma_start3A_70 = arith.constant 0 : i32
        %dma_start3A_71 = arith.constant 0 : i32
        %dma_start3A_72 = tpu.memref_slice %arg13[%dma_start3A_70, %dma_start3A_71] : memref<10240x144xf32, #tpu.memory_space<vmem_shared>> -> memref<10240x144xf32, #tpu.memory_space<vmem_shared>>
        tpu.enqueue_indirect_dma source(%arg11 : memref<128x144xf32, #tpu.memory_space<vmem>>) target(%dma_start3A_72 : memref<10240x144xf32, #tpu.memory_space<vmem_shared>>) offsets(%arg9 : memref<128xi32, #tpu.memory_space<vmem>>) semaphore(%run_scoped3A_69 : memref<!tpu.dma_semaphore, #tpu.memory_space<semaphore_mem>>) {add = true}
        %dma_wait3A_73 = arith.constant 0 : i32
        %dma_wait3A_74 = arith.constant 0 : i32
        %dma_wait3A_75 = tpu.memref_slice %arg13[%dma_wait3A_73, %dma_wait3A_74] : memref<10240x144xf32, #tpu.memory_space<vmem_shared>> -> memref<10240x144xf32, #tpu.memory_space<vmem_shared>>
        tpu.wait_indirect_dma semaphore(%run_scoped3A_69 : memref<!tpu.dma_semaphore, #tpu.memory_space<semaphore_mem>>) src(%arg11 : memref<128x144xf32, #tpu.memory_space<vmem>>) dst(%dma_wait3A_75 : memref<10240x144xf32, #tpu.memory_space<vmem_shared>>)
        tpu.yield
      }) : () -> ()
      "tpu.region"() ({
        %run_scoped3A_69 = tpu.sem_alloc : memref<!tpu.dma_semaphore, #tpu.memory_space<semaphore_mem>>
        %dma_start3A_70 = arith.constant 0 : i32
        %dma_start3A_71 = tpu.memref_slice %arg3[%add3A, %add3A_62, %dma_start3A_70] : memref<32x79x128xi32, #tpu.memory_space<hbm>> -> memref<1x1x128xi32, #tpu.memory_space<hbm>>
        %dma_start3A_72 = tpu.memref_squeeze %dma_start3A_71 : memref<1x1x128xi32, #tpu.memory_space<hbm>> -> memref<128xi32, #tpu.memory_space<hbm>>
        %dma_start3A_73 = arith.constant 0 : i32
        %dma_start3A_74 = tpu.memref_slice %arg3[%add3A, %add3A_62, %dma_start3A_73] : memref<32x79x128xi32, #tpu.memory_space<hbm>> -> memref<1x1x128xi32, #tpu.memory_space<hbm>>
        %dma_start3A_75 = tpu.memref_squeeze %dma_start3A_74 : memref<1x1x128xi32, #tpu.memory_space<hbm>> -> memref<128xi32, #tpu.memory_space<hbm>>
        tpu.enqueue_dma source(%dma_start3A_75 : memref<128xi32, #tpu.memory_space<hbm>>) target(%arg7 : memref<128xi32, #tpu.memory_space<vmem>>) target_semaphore(%run_scoped3A_69 : memref<!tpu.dma_semaphore, #tpu.memory_space<semaphore_mem>>)
        %dma_wait3A_76 = arith.constant 0 : i32
        %dma_wait3A_77 = tpu.memref_slice %arg3[%add3A, %add3A_62, %dma_wait3A_76] : memref<32x79x128xi32, #tpu.memory_space<hbm>> -> memref<1x1x128xi32, #tpu.memory_space<hbm>>
        %dma_wait3A_78 = tpu.memref_squeeze %dma_wait3A_77 : memref<1x1x128xi32, #tpu.memory_space<hbm>> -> memref<128xi32, #tpu.memory_space<hbm>>
        %dma_wait3A_79 = arith.constant 0 : i32
        %dma_wait3A_80 = tpu.memref_slice %arg3[%add3A, %add3A_62, %dma_wait3A_79] : memref<32x79x128xi32, #tpu.memory_space<hbm>> -> memref<1x1x128xi32, #tpu.memory_space<hbm>>
        %dma_wait3A_81 = tpu.memref_squeeze %dma_wait3A_80 : memref<1x1x128xi32, #tpu.memory_space<hbm>> -> memref<128xi32, #tpu.memory_space<hbm>>
        tpu.wait_dma2 semaphore(%run_scoped3A_69 : memref<!tpu.dma_semaphore, #tpu.memory_space<semaphore_mem>>) src(%dma_wait3A_81 : memref<128xi32, #tpu.memory_space<hbm>>) dst(%arg7 : memref<128xi32, #tpu.memory_space<vmem>>)
        tpu.yield
      }) : () -> ()
      "tpu.region"() ({
        %run_scoped3A_69 = tpu.sem_alloc : memref<!tpu.dma_semaphore, #tpu.memory_space<semaphore_mem>>
        %dma_start3A_70 = arith.constant 0 : i32
        %dma_start3A_71 = tpu.memref_slice %arg4[%add3A, %add3A_62, %dma_start3A_70] : memref<32x79x128xi32, #tpu.memory_space<hbm>> -> memref<1x1x128xi32, #tpu.memory_space<hbm>>
        %dma_start3A_72 = tpu.memref_squeeze %dma_start3A_71 : memref<1x1x128xi32, #tpu.memory_space<hbm>> -> memref<128xi32, #tpu.memory_space<hbm>>
        %dma_start3A_73 = arith.constant 0 : i32
        %dma_start3A_74 = tpu.memref_slice %arg4[%add3A, %add3A_62, %dma_start3A_73] : memref<32x79x128xi32, #tpu.memory_space<hbm>> -> memref<1x1x128xi32, #tpu.memory_space<hbm>>
        %dma_start3A_75 = tpu.memref_squeeze %dma_start3A_74 : memref<1x1x128xi32, #tpu.memory_space<hbm>> -> memref<128xi32, #tpu.memory_space<hbm>>
        tpu.enqueue_dma source(%dma_start3A_75 : memref<128xi32, #tpu.memory_space<hbm>>) target(%arg9 : memref<128xi32, #tpu.memory_space<vmem>>) target_semaphore(%run_scoped3A_69 : memref<!tpu.dma_semaphore, #tpu.memory_space<semaphore_mem>>)
        %dma_wait3A_76 = arith.constant 0 : i32
        %dma_wait3A_77 = tpu.memref_slice %arg4[%add3A, %add3A_62, %dma_wait3A_76] : memref<32x79x128xi32, #tpu.memory_space<hbm>> -> memref<1x1x128xi32, #tpu.memory_space<hbm>>
        %dma_wait3A_78 = tpu.memref_squeeze %dma_wait3A_77 : memref<1x1x128xi32, #tpu.memory_space<hbm>> -> memref<128xi32, #tpu.memory_space<hbm>>
        %dma_wait3A_79 = arith.constant 0 : i32
        %dma_wait3A_80 = tpu.memref_slice %arg4[%add3A, %add3A_62, %dma_wait3A_79] : memref<32x79x128xi32, #tpu.memory_space<hbm>> -> memref<1x1x128xi32, #tpu.memory_space<hbm>>
        %dma_wait3A_81 = tpu.memref_squeeze %dma_wait3A_80 : memref<1x1x128xi32, #tpu.memory_space<hbm>> -> memref<128xi32, #tpu.memory_space<hbm>>
        tpu.wait_dma2 semaphore(%run_scoped3A_69 : memref<!tpu.dma_semaphore, #tpu.memory_space<semaphore_mem>>) src(%dma_wait3A_81 : memref<128xi32, #tpu.memory_space<hbm>>) dst(%arg9 : memref<128xi32, #tpu.memory_space<vmem>>)
        tpu.yield
      }) : () -> ()
      %dma_start3A_66 = arith.constant 0 : i32
      %dma_start3A_67 = arith.constant 0 : i32
      %dma_start3A_68 = tpu.memref_slice %arg2[%dma_start3A_66, %dma_start3A_67] : memref<10240x144xf32, #tpu.memory_space<hbm>> -> memref<10240x144xf32, #tpu.memory_space<hbm>>
      tpu.enqueue_indirect_dma source(%dma_start3A_68 : memref<10240x144xf32, #tpu.memory_space<hbm>>) target(%arg11 : memref<128x144xf32, #tpu.memory_space<vmem>>) offsets(%arg7 : memref<128xi32, #tpu.memory_space<vmem>>) semaphore(%arg15 : memref<!tpu.dma_semaphore, #tpu.memory_space<semaphore_mem>>)
    }
    %scan3A_25 = arith.constant 38 : i32
    %dma_wait3A = arith.constant 0 : i32
    %dma_wait3A_26 = arith.constant 0 : i32
    %dma_wait3A_27 = tpu.memref_slice %arg2[%dma_wait3A, %dma_wait3A_26] : memref<10240x144xf32, #tpu.memory_space<hbm>> -> memref<10240x144xf32, #tpu.memory_space<hbm>>
    tpu.wait_indirect_dma semaphore(%arg14 : memref<!tpu.dma_semaphore, #tpu.memory_space<semaphore_mem>>) src(%dma_wait3A_27 : memref<10240x144xf32, #tpu.memory_space<hbm>>) dst(%arg10 : memref<128x144xf32, #tpu.memory_space<vmem>>)
    "tpu.region"() ({
      %run_scoped3A_40 = tpu.sem_alloc : memref<!tpu.dma_semaphore, #tpu.memory_space<semaphore_mem>>
      %dma_start3A_41 = arith.constant 0 : i32
      %dma_start3A_42 = arith.constant 0 : i32
      %dma_start3A_43 = tpu.memref_slice %arg13[%dma_start3A_41, %dma_start3A_42] : memref<10240x144xf32, #tpu.memory_space<vmem_shared>> -> memref<10240x144xf32, #tpu.memory_space<vmem_shared>>
      tpu.enqueue_indirect_dma source(%arg10 : memref<128x144xf32, #tpu.memory_space<vmem>>) target(%dma_start3A_43 : memref<10240x144xf32, #tpu.memory_space<vmem_shared>>) offsets(%arg8 : memref<128xi32, #tpu.memory_space<vmem>>) semaphore(%run_scoped3A_40 : memref<!tpu.dma_semaphore, #tpu.memory_space<semaphore_mem>>) {add = true}
      %dma_wait3A_44 = arith.constant 0 : i32
      %dma_wait3A_45 = arith.constant 0 : i32
      %dma_wait3A_46 = tpu.memref_slice %arg13[%dma_wait3A_44, %dma_wait3A_45] : memref<10240x144xf32, #tpu.memory_space<vmem_shared>> -> memref<10240x144xf32, #tpu.memory_space<vmem_shared>>
      tpu.wait_indirect_dma semaphore(%run_scoped3A_40 : memref<!tpu.dma_semaphore, #tpu.memory_space<semaphore_mem>>) src(%arg10 : memref<128x144xf32, #tpu.memory_space<vmem>>) dst(%dma_wait3A_46 : memref<10240x144xf32, #tpu.memory_space<vmem_shared>>)
      tpu.yield
    }) : () -> ()
    %dma_wait3A_28 = arith.constant 0 : i32
    %dma_wait3A_29 = arith.constant 0 : i32
    %dma_wait3A_30 = tpu.memref_slice %arg2[%dma_wait3A_28, %dma_wait3A_29] : memref<10240x144xf32, #tpu.memory_space<hbm>> -> memref<10240x144xf32, #tpu.memory_space<hbm>>
    tpu.wait_indirect_dma semaphore(%arg15 : memref<!tpu.dma_semaphore, #tpu.memory_space<semaphore_mem>>) src(%dma_wait3A_30 : memref<10240x144xf32, #tpu.memory_space<hbm>>) dst(%arg11 : memref<128x144xf32, #tpu.memory_space<vmem>>)
    "tpu.region"() ({
      %run_scoped3A_40 = tpu.sem_alloc : memref<!tpu.dma_semaphore, #tpu.memory_space<semaphore_mem>>
      %dma_start3A_41 = arith.constant 0 : i32
      %dma_start3A_42 = arith.constant 0 : i32
      %dma_start3A_43 = tpu.memref_slice %arg13[%dma_start3A_41, %dma_start3A_42] : memref<10240x144xf32, #tpu.memory_space<vmem_shared>> -> memref<10240x144xf32, #tpu.memory_space<vmem_shared>>
      tpu.enqueue_indirect_dma source(%arg11 : memref<128x144xf32, #tpu.memory_space<vmem>>) target(%dma_start3A_43 : memref<10240x144xf32, #tpu.memory_space<vmem_shared>>) offsets(%arg9 : memref<128xi32, #tpu.memory_space<vmem>>) semaphore(%run_scoped3A_40 : memref<!tpu.dma_semaphore, #tpu.memory_space<semaphore_mem>>) {add = true}
      %dma_wait3A_44 = arith.constant 0 : i32
      %dma_wait3A_45 = arith.constant 0 : i32
      %dma_wait3A_46 = tpu.memref_slice %arg13[%dma_wait3A_44, %dma_wait3A_45] : memref<10240x144xf32, #tpu.memory_space<vmem_shared>> -> memref<10240x144xf32, #tpu.memory_space<vmem_shared>>
      tpu.wait_indirect_dma semaphore(%run_scoped3A_40 : memref<!tpu.dma_semaphore, #tpu.memory_space<semaphore_mem>>) src(%arg11 : memref<128x144xf32, #tpu.memory_space<vmem>>) dst(%dma_wait3A_46 : memref<10240x144xf32, #tpu.memory_space<vmem_shared>>)
      tpu.yield
    }) : () -> ()
    %run_scoped3A_31 = arith.constant 78 : i32
    "tpu.region"() ({
      %run_scoped3A_40 = tpu.sem_alloc : memref<!tpu.dma_semaphore, #tpu.memory_space<semaphore_mem>>
      %dma_start3A_41 = arith.constant 0 : i32
      %dma_start3A_42 = tpu.memref_slice %arg3[%add3A, %run_scoped3A_31, %dma_start3A_41] : memref<32x79x128xi32, #tpu.memory_space<hbm>> -> memref<1x1x128xi32, #tpu.memory_space<hbm>>
      %dma_start3A_43 = tpu.memref_squeeze %dma_start3A_42 : memref<1x1x128xi32, #tpu.memory_space<hbm>> -> memref<128xi32, #tpu.memory_space<hbm>>
      %dma_start3A_44 = arith.constant 0 : i32
      %dma_start3A_45 = tpu.memref_slice %arg3[%add3A, %run_scoped3A_31, %dma_start3A_44] : memref<32x79x128xi32, #tpu.memory_space<hbm>> -> memref<1x1x128xi32, #tpu.memory_space<hbm>>
      %dma_start3A_46 = tpu.memref_squeeze %dma_start3A_45 : memref<1x1x128xi32, #tpu.memory_space<hbm>> -> memref<128xi32, #tpu.memory_space<hbm>>
      tpu.enqueue_dma source(%dma_start3A_46 : memref<128xi32, #tpu.memory_space<hbm>>) target(%arg6 : memref<128xi32, #tpu.memory_space<vmem>>) target_semaphore(%run_scoped3A_40 : memref<!tpu.dma_semaphore, #tpu.memory_space<semaphore_mem>>)
      %dma_wait3A_47 = arith.constant 0 : i32
      %dma_wait3A_48 = tpu.memref_slice %arg3[%add3A, %run_scoped3A_31, %dma_wait3A_47] : memref<32x79x128xi32, #tpu.memory_space<hbm>> -> memref<1x1x128xi32, #tpu.memory_space<hbm>>
      %dma_wait3A_49 = tpu.memref_squeeze %dma_wait3A_48 : memref<1x1x128xi32, #tpu.memory_space<hbm>> -> memref<128xi32, #tpu.memory_space<hbm>>
      %dma_wait3A_50 = arith.constant 0 : i32
      %dma_wait3A_51 = tpu.memref_slice %arg3[%add3A, %run_scoped3A_31, %dma_wait3A_50] : memref<32x79x128xi32, #tpu.memory_space<hbm>> -> memref<1x1x128xi32, #tpu.memory_space<hbm>>
      %dma_wait3A_52 = tpu.memref_squeeze %dma_wait3A_51 : memref<1x1x128xi32, #tpu.memory_space<hbm>> -> memref<128xi32, #tpu.memory_space<hbm>>
      tpu.wait_dma2 semaphore(%run_scoped3A_40 : memref<!tpu.dma_semaphore, #tpu.memory_space<semaphore_mem>>) src(%dma_wait3A_52 : memref<128xi32, #tpu.memory_space<hbm>>) dst(%arg6 : memref<128xi32, #tpu.memory_space<vmem>>)
      tpu.yield
    }) : () -> ()
    %run_scoped3A_32 = arith.constant 78 : i32
    "tpu.region"() ({
      %run_scoped3A_40 = tpu.sem_alloc : memref<!tpu.dma_semaphore, #tpu.memory_space<semaphore_mem>>
      %dma_start3A_41 = arith.constant 0 : i32
      %dma_start3A_42 = tpu.memref_slice %arg4[%add3A, %run_scoped3A_32, %dma_start3A_41] : memref<32x79x128xi32, #tpu.memory_space<hbm>> -> memref<1x1x128xi32, #tpu.memory_space<hbm>>
      %dma_start3A_43 = tpu.memref_squeeze %dma_start3A_42 : memref<1x1x128xi32, #tpu.memory_space<hbm>> -> memref<128xi32, #tpu.memory_space<hbm>>
      %dma_start3A_44 = arith.constant 0 : i32
      %dma_start3A_45 = tpu.memref_slice %arg4[%add3A, %run_scoped3A_32, %dma_start3A_44] : memref<32x79x128xi32, #tpu.memory_space<hbm>> -> memref<1x1x128xi32, #tpu.memory_space<hbm>>
      %dma_start3A_46 = tpu.memref_squeeze %dma_start3A_45 : memref<1x1x128xi32, #tpu.memory_space<hbm>> -> memref<128xi32, #tpu.memory_space<hbm>>
      tpu.enqueue_dma source(%dma_start3A_46 : memref<128xi32, #tpu.memory_space<hbm>>) target(%arg8 : memref<128xi32, #tpu.memory_space<vmem>>) target_semaphore(%run_scoped3A_40 : memref<!tpu.dma_semaphore, #tpu.memory_space<semaphore_mem>>)
      %dma_wait3A_47 = arith.constant 0 : i32
      %dma_wait3A_48 = tpu.memref_slice %arg4[%add3A, %run_scoped3A_32, %dma_wait3A_47] : memref<32x79x128xi32, #tpu.memory_space<hbm>> -> memref<1x1x128xi32, #tpu.memory_space<hbm>>
      %dma_wait3A_49 = tpu.memref_squeeze %dma_wait3A_48 : memref<1x1x128xi32, #tpu.memory_space<hbm>> -> memref<128xi32, #tpu.memory_space<hbm>>
      %dma_wait3A_50 = arith.constant 0 : i32
      %dma_wait3A_51 = tpu.memref_slice %arg4[%add3A, %run_scoped3A_32, %dma_wait3A_50] : memref<32x79x128xi32, #tpu.memory_space<hbm>> -> memref<1x1x128xi32, #tpu.memory_space<hbm>>
      %dma_wait3A_52 = tpu.memref_squeeze %dma_wait3A_51 : memref<1x1x128xi32, #tpu.memory_space<hbm>> -> memref<128xi32, #tpu.memory_space<hbm>>
      tpu.wait_dma2 semaphore(%run_scoped3A_40 : memref<!tpu.dma_semaphore, #tpu.memory_space<semaphore_mem>>) src(%dma_wait3A_52 : memref<128xi32, #tpu.memory_space<hbm>>) dst(%arg8 : memref<128xi32, #tpu.memory_space<vmem>>)
      tpu.yield
    }) : () -> ()
    %dma_start3A_33 = arith.constant 0 : i32
    %dma_start3A_34 = arith.constant 0 : i32
    %dma_start3A_35 = tpu.memref_slice %arg2[%dma_start3A_33, %dma_start3A_34] : memref<10240x144xf32, #tpu.memory_space<hbm>> -> memref<10240x144xf32, #tpu.memory_space<hbm>>
    tpu.enqueue_indirect_dma source(%dma_start3A_35 : memref<10240x144xf32, #tpu.memory_space<hbm>>) target(%arg10 : memref<128x144xf32, #tpu.memory_space<vmem>>) offsets(%arg6 : memref<128xi32, #tpu.memory_space<vmem>>) semaphore(%arg14 : memref<!tpu.dma_semaphore, #tpu.memory_space<semaphore_mem>>)
    %dma_wait3A_36 = arith.constant 0 : i32
    %dma_wait3A_37 = arith.constant 0 : i32
    %dma_wait3A_38 = tpu.memref_slice %arg2[%dma_wait3A_36, %dma_wait3A_37] : memref<10240x144xf32, #tpu.memory_space<hbm>> -> memref<10240x144xf32, #tpu.memory_space<hbm>>
    tpu.wait_indirect_dma semaphore(%arg14 : memref<!tpu.dma_semaphore, #tpu.memory_space<semaphore_mem>>) src(%dma_wait3A_38 : memref<10240x144xf32, #tpu.memory_space<hbm>>) dst(%arg10 : memref<128x144xf32, #tpu.memory_space<vmem>>)
    "tpu.region"() ({
      %run_scoped3A_40 = tpu.sem_alloc : memref<!tpu.dma_semaphore, #tpu.memory_space<semaphore_mem>>
      %dma_start3A_41 = arith.constant 0 : i32
      %dma_start3A_42 = arith.constant 0 : i32
      %dma_start3A_43 = tpu.memref_slice %arg13[%dma_start3A_41, %dma_start3A_42] : memref<10240x144xf32, #tpu.memory_space<vmem_shared>> -> memref<10240x144xf32, #tpu.memory_space<vmem_shared>>
      tpu.enqueue_indirect_dma source(%arg10 : memref<128x144xf32, #tpu.memory_space<vmem>>) target(%dma_start3A_43 : memref<10240x144xf32, #tpu.memory_space<vmem_shared>>) offsets(%arg8 : memref<128xi32, #tpu.memory_space<vmem>>) semaphore(%run_scoped3A_40 : memref<!tpu.dma_semaphore, #tpu.memory_space<semaphore_mem>>) {add = true}
      %dma_wait3A_44 = arith.constant 0 : i32
      %dma_wait3A_45 = arith.constant 0 : i32
      %dma_wait3A_46 = tpu.memref_slice %arg13[%dma_wait3A_44, %dma_wait3A_45] : memref<10240x144xf32, #tpu.memory_space<vmem_shared>> -> memref<10240x144xf32, #tpu.memory_space<vmem_shared>>
      tpu.wait_indirect_dma semaphore(%run_scoped3A_40 : memref<!tpu.dma_semaphore, #tpu.memory_space<semaphore_mem>>) src(%arg10 : memref<128x144xf32, #tpu.memory_space<vmem>>) dst(%dma_wait3A_46 : memref<10240x144xf32, #tpu.memory_space<vmem_shared>>)
      tpu.yield
    }) : () -> ()
    %barrier3A_39 = arith.constant 0 : index
    tpu.barrier barrier_id(%barrier3A_39)
    "tpu.region"() ({
      %run_scoped3A_40 = tpu.sem_alloc : memref<!tpu.dma_semaphore, #tpu.memory_space<semaphore_mem>>
      %dma_start3A_41 = arith.constant 0 : i32
      %dma_start3A_42 = tpu.memref_slice %arg5[%arg0, %mul3A_7, %dma_start3A_41] : memref<2x10240x144xf32, #tpu.memory_space<hbm>> -> memref<1x640x144xf32, #tpu.memory_space<hbm>>
      %dma_start3A_43 = tpu.memref_squeeze %dma_start3A_42 : memref<1x640x144xf32, #tpu.memory_space<hbm>> -> memref<640x144xf32, #tpu.memory_space<hbm>>
      %dma_start3A_44 = arith.constant 0 : i32
      %dma_start3A_45 = tpu.memref_slice %arg13[%mul3A_7, %dma_start3A_44] : memref<10240x144xf32, #tpu.memory_space<vmem_shared>> -> memref<640x144xf32, #tpu.memory_space<vmem_shared>>
      tpu.enqueue_dma source(%dma_start3A_45 : memref<640x144xf32, #tpu.memory_space<vmem_shared>>) target(%dma_start3A_43 : memref<640x144xf32, #tpu.memory_space<hbm>>) target_semaphore(%run_scoped3A_40 : memref<!tpu.dma_semaphore, #tpu.memory_space<semaphore_mem>>)
      %dma_wait3A_46 = arith.constant 0 : i32
      %dma_wait3A_47 = tpu.memref_slice %arg5[%arg0, %mul3A_7, %dma_wait3A_46] : memref<2x10240x144xf32, #tpu.memory_space<hbm>> -> memref<1x640x144xf32, #tpu.memory_space<hbm>>
      %dma_wait3A_48 = tpu.memref_squeeze %dma_wait3A_47 : memref<1x640x144xf32, #tpu.memory_space<hbm>> -> memref<640x144xf32, #tpu.memory_space<hbm>>
      %dma_wait3A_49 = arith.constant 0 : i32
      %dma_wait3A_50 = tpu.memref_slice %arg13[%mul3A_7, %dma_wait3A_49] : memref<10240x144xf32, #tpu.memory_space<vmem_shared>> -> memref<640x144xf32, #tpu.memory_space<vmem_shared>>
      tpu.wait_dma2 semaphore(%run_scoped3A_40 : memref<!tpu.dma_semaphore, #tpu.memory_space<semaphore_mem>>) src(%dma_wait3A_50 : memref<640x144xf32, #tpu.memory_space<vmem_shared>>) dst(%dma_wait3A_48 : memref<640x144xf32, #tpu.memory_space<hbm>>)
      tpu.yield
    }) : () -> ()
    return
  }
}

#map = affine_map<(d0, d1) -> (0, 0)>
#map1 = affine_map<(d0, d1) -> (0, 0, 0)>
module attributes {stable_mosaic.version = 14 : i64} {
  func.func @body(%arg0: i32, %arg1: i32, %arg2: memref<10240x128xf32, #tpu.memory_space<hbm>>, %arg3: memref<32x79x128xi32, #tpu.memory_space<hbm>>, %arg4: memref<32x79x128xi32, #tpu.memory_space<hbm>>, %arg5: memref<2x10240x128xf32, #tpu.memory_space<hbm>>, %arg6: memref<128xi32, #tpu.memory_space<vmem>>, %arg7: memref<128xi32, #tpu.memory_space<vmem>>, %arg8: memref<128xi32, #tpu.memory_space<vmem>>, %arg9: memref<128xi32, #tpu.memory_space<vmem>>, %arg10: memref<128x128xf32, #tpu.memory_space<vmem>>, %arg11: memref<128x128xf32, #tpu.memory_space<vmem>>, %arg12: memref<32x128xf32, #tpu.memory_space<vmem>>, %arg13: memref<10240x128xf32, #tpu.memory_space<vmem_shared>>, %arg14: memref<!tpu.dma_semaphore, #tpu.memory_space<semaphore_mem>>, %arg15: memref<!tpu.dma_semaphore, #tpu.memory_space<semaphore_mem>>) attributes {dimension_semantics = [#tpu.dimension_semantics<core_parallel>, #tpu.dimension_semantics<subcore_parallel>], iteration_bounds = array<i64: 2, 16>, scalar_prefetch = 0 : i64, scratch_operands = 10 : i64, tpu.core_type = #tpu.core_type<sc_vector_subcore>, window_params = [{transform_indices = #map}, {transform_indices = #map1}, {transform_indices = #map1}, {transform_indices = #map1}]} {
    %mul3A = arith.constant 16 : i32
    %mul3A_0 = arith.muli %arg0, %mul3A : i32
    %add3A = arith.addi %mul3A_0, %arg1 : i32
    %broadcast_in_dim3A = arith.constant 0.000000e+00 : f32
    %broadcast_in_dim3A_1 = vector.broadcast %broadcast_in_dim3A : f32 to vector<16xf32>
    %scan3A = arith.constant 0 : i32
    %scan3A_2 = arith.constant 32 : i32
    %scan3A_3 = arith.addi %scan3A, %scan3A_2 : i32
    %scan3A_4 = arith.constant 1 : i32
    scf.for %scan3A_40 = %scan3A to %scan3A_3 step %scan3A_4  : i32 {
      %mul3A_41 = arith.constant 1 : i32
      %mul3A_42 = arith.muli %scan3A_40, %mul3A_41 : i32
      %add3A_43 = arith.constant 0 : i32
      %add3A_44 = arith.addi %add3A_43, %mul3A_42 : i32
      %swap3A = arith.index_cast %add3A_44 : i32 to index
      %swap3A_45 = arith.constant 0 : index
      %swap3A_46 = tpu.vector_load %arg12[%swap3A, %swap3A_45] {strides = array<i32>} : memref<32x128xf32, #tpu.memory_space<vmem>>, vector<1x16xf32>,
      %swap3A_47 = vector.shape_cast %swap3A_46 : vector<1x16xf32> to vector<16xf32>
      %swap3A_48 = vector.shape_cast %broadcast_in_dim3A_1 : vector<16xf32> to vector<1x16xf32>
      tpu.vector_store %arg12[%swap3A, %swap3A_45], %swap3A_48 {strides = array<i32>} : memref<32x128xf32, #tpu.memory_space<vmem>>, vector<1x16xf32>,
      %swap3A_49 = arith.index_cast %add3A_44 : i32 to index
      %swap3A_50 = arith.constant 16 : index
      %swap3A_51 = tpu.vector_load %arg12[%swap3A_49, %swap3A_50] {strides = array<i32>} : memref<32x128xf32, #tpu.memory_space<vmem>>, vector<1x16xf32>,
      %swap3A_52 = vector.shape_cast %swap3A_51 : vector<1x16xf32> to vector<16xf32>
      %swap3A_53 = vector.shape_cast %broadcast_in_dim3A_1 : vector<16xf32> to vector<1x16xf32>
      tpu.vector_store %arg12[%swap3A_49, %swap3A_50], %swap3A_53 {strides = array<i32>} : memref<32x128xf32, #tpu.memory_space<vmem>>, vector<1x16xf32>,
      %swap3A_54 = arith.index_cast %add3A_44 : i32 to index
      %swap3A_55 = arith.constant 32 : index
      %swap3A_56 = tpu.vector_load %arg12[%swap3A_54, %swap3A_55] {strides = array<i32>} : memref<32x128xf32, #tpu.memory_space<vmem>>, vector<1x16xf32>,
      %swap3A_57 = vector.shape_cast %swap3A_56 : vector<1x16xf32> to vector<16xf32>
      %swap3A_58 = vector.shape_cast %broadcast_in_dim3A_1 : vector<16xf32> to vector<1x16xf32>
      tpu.vector_store %arg12[%swap3A_54, %swap3A_55], %swap3A_58 {strides = array<i32>} : memref<32x128xf32, #tpu.memory_space<vmem>>, vector<1x16xf32>,
      %swap3A_59 = arith.index_cast %add3A_44 : i32 to index
      %swap3A_60 = arith.constant 48 : index
      %swap3A_61 = tpu.vector_load %arg12[%swap3A_59, %swap3A_60] {strides = array<i32>} : memref<32x128xf32, #tpu.memory_space<vmem>>, vector<1x16xf32>,
      %swap3A_62 = vector.shape_cast %swap3A_61 : vector<1x16xf32> to vector<16xf32>
      %swap3A_63 = vector.shape_cast %broadcast_in_dim3A_1 : vector<16xf32> to vector<1x16xf32>
      tpu.vector_store %arg12[%swap3A_59, %swap3A_60], %swap3A_63 {strides = array<i32>} : memref<32x128xf32, #tpu.memory_space<vmem>>, vector<1x16xf32>,
      %swap3A_64 = arith.index_cast %add3A_44 : i32 to index
      %swap3A_65 = arith.constant 64 : index
      %swap3A_66 = tpu.vector_load %arg12[%swap3A_64, %swap3A_65] {strides = array<i32>} : memref<32x128xf32, #tpu.memory_space<vmem>>, vector<1x16xf32>,
      %swap3A_67 = vector.shape_cast %swap3A_66 : vector<1x16xf32> to vector<16xf32>
      %swap3A_68 = vector.shape_cast %broadcast_in_dim3A_1 : vector<16xf32> to vector<1x16xf32>
      tpu.vector_store %arg12[%swap3A_64, %swap3A_65], %swap3A_68 {strides = array<i32>} : memref<32x128xf32, #tpu.memory_space<vmem>>, vector<1x16xf32>,
      %swap3A_69 = arith.index_cast %add3A_44 : i32 to index
      %swap3A_70 = arith.constant 80 : index
      %swap3A_71 = tpu.vector_load %arg12[%swap3A_69, %swap3A_70] {strides = array<i32>} : memref<32x128xf32, #tpu.memory_space<vmem>>, vector<1x16xf32>,
      %swap3A_72 = vector.shape_cast %swap3A_71 : vector<1x16xf32> to vector<16xf32>
      %swap3A_73 = vector.shape_cast %broadcast_in_dim3A_1 : vector<16xf32> to vector<1x16xf32>
      tpu.vector_store %arg12[%swap3A_69, %swap3A_70], %swap3A_73 {strides = array<i32>} : memref<32x128xf32, #tpu.memory_space<vmem>>, vector<1x16xf32>,
      %swap3A_74 = arith.index_cast %add3A_44 : i32 to index
      %swap3A_75 = arith.constant 96 : index
      %swap3A_76 = tpu.vector_load %arg12[%swap3A_74, %swap3A_75] {strides = array<i32>} : memref<32x128xf32, #tpu.memory_space<vmem>>, vector<1x16xf32>,
      %swap3A_77 = vector.shape_cast %swap3A_76 : vector<1x16xf32> to vector<16xf32>
      %swap3A_78 = vector.shape_cast %broadcast_in_dim3A_1 : vector<16xf32> to vector<1x16xf32>
      tpu.vector_store %arg12[%swap3A_74, %swap3A_75], %swap3A_78 {strides = array<i32>} : memref<32x128xf32, #tpu.memory_space<vmem>>, vector<1x16xf32>,
      %swap3A_79 = arith.index_cast %add3A_44 : i32 to index
      %swap3A_80 = arith.constant 112 : index
      %swap3A_81 = tpu.vector_load %arg12[%swap3A_79, %swap3A_80] {strides = array<i32>} : memref<32x128xf32, #tpu.memory_space<vmem>>, vector<1x16xf32>,
      %swap3A_82 = vector.shape_cast %swap3A_81 : vector<1x16xf32> to vector<16xf32>
      %swap3A_83 = vector.shape_cast %broadcast_in_dim3A_1 : vector<16xf32> to vector<1x16xf32>
      tpu.vector_store %arg12[%swap3A_79, %swap3A_80], %swap3A_83 {strides = array<i32>} : memref<32x128xf32, #tpu.memory_space<vmem>>, vector<1x16xf32>,
    }
    %scan3A_5 = arith.constant 32 : i32
    %mul3A_6 = arith.constant 640 : i32
    %mul3A_7 = arith.muli %arg1, %mul3A_6 : i32
    %scan3A_8 = arith.constant 0 : i32
    %scan3A_9 = arith.constant 20 : i32
    %scan3A_10 = arith.addi %scan3A_8, %scan3A_9 : i32
    %scan3A_11 = arith.constant 1 : i32
    scf.for %scan3A_40 = %scan3A_8 to %scan3A_10 step %scan3A_11  : i32 {
      %mul3A_41 = arith.constant 1 : i32
      %mul3A_42 = arith.muli %scan3A_40, %mul3A_41 : i32
      %add3A_43 = arith.constant 0 : i32
      %add3A_44 = arith.addi %add3A_43, %mul3A_42 : i32
      %mul3A_45 = arith.constant 32 : i32
      %mul3A_46 = arith.muli %add3A_44, %mul3A_45 : i32
      %add3A_47 = arith.addi %mul3A_7, %mul3A_46 : i32
      "tpu.region"() ({
        %run_scoped3A_48 = tpu.sem_alloc : memref<!tpu.dma_semaphore, #tpu.memory_space<semaphore_mem>>
        %dma_start3A_49 = arith.constant 0 : i32
        %dma_start3A_50 = tpu.memref_slice %arg13[%add3A_47, %dma_start3A_49] : memref<10240x128xf32, #tpu.memory_space<vmem_shared>> -> memref<32x128xf32, #tpu.memory_space<vmem_shared>>
        %dma_start3A_51 = arith.constant 0 : i32
        %dma_start3A_52 = tpu.memref_slice %arg13[%add3A_47, %dma_start3A_51] : memref<10240x128xf32, #tpu.memory_space<vmem_shared>> -> memref<32x128xf32, #tpu.memory_space<vmem_shared>>
        tpu.enqueue_dma source(%arg12 : memref<32x128xf32, #tpu.memory_space<vmem>>) target(%dma_start3A_52 : memref<32x128xf32, #tpu.memory_space<vmem_shared>>) target_semaphore(%run_scoped3A_48 : memref<!tpu.dma_semaphore, #tpu.memory_space<semaphore_mem>>)
        %dma_wait3A_53 = arith.constant 0 : i32
        %dma_wait3A_54 = tpu.memref_slice %arg13[%add3A_47, %dma_wait3A_53] : memref<10240x128xf32, #tpu.memory_space<vmem_shared>> -> memref<32x128xf32, #tpu.memory_space<vmem_shared>>
        %dma_wait3A_55 = arith.constant 0 : i32
        %dma_wait3A_56 = tpu.memref_slice %arg13[%add3A_47, %dma_wait3A_55] : memref<10240x128xf32, #tpu.memory_space<vmem_shared>> -> memref<32x128xf32, #tpu.memory_space<vmem_shared>>
        tpu.wait_dma2 semaphore(%run_scoped3A_48 : memref<!tpu.dma_semaphore, #tpu.memory_space<semaphore_mem>>) src(%arg12 : memref<32x128xf32, #tpu.memory_space<vmem>>) dst(%dma_wait3A_56 : memref<32x128xf32, #tpu.memory_space<vmem_shared>>)
        tpu.yield
      }) : () -> ()
    }
    %scan3A_12 = arith.constant 20 : i32
    %barrier3A = arith.constant 0 : index
    tpu.barrier barrier_id(%barrier3A)
    %run_scoped3A = arith.constant 0 : i32
    "tpu.region"() ({
      %run_scoped3A_40 = tpu.sem_alloc : memref<!tpu.dma_semaphore, #tpu.memory_space<semaphore_mem>>
      %dma_start3A_41 = arith.constant 0 : i32
      %dma_start3A_42 = tpu.memref_slice %arg3[%add3A, %run_scoped3A, %dma_start3A_41] : memref<32x79x128xi32, #tpu.memory_space<hbm>> -> memref<1x1x128xi32, #tpu.memory_space<hbm>>
      %dma_start3A_43 = tpu.memref_squeeze %dma_start3A_42 : memref<1x1x128xi32, #tpu.memory_space<hbm>> -> memref<128xi32, #tpu.memory_space<hbm>>
      %dma_start3A_44 = arith.constant 0 : i32
      %dma_start3A_45 = tpu.memref_slice %arg3[%add3A, %run_scoped3A, %dma_start3A_44] : memref<32x79x128xi32, #tpu.memory_space<hbm>> -> memref<1x1x128xi32, #tpu.memory_space<hbm>>
      %dma_start3A_46 = tpu.memref_squeeze %dma_start3A_45 : memref<1x1x128xi32, #tpu.memory_space<hbm>> -> memref<128xi32, #tpu.memory_space<hbm>>
      tpu.enqueue_dma source(%dma_start3A_46 : memref<128xi32, #tpu.memory_space<hbm>>) target(%arg6 : memref<128xi32, #tpu.memory_space<vmem>>) target_semaphore(%run_scoped3A_40 : memref<!tpu.dma_semaphore, #tpu.memory_space<semaphore_mem>>)
      %dma_wait3A_47 = arith.constant 0 : i32
      %dma_wait3A_48 = tpu.memref_slice %arg3[%add3A, %run_scoped3A, %dma_wait3A_47] : memref<32x79x128xi32, #tpu.memory_space<hbm>> -> memref<1x1x128xi32, #tpu.memory_space<hbm>>
      %dma_wait3A_49 = tpu.memref_squeeze %dma_wait3A_48 : memref<1x1x128xi32, #tpu.memory_space<hbm>> -> memref<128xi32, #tpu.memory_space<hbm>>
      %dma_wait3A_50 = arith.constant 0 : i32
      %dma_wait3A_51 = tpu.memref_slice %arg3[%add3A, %run_scoped3A, %dma_wait3A_50] : memref<32x79x128xi32, #tpu.memory_space<hbm>> -> memref<1x1x128xi32, #tpu.memory_space<hbm>>
      %dma_wait3A_52 = tpu.memref_squeeze %dma_wait3A_51 : memref<1x1x128xi32, #tpu.memory_space<hbm>> -> memref<128xi32, #tpu.memory_space<hbm>>
      tpu.wait_dma2 semaphore(%run_scoped3A_40 : memref<!tpu.dma_semaphore, #tpu.memory_space<semaphore_mem>>) src(%dma_wait3A_52 : memref<128xi32, #tpu.memory_space<hbm>>) dst(%arg6 : memref<128xi32, #tpu.memory_space<vmem>>)
      tpu.yield
    }) : () -> ()
    %run_scoped3A_13 = arith.constant 0 : i32
    "tpu.region"() ({
      %run_scoped3A_40 = tpu.sem_alloc : memref<!tpu.dma_semaphore, #tpu.memory_space<semaphore_mem>>
      %dma_start3A_41 = arith.constant 0 : i32
      %dma_start3A_42 = tpu.memref_slice %arg4[%add3A, %run_scoped3A_13, %dma_start3A_41] : memref<32x79x128xi32, #tpu.memory_space<hbm>> -> memref<1x1x128xi32, #tpu.memory_space<hbm>>
      %dma_start3A_43 = tpu.memref_squeeze %dma_start3A_42 : memref<1x1x128xi32, #tpu.memory_space<hbm>> -> memref<128xi32, #tpu.memory_space<hbm>>
      %dma_start3A_44 = arith.constant 0 : i32
      %dma_start3A_45 = tpu.memref_slice %arg4[%add3A, %run_scoped3A_13, %dma_start3A_44] : memref<32x79x128xi32, #tpu.memory_space<hbm>> -> memref<1x1x128xi32, #tpu.memory_space<hbm>>
      %dma_start3A_46 = tpu.memref_squeeze %dma_start3A_45 : memref<1x1x128xi32, #tpu.memory_space<hbm>> -> memref<128xi32, #tpu.memory_space<hbm>>
      tpu.enqueue_dma source(%dma_start3A_46 : memref<128xi32, #tpu.memory_space<hbm>>) target(%arg8 : memref<128xi32, #tpu.memory_space<vmem>>) target_semaphore(%run_scoped3A_40 : memref<!tpu.dma_semaphore, #tpu.memory_space<semaphore_mem>>)
      %dma_wait3A_47 = arith.constant 0 : i32
      %dma_wait3A_48 = tpu.memref_slice %arg4[%add3A, %run_scoped3A_13, %dma_wait3A_47] : memref<32x79x128xi32, #tpu.memory_space<hbm>> -> memref<1x1x128xi32, #tpu.memory_space<hbm>>
      %dma_wait3A_49 = tpu.memref_squeeze %dma_wait3A_48 : memref<1x1x128xi32, #tpu.memory_space<hbm>> -> memref<128xi32, #tpu.memory_space<hbm>>
      %dma_wait3A_50 = arith.constant 0 : i32
      %dma_wait3A_51 = tpu.memref_slice %arg4[%add3A, %run_scoped3A_13, %dma_wait3A_50] : memref<32x79x128xi32, #tpu.memory_space<hbm>> -> memref<1x1x128xi32, #tpu.memory_space<hbm>>
      %dma_wait3A_52 = tpu.memref_squeeze %dma_wait3A_51 : memref<1x1x128xi32, #tpu.memory_space<hbm>> -> memref<128xi32, #tpu.memory_space<hbm>>
      tpu.wait_dma2 semaphore(%run_scoped3A_40 : memref<!tpu.dma_semaphore, #tpu.memory_space<semaphore_mem>>) src(%dma_wait3A_52 : memref<128xi32, #tpu.memory_space<hbm>>) dst(%arg8 : memref<128xi32, #tpu.memory_space<vmem>>)
      tpu.yield
    }) : () -> ()
    %dma_start3A = arith.constant 0 : i32
    %dma_start3A_14 = arith.constant 0 : i32
    %dma_start3A_15 = tpu.memref_slice %arg2[%dma_start3A, %dma_start3A_14] : memref<10240x128xf32, #tpu.memory_space<hbm>> -> memref<10240x128xf32, #tpu.memory_space<hbm>>
    tpu.enqueue_indirect_dma source(%dma_start3A_15 : memref<10240x128xf32, #tpu.memory_space<hbm>>) target(%arg10 : memref<128x128xf32, #tpu.memory_space<vmem>>) offsets(%arg6 : memref<128xi32, #tpu.memory_space<vmem>>) semaphore(%arg14 : memref<!tpu.dma_semaphore, #tpu.memory_space<semaphore_mem>>)
    %run_scoped3A_16 = arith.constant 1 : i32
    "tpu.region"() ({
      %run_scoped3A_40 = tpu.sem_alloc : memref<!tpu.dma_semaphore, #tpu.memory_space<semaphore_mem>>
      %dma_start3A_41 = arith.constant 0 : i32
      %dma_start3A_42 = tpu.memref_slice %arg3[%add3A, %run_scoped3A_16, %dma_start3A_41] : memref<32x79x128xi32, #tpu.memory_space<hbm>> -> memref<1x1x128xi32, #tpu.memory_space<hbm>>
      %dma_start3A_43 = tpu.memref_squeeze %dma_start3A_42 : memref<1x1x128xi32, #tpu.memory_space<hbm>> -> memref<128xi32, #tpu.memory_space<hbm>>
      %dma_start3A_44 = arith.constant 0 : i32
      %dma_start3A_45 = tpu.memref_slice %arg3[%add3A, %run_scoped3A_16, %dma_start3A_44] : memref<32x79x128xi32, #tpu.memory_space<hbm>> -> memref<1x1x128xi32, #tpu.memory_space<hbm>>
      %dma_start3A_46 = tpu.memref_squeeze %dma_start3A_45 : memref<1x1x128xi32, #tpu.memory_space<hbm>> -> memref<128xi32, #tpu.memory_space<hbm>>
      tpu.enqueue_dma source(%dma_start3A_46 : memref<128xi32, #tpu.memory_space<hbm>>) target(%arg7 : memref<128xi32, #tpu.memory_space<vmem>>) target_semaphore(%run_scoped3A_40 : memref<!tpu.dma_semaphore, #tpu.memory_space<semaphore_mem>>)
      %dma_wait3A_47 = arith.constant 0 : i32
      %dma_wait3A_48 = tpu.memref_slice %arg3[%add3A, %run_scoped3A_16, %dma_wait3A_47] : memref<32x79x128xi32, #tpu.memory_space<hbm>> -> memref<1x1x128xi32, #tpu.memory_space<hbm>>
      %dma_wait3A_49 = tpu.memref_squeeze %dma_wait3A_48 : memref<1x1x128xi32, #tpu.memory_space<hbm>> -> memref<128xi32, #tpu.memory_space<hbm>>
      %dma_wait3A_50 = arith.constant 0 : i32
      %dma_wait3A_51 = tpu.memref_slice %arg3[%add3A, %run_scoped3A_16, %dma_wait3A_50] : memref<32x79x128xi32, #tpu.memory_space<hbm>> -> memref<1x1x128xi32, #tpu.memory_space<hbm>>
      %dma_wait3A_52 = tpu.memref_squeeze %dma_wait3A_51 : memref<1x1x128xi32, #tpu.memory_space<hbm>> -> memref<128xi32, #tpu.memory_space<hbm>>
      tpu.wait_dma2 semaphore(%run_scoped3A_40 : memref<!tpu.dma_semaphore, #tpu.memory_space<semaphore_mem>>) src(%dma_wait3A_52 : memref<128xi32, #tpu.memory_space<hbm>>) dst(%arg7 : memref<128xi32, #tpu.memory_space<vmem>>)
      tpu.yield
    }) : () -> ()
    %run_scoped3A_17 = arith.constant 1 : i32
    "tpu.region"() ({
      %run_scoped3A_40 = tpu.sem_alloc : memref<!tpu.dma_semaphore, #tpu.memory_space<semaphore_mem>>
      %dma_start3A_41 = arith.constant 0 : i32
      %dma_start3A_42 = tpu.memref_slice %arg4[%add3A, %run_scoped3A_17, %dma_start3A_41] : memref<32x79x128xi32, #tpu.memory_space<hbm>> -> memref<1x1x128xi32, #tpu.memory_space<hbm>>
      %dma_start3A_43 = tpu.memref_squeeze %dma_start3A_42 : memref<1x1x128xi32, #tpu.memory_space<hbm>> -> memref<128xi32, #tpu.memory_space<hbm>>
      %dma_start3A_44 = arith.constant 0 : i32
      %dma_start3A_45 = tpu.memref_slice %arg4[%add3A, %run_scoped3A_17, %dma_start3A_44] : memref<32x79x128xi32, #tpu.memory_space<hbm>> -> memref<1x1x128xi32, #tpu.memory_space<hbm>>
      %dma_start3A_46 = tpu.memref_squeeze %dma_start3A_45 : memref<1x1x128xi32, #tpu.memory_space<hbm>> -> memref<128xi32, #tpu.memory_space<hbm>>
      tpu.enqueue_dma source(%dma_start3A_46 : memref<128xi32, #tpu.memory_space<hbm>>) target(%arg9 : memref<128xi32, #tpu.memory_space<vmem>>) target_semaphore(%run_scoped3A_40 : memref<!tpu.dma_semaphore, #tpu.memory_space<semaphore_mem>>)
      %dma_wait3A_47 = arith.constant 0 : i32
      %dma_wait3A_48 = tpu.memref_slice %arg4[%add3A, %run_scoped3A_17, %dma_wait3A_47] : memref<32x79x128xi32, #tpu.memory_space<hbm>> -> memref<1x1x128xi32, #tpu.memory_space<hbm>>
      %dma_wait3A_49 = tpu.memref_squeeze %dma_wait3A_48 : memref<1x1x128xi32, #tpu.memory_space<hbm>> -> memref<128xi32, #tpu.memory_space<hbm>>
      %dma_wait3A_50 = arith.constant 0 : i32
      %dma_wait3A_51 = tpu.memref_slice %arg4[%add3A, %run_scoped3A_17, %dma_wait3A_50] : memref<32x79x128xi32, #tpu.memory_space<hbm>> -> memref<1x1x128xi32, #tpu.memory_space<hbm>>
      %dma_wait3A_52 = tpu.memref_squeeze %dma_wait3A_51 : memref<1x1x128xi32, #tpu.memory_space<hbm>> -> memref<128xi32, #tpu.memory_space<hbm>>
      tpu.wait_dma2 semaphore(%run_scoped3A_40 : memref<!tpu.dma_semaphore, #tpu.memory_space<semaphore_mem>>) src(%dma_wait3A_52 : memref<128xi32, #tpu.memory_space<hbm>>) dst(%arg9 : memref<128xi32, #tpu.memory_space<vmem>>)
      tpu.yield
    }) : () -> ()
    %dma_start3A_18 = arith.constant 0 : i32
    %dma_start3A_19 = arith.constant 0 : i32
    %dma_start3A_20 = tpu.memref_slice %arg2[%dma_start3A_18, %dma_start3A_19] : memref<10240x128xf32, #tpu.memory_space<hbm>> -> memref<10240x128xf32, #tpu.memory_space<hbm>>
    tpu.enqueue_indirect_dma source(%dma_start3A_20 : memref<10240x128xf32, #tpu.memory_space<hbm>>) target(%arg11 : memref<128x128xf32, #tpu.memory_space<vmem>>) offsets(%arg7 : memref<128xi32, #tpu.memory_space<vmem>>) semaphore(%arg15 : memref<!tpu.dma_semaphore, #tpu.memory_space<semaphore_mem>>)
    %scan3A_21 = arith.constant 0 : i32
    %scan3A_22 = arith.constant 38 : i32
    %scan3A_23 = arith.addi %scan3A_21, %scan3A_22 : i32
    %scan3A_24 = arith.constant 1 : i32
    scf.for %scan3A_40 = %scan3A_21 to %scan3A_23 step %scan3A_24  : i32 {
      %mul3A_41 = arith.constant 1 : i32
      %mul3A_42 = arith.muli %scan3A_40, %mul3A_41 : i32
      %add3A_43 = arith.constant 0 : i32
      %add3A_44 = arith.addi %add3A_43, %mul3A_42 : i32
      %mul3A_45 = arith.constant 2 : i32
      %mul3A_46 = arith.muli %add3A_44, %mul3A_45 : i32
      %add3A_47 = arith.constant 0 : i32
      %add3A_48 = arith.addi %mul3A_46, %add3A_47 : i32
      %add3A_49 = arith.constant 2 : i32
      %add3A_50 = arith.addi %add3A_48, %add3A_49 : i32
      %dma_wait3A_51 = arith.constant 0 : i32
      %dma_wait3A_52 = arith.constant 0 : i32
      %dma_wait3A_53 = tpu.memref_slice %arg2[%dma_wait3A_51, %dma_wait3A_52] : memref<10240x128xf32, #tpu.memory_space<hbm>> -> memref<10240x128xf32, #tpu.memory_space<hbm>>
      tpu.wait_indirect_dma semaphore(%arg14 : memref<!tpu.dma_semaphore, #tpu.memory_space<semaphore_mem>>) src(%dma_wait3A_53 : memref<10240x128xf32, #tpu.memory_space<hbm>>) dst(%arg10 : memref<128x128xf32, #tpu.memory_space<vmem>>)
      "tpu.region"() ({
        %run_scoped3A_69 = tpu.sem_alloc : memref<!tpu.dma_semaphore, #tpu.memory_space<semaphore_mem>>
        %dma_start3A_70 = arith.constant 0 : i32
        %dma_start3A_71 = arith.constant 0 : i32
        %dma_start3A_72 = tpu.memref_slice %arg13[%dma_start3A_70, %dma_start3A_71] : memref<10240x128xf32, #tpu.memory_space<vmem_shared>> -> memref<10240x128xf32, #tpu.memory_space<vmem_shared>>
        tpu.enqueue_indirect_dma source(%arg10 : memref<128x128xf32, #tpu.memory_space<vmem>>) target(%dma_start3A_72 : memref<10240x128xf32, #tpu.memory_space<vmem_shared>>) offsets(%arg8 : memref<128xi32, #tpu.memory_space<vmem>>) semaphore(%run_scoped3A_69 : memref<!tpu.dma_semaphore, #tpu.memory_space<semaphore_mem>>) {add = true}
        %dma_wait3A_73 = arith.constant 0 : i32
        %dma_wait3A_74 = arith.constant 0 : i32
        %dma_wait3A_75 = tpu.memref_slice %arg13[%dma_wait3A_73, %dma_wait3A_74] : memref<10240x128xf32, #tpu.memory_space<vmem_shared>> -> memref<10240x128xf32, #tpu.memory_space<vmem_shared>>
        tpu.wait_indirect_dma semaphore(%run_scoped3A_69 : memref<!tpu.dma_semaphore, #tpu.memory_space<semaphore_mem>>) src(%arg10 : memref<128x128xf32, #tpu.memory_space<vmem>>) dst(%dma_wait3A_75 : memref<10240x128xf32, #tpu.memory_space<vmem_shared>>)
        tpu.yield
      }) : () -> ()
      "tpu.region"() ({
        %run_scoped3A_69 = tpu.sem_alloc : memref<!tpu.dma_semaphore, #tpu.memory_space<semaphore_mem>>
        %dma_start3A_70 = arith.constant 0 : i32
        %dma_start3A_71 = tpu.memref_slice %arg3[%add3A, %add3A_50, %dma_start3A_70] : memref<32x79x128xi32, #tpu.memory_space<hbm>> -> memref<1x1x128xi32, #tpu.memory_space<hbm>>
        %dma_start3A_72 = tpu.memref_squeeze %dma_start3A_71 : memref<1x1x128xi32, #tpu.memory_space<hbm>> -> memref<128xi32, #tpu.memory_space<hbm>>
        %dma_start3A_73 = arith.constant 0 : i32
        %dma_start3A_74 = tpu.memref_slice %arg3[%add3A, %add3A_50, %dma_start3A_73] : memref<32x79x128xi32, #tpu.memory_space<hbm>> -> memref<1x1x128xi32, #tpu.memory_space<hbm>>
        %dma_start3A_75 = tpu.memref_squeeze %dma_start3A_74 : memref<1x1x128xi32, #tpu.memory_space<hbm>> -> memref<128xi32, #tpu.memory_space<hbm>>
        tpu.enqueue_dma source(%dma_start3A_75 : memref<128xi32, #tpu.memory_space<hbm>>) target(%arg6 : memref<128xi32, #tpu.memory_space<vmem>>) target_semaphore(%run_scoped3A_69 : memref<!tpu.dma_semaphore, #tpu.memory_space<semaphore_mem>>)
        %dma_wait3A_76 = arith.constant 0 : i32
        %dma_wait3A_77 = tpu.memref_slice %arg3[%add3A, %add3A_50, %dma_wait3A_76] : memref<32x79x128xi32, #tpu.memory_space<hbm>> -> memref<1x1x128xi32, #tpu.memory_space<hbm>>
        %dma_wait3A_78 = tpu.memref_squeeze %dma_wait3A_77 : memref<1x1x128xi32, #tpu.memory_space<hbm>> -> memref<128xi32, #tpu.memory_space<hbm>>
        %dma_wait3A_79 = arith.constant 0 : i32
        %dma_wait3A_80 = tpu.memref_slice %arg3[%add3A, %add3A_50, %dma_wait3A_79] : memref<32x79x128xi32, #tpu.memory_space<hbm>> -> memref<1x1x128xi32, #tpu.memory_space<hbm>>
        %dma_wait3A_81 = tpu.memref_squeeze %dma_wait3A_80 : memref<1x1x128xi32, #tpu.memory_space<hbm>> -> memref<128xi32, #tpu.memory_space<hbm>>
        tpu.wait_dma2 semaphore(%run_scoped3A_69 : memref<!tpu.dma_semaphore, #tpu.memory_space<semaphore_mem>>) src(%dma_wait3A_81 : memref<128xi32, #tpu.memory_space<hbm>>) dst(%arg6 : memref<128xi32, #tpu.memory_space<vmem>>)
        tpu.yield
      }) : () -> ()
      "tpu.region"() ({
        %run_scoped3A_69 = tpu.sem_alloc : memref<!tpu.dma_semaphore, #tpu.memory_space<semaphore_mem>>
        %dma_start3A_70 = arith.constant 0 : i32
        %dma_start3A_71 = tpu.memref_slice %arg4[%add3A, %add3A_50, %dma_start3A_70] : memref<32x79x128xi32, #tpu.memory_space<hbm>> -> memref<1x1x128xi32, #tpu.memory_space<hbm>>
        %dma_start3A_72 = tpu.memref_squeeze %dma_start3A_71 : memref<1x1x128xi32, #tpu.memory_space<hbm>> -> memref<128xi32, #tpu.memory_space<hbm>>
        %dma_start3A_73 = arith.constant 0 : i32
        %dma_start3A_74 = tpu.memref_slice %arg4[%add3A, %add3A_50, %dma_start3A_73] : memref<32x79x128xi32, #tpu.memory_space<hbm>> -> memref<1x1x128xi32, #tpu.memory_space<hbm>>
        %dma_start3A_75 = tpu.memref_squeeze %dma_start3A_74 : memref<1x1x128xi32, #tpu.memory_space<hbm>> -> memref<128xi32, #tpu.memory_space<hbm>>
        tpu.enqueue_dma source(%dma_start3A_75 : memref<128xi32, #tpu.memory_space<hbm>>) target(%arg8 : memref<128xi32, #tpu.memory_space<vmem>>) target_semaphore(%run_scoped3A_69 : memref<!tpu.dma_semaphore, #tpu.memory_space<semaphore_mem>>)
        %dma_wait3A_76 = arith.constant 0 : i32
        %dma_wait3A_77 = tpu.memref_slice %arg4[%add3A, %add3A_50, %dma_wait3A_76] : memref<32x79x128xi32, #tpu.memory_space<hbm>> -> memref<1x1x128xi32, #tpu.memory_space<hbm>>
        %dma_wait3A_78 = tpu.memref_squeeze %dma_wait3A_77 : memref<1x1x128xi32, #tpu.memory_space<hbm>> -> memref<128xi32, #tpu.memory_space<hbm>>
        %dma_wait3A_79 = arith.constant 0 : i32
        %dma_wait3A_80 = tpu.memref_slice %arg4[%add3A, %add3A_50, %dma_wait3A_79] : memref<32x79x128xi32, #tpu.memory_space<hbm>> -> memref<1x1x128xi32, #tpu.memory_space<hbm>>
        %dma_wait3A_81 = tpu.memref_squeeze %dma_wait3A_80 : memref<1x1x128xi32, #tpu.memory_space<hbm>> -> memref<128xi32, #tpu.memory_space<hbm>>
        tpu.wait_dma2 semaphore(%run_scoped3A_69 : memref<!tpu.dma_semaphore, #tpu.memory_space<semaphore_mem>>) src(%dma_wait3A_81 : memref<128xi32, #tpu.memory_space<hbm>>) dst(%arg8 : memref<128xi32, #tpu.memory_space<vmem>>)
        tpu.yield
      }) : () -> ()
      %dma_start3A_54 = arith.constant 0 : i32
      %dma_start3A_55 = arith.constant 0 : i32
      %dma_start3A_56 = tpu.memref_slice %arg2[%dma_start3A_54, %dma_start3A_55] : memref<10240x128xf32, #tpu.memory_space<hbm>> -> memref<10240x128xf32, #tpu.memory_space<hbm>>
      tpu.enqueue_indirect_dma source(%dma_start3A_56 : memref<10240x128xf32, #tpu.memory_space<hbm>>) target(%arg10 : memref<128x128xf32, #tpu.memory_space<vmem>>) offsets(%arg6 : memref<128xi32, #tpu.memory_space<vmem>>) semaphore(%arg14 : memref<!tpu.dma_semaphore, #tpu.memory_space<semaphore_mem>>)
      %mul3A_57 = arith.constant 2 : i32
      %mul3A_58 = arith.muli %add3A_44, %mul3A_57 : i32
      %add3A_59 = arith.constant 1 : i32
      %add3A_60 = arith.addi %mul3A_58, %add3A_59 : i32
      %add3A_61 = arith.constant 2 : i32
      %add3A_62 = arith.addi %add3A_60, %add3A_61 : i32
      %dma_wait3A_63 = arith.constant 0 : i32
      %dma_wait3A_64 = arith.constant 0 : i32
      %dma_wait3A_65 = tpu.memref_slice %arg2[%dma_wait3A_63, %dma_wait3A_64] : memref<10240x128xf32, #tpu.memory_space<hbm>> -> memref<10240x128xf32, #tpu.memory_space<hbm>>
      tpu.wait_indirect_dma semaphore(%arg15 : memref<!tpu.dma_semaphore, #tpu.memory_space<semaphore_mem>>) src(%dma_wait3A_65 : memref<10240x128xf32, #tpu.memory_space<hbm>>) dst(%arg11 : memref<128x128xf32, #tpu.memory_space<vmem>>)
      "tpu.region"() ({
        %run_scoped3A_69 = tpu.sem_alloc : memref<!tpu.dma_semaphore, #tpu.memory_space<semaphore_mem>>
        %dma_start3A_70 = arith.constant 0 : i32
        %dma_start3A_71 = arith.constant 0 : i32
        %dma_start3A_72 = tpu.memref_slice %arg13[%dma_start3A_70, %dma_start3A_71] : memref<10240x128xf32, #tpu.memory_space<vmem_shared>> -> memref<10240x128xf32, #tpu.memory_space<vmem_shared>>
        tpu.enqueue_indirect_dma source(%arg11 : memref<128x128xf32, #tpu.memory_space<vmem>>) target(%dma_start3A_72 : memref<10240x128xf32, #tpu.memory_space<vmem_shared>>) offsets(%arg9 : memref<128xi32, #tpu.memory_space<vmem>>) semaphore(%run_scoped3A_69 : memref<!tpu.dma_semaphore, #tpu.memory_space<semaphore_mem>>) {add = true}
        %dma_wait3A_73 = arith.constant 0 : i32
        %dma_wait3A_74 = arith.constant 0 : i32
        %dma_wait3A_75 = tpu.memref_slice %arg13[%dma_wait3A_73, %dma_wait3A_74] : memref<10240x128xf32, #tpu.memory_space<vmem_shared>> -> memref<10240x128xf32, #tpu.memory_space<vmem_shared>>
        tpu.wait_indirect_dma semaphore(%run_scoped3A_69 : memref<!tpu.dma_semaphore, #tpu.memory_space<semaphore_mem>>) src(%arg11 : memref<128x128xf32, #tpu.memory_space<vmem>>) dst(%dma_wait3A_75 : memref<10240x128xf32, #tpu.memory_space<vmem_shared>>)
        tpu.yield
      }) : () -> ()
      "tpu.region"() ({
        %run_scoped3A_69 = tpu.sem_alloc : memref<!tpu.dma_semaphore, #tpu.memory_space<semaphore_mem>>
        %dma_start3A_70 = arith.constant 0 : i32
        %dma_start3A_71 = tpu.memref_slice %arg3[%add3A, %add3A_62, %dma_start3A_70] : memref<32x79x128xi32, #tpu.memory_space<hbm>> -> memref<1x1x128xi32, #tpu.memory_space<hbm>>
        %dma_start3A_72 = tpu.memref_squeeze %dma_start3A_71 : memref<1x1x128xi32, #tpu.memory_space<hbm>> -> memref<128xi32, #tpu.memory_space<hbm>>
        %dma_start3A_73 = arith.constant 0 : i32
        %dma_start3A_74 = tpu.memref_slice %arg3[%add3A, %add3A_62, %dma_start3A_73] : memref<32x79x128xi32, #tpu.memory_space<hbm>> -> memref<1x1x128xi32, #tpu.memory_space<hbm>>
        %dma_start3A_75 = tpu.memref_squeeze %dma_start3A_74 : memref<1x1x128xi32, #tpu.memory_space<hbm>> -> memref<128xi32, #tpu.memory_space<hbm>>
        tpu.enqueue_dma source(%dma_start3A_75 : memref<128xi32, #tpu.memory_space<hbm>>) target(%arg7 : memref<128xi32, #tpu.memory_space<vmem>>) target_semaphore(%run_scoped3A_69 : memref<!tpu.dma_semaphore, #tpu.memory_space<semaphore_mem>>)
        %dma_wait3A_76 = arith.constant 0 : i32
        %dma_wait3A_77 = tpu.memref_slice %arg3[%add3A, %add3A_62, %dma_wait3A_76] : memref<32x79x128xi32, #tpu.memory_space<hbm>> -> memref<1x1x128xi32, #tpu.memory_space<hbm>>
        %dma_wait3A_78 = tpu.memref_squeeze %dma_wait3A_77 : memref<1x1x128xi32, #tpu.memory_space<hbm>> -> memref<128xi32, #tpu.memory_space<hbm>>
        %dma_wait3A_79 = arith.constant 0 : i32
        %dma_wait3A_80 = tpu.memref_slice %arg3[%add3A, %add3A_62, %dma_wait3A_79] : memref<32x79x128xi32, #tpu.memory_space<hbm>> -> memref<1x1x128xi32, #tpu.memory_space<hbm>>
        %dma_wait3A_81 = tpu.memref_squeeze %dma_wait3A_80 : memref<1x1x128xi32, #tpu.memory_space<hbm>> -> memref<128xi32, #tpu.memory_space<hbm>>
        tpu.wait_dma2 semaphore(%run_scoped3A_69 : memref<!tpu.dma_semaphore, #tpu.memory_space<semaphore_mem>>) src(%dma_wait3A_81 : memref<128xi32, #tpu.memory_space<hbm>>) dst(%arg7 : memref<128xi32, #tpu.memory_space<vmem>>)
        tpu.yield
      }) : () -> ()
      "tpu.region"() ({
        %run_scoped3A_69 = tpu.sem_alloc : memref<!tpu.dma_semaphore, #tpu.memory_space<semaphore_mem>>
        %dma_start3A_70 = arith.constant 0 : i32
        %dma_start3A_71 = tpu.memref_slice %arg4[%add3A, %add3A_62, %dma_start3A_70] : memref<32x79x128xi32, #tpu.memory_space<hbm>> -> memref<1x1x128xi32, #tpu.memory_space<hbm>>
        %dma_start3A_72 = tpu.memref_squeeze %dma_start3A_71 : memref<1x1x128xi32, #tpu.memory_space<hbm>> -> memref<128xi32, #tpu.memory_space<hbm>>
        %dma_start3A_73 = arith.constant 0 : i32
        %dma_start3A_74 = tpu.memref_slice %arg4[%add3A, %add3A_62, %dma_start3A_73] : memref<32x79x128xi32, #tpu.memory_space<hbm>> -> memref<1x1x128xi32, #tpu.memory_space<hbm>>
        %dma_start3A_75 = tpu.memref_squeeze %dma_start3A_74 : memref<1x1x128xi32, #tpu.memory_space<hbm>> -> memref<128xi32, #tpu.memory_space<hbm>>
        tpu.enqueue_dma source(%dma_start3A_75 : memref<128xi32, #tpu.memory_space<hbm>>) target(%arg9 : memref<128xi32, #tpu.memory_space<vmem>>) target_semaphore(%run_scoped3A_69 : memref<!tpu.dma_semaphore, #tpu.memory_space<semaphore_mem>>)
        %dma_wait3A_76 = arith.constant 0 : i32
        %dma_wait3A_77 = tpu.memref_slice %arg4[%add3A, %add3A_62, %dma_wait3A_76] : memref<32x79x128xi32, #tpu.memory_space<hbm>> -> memref<1x1x128xi32, #tpu.memory_space<hbm>>
        %dma_wait3A_78 = tpu.memref_squeeze %dma_wait3A_77 : memref<1x1x128xi32, #tpu.memory_space<hbm>> -> memref<128xi32, #tpu.memory_space<hbm>>
        %dma_wait3A_79 = arith.constant 0 : i32
        %dma_wait3A_80 = tpu.memref_slice %arg4[%add3A, %add3A_62, %dma_wait3A_79] : memref<32x79x128xi32, #tpu.memory_space<hbm>> -> memref<1x1x128xi32, #tpu.memory_space<hbm>>
        %dma_wait3A_81 = tpu.memref_squeeze %dma_wait3A_80 : memref<1x1x128xi32, #tpu.memory_space<hbm>> -> memref<128xi32, #tpu.memory_space<hbm>>
        tpu.wait_dma2 semaphore(%run_scoped3A_69 : memref<!tpu.dma_semaphore, #tpu.memory_space<semaphore_mem>>) src(%dma_wait3A_81 : memref<128xi32, #tpu.memory_space<hbm>>) dst(%arg9 : memref<128xi32, #tpu.memory_space<vmem>>)
        tpu.yield
      }) : () -> ()
      %dma_start3A_66 = arith.constant 0 : i32
      %dma_start3A_67 = arith.constant 0 : i32
      %dma_start3A_68 = tpu.memref_slice %arg2[%dma_start3A_66, %dma_start3A_67] : memref<10240x128xf32, #tpu.memory_space<hbm>> -> memref<10240x128xf32, #tpu.memory_space<hbm>>
      tpu.enqueue_indirect_dma source(%dma_start3A_68 : memref<10240x128xf32, #tpu.memory_space<hbm>>) target(%arg11 : memref<128x128xf32, #tpu.memory_space<vmem>>) offsets(%arg7 : memref<128xi32, #tpu.memory_space<vmem>>) semaphore(%arg15 : memref<!tpu.dma_semaphore, #tpu.memory_space<semaphore_mem>>)
    }
    %scan3A_25 = arith.constant 38 : i32
    %dma_wait3A = arith.constant 0 : i32
    %dma_wait3A_26 = arith.constant 0 : i32
    %dma_wait3A_27 = tpu.memref_slice %arg2[%dma_wait3A, %dma_wait3A_26] : memref<10240x128xf32, #tpu.memory_space<hbm>> -> memref<10240x128xf32, #tpu.memory_space<hbm>>
    tpu.wait_indirect_dma semaphore(%arg14 : memref<!tpu.dma_semaphore, #tpu.memory_space<semaphore_mem>>) src(%dma_wait3A_27 : memref<10240x128xf32, #tpu.memory_space<hbm>>) dst(%arg10 : memref<128x128xf32, #tpu.memory_space<vmem>>)
    "tpu.region"() ({
      %run_scoped3A_40 = tpu.sem_alloc : memref<!tpu.dma_semaphore, #tpu.memory_space<semaphore_mem>>
      %dma_start3A_41 = arith.constant 0 : i32
      %dma_start3A_42 = arith.constant 0 : i32
      %dma_start3A_43 = tpu.memref_slice %arg13[%dma_start3A_41, %dma_start3A_42] : memref<10240x128xf32, #tpu.memory_space<vmem_shared>> -> memref<10240x128xf32, #tpu.memory_space<vmem_shared>>
      tpu.enqueue_indirect_dma source(%arg10 : memref<128x128xf32, #tpu.memory_space<vmem>>) target(%dma_start3A_43 : memref<10240x128xf32, #tpu.memory_space<vmem_shared>>) offsets(%arg8 : memref<128xi32, #tpu.memory_space<vmem>>) semaphore(%run_scoped3A_40 : memref<!tpu.dma_semaphore, #tpu.memory_space<semaphore_mem>>) {add = true}
      %dma_wait3A_44 = arith.constant 0 : i32
      %dma_wait3A_45 = arith.constant 0 : i32
      %dma_wait3A_46 = tpu.memref_slice %arg13[%dma_wait3A_44, %dma_wait3A_45] : memref<10240x128xf32, #tpu.memory_space<vmem_shared>> -> memref<10240x128xf32, #tpu.memory_space<vmem_shared>>
      tpu.wait_indirect_dma semaphore(%run_scoped3A_40 : memref<!tpu.dma_semaphore, #tpu.memory_space<semaphore_mem>>) src(%arg10 : memref<128x128xf32, #tpu.memory_space<vmem>>) dst(%dma_wait3A_46 : memref<10240x128xf32, #tpu.memory_space<vmem_shared>>)
      tpu.yield
    }) : () -> ()
    %dma_wait3A_28 = arith.constant 0 : i32
    %dma_wait3A_29 = arith.constant 0 : i32
    %dma_wait3A_30 = tpu.memref_slice %arg2[%dma_wait3A_28, %dma_wait3A_29] : memref<10240x128xf32, #tpu.memory_space<hbm>> -> memref<10240x128xf32, #tpu.memory_space<hbm>>
    tpu.wait_indirect_dma semaphore(%arg15 : memref<!tpu.dma_semaphore, #tpu.memory_space<semaphore_mem>>) src(%dma_wait3A_30 : memref<10240x128xf32, #tpu.memory_space<hbm>>) dst(%arg11 : memref<128x128xf32, #tpu.memory_space<vmem>>)
    "tpu.region"() ({
      %run_scoped3A_40 = tpu.sem_alloc : memref<!tpu.dma_semaphore, #tpu.memory_space<semaphore_mem>>
      %dma_start3A_41 = arith.constant 0 : i32
      %dma_start3A_42 = arith.constant 0 : i32
      %dma_start3A_43 = tpu.memref_slice %arg13[%dma_start3A_41, %dma_start3A_42] : memref<10240x128xf32, #tpu.memory_space<vmem_shared>> -> memref<10240x128xf32, #tpu.memory_space<vmem_shared>>
      tpu.enqueue_indirect_dma source(%arg11 : memref<128x128xf32, #tpu.memory_space<vmem>>) target(%dma_start3A_43 : memref<10240x128xf32, #tpu.memory_space<vmem_shared>>) offsets(%arg9 : memref<128xi32, #tpu.memory_space<vmem>>) semaphore(%run_scoped3A_40 : memref<!tpu.dma_semaphore, #tpu.memory_space<semaphore_mem>>) {add = true}
      %dma_wait3A_44 = arith.constant 0 : i32
      %dma_wait3A_45 = arith.constant 0 : i32
      %dma_wait3A_46 = tpu.memref_slice %arg13[%dma_wait3A_44, %dma_wait3A_45] : memref<10240x128xf32, #tpu.memory_space<vmem_shared>> -> memref<10240x128xf32, #tpu.memory_space<vmem_shared>>
      tpu.wait_indirect_dma semaphore(%run_scoped3A_40 : memref<!tpu.dma_semaphore, #tpu.memory_space<semaphore_mem>>) src(%arg11 : memref<128x128xf32, #tpu.memory_space<vmem>>) dst(%dma_wait3A_46 : memref<10240x128xf32, #tpu.memory_space<vmem_shared>>)
      tpu.yield
    }) : () -> ()
    %run_scoped3A_31 = arith.constant 78 : i32
    "tpu.region"() ({
      %run_scoped3A_40 = tpu.sem_alloc : memref<!tpu.dma_semaphore, #tpu.memory_space<semaphore_mem>>
      %dma_start3A_41 = arith.constant 0 : i32
      %dma_start3A_42 = tpu.memref_slice %arg3[%add3A, %run_scoped3A_31, %dma_start3A_41] : memref<32x79x128xi32, #tpu.memory_space<hbm>> -> memref<1x1x128xi32, #tpu.memory_space<hbm>>
      %dma_start3A_43 = tpu.memref_squeeze %dma_start3A_42 : memref<1x1x128xi32, #tpu.memory_space<hbm>> -> memref<128xi32, #tpu.memory_space<hbm>>
      %dma_start3A_44 = arith.constant 0 : i32
      %dma_start3A_45 = tpu.memref_slice %arg3[%add3A, %run_scoped3A_31, %dma_start3A_44] : memref<32x79x128xi32, #tpu.memory_space<hbm>> -> memref<1x1x128xi32, #tpu.memory_space<hbm>>
      %dma_start3A_46 = tpu.memref_squeeze %dma_start3A_45 : memref<1x1x128xi32, #tpu.memory_space<hbm>> -> memref<128xi32, #tpu.memory_space<hbm>>
      tpu.enqueue_dma source(%dma_start3A_46 : memref<128xi32, #tpu.memory_space<hbm>>) target(%arg6 : memref<128xi32, #tpu.memory_space<vmem>>) target_semaphore(%run_scoped3A_40 : memref<!tpu.dma_semaphore, #tpu.memory_space<semaphore_mem>>)
      %dma_wait3A_47 = arith.constant 0 : i32
      %dma_wait3A_48 = tpu.memref_slice %arg3[%add3A, %run_scoped3A_31, %dma_wait3A_47] : memref<32x79x128xi32, #tpu.memory_space<hbm>> -> memref<1x1x128xi32, #tpu.memory_space<hbm>>
      %dma_wait3A_49 = tpu.memref_squeeze %dma_wait3A_48 : memref<1x1x128xi32, #tpu.memory_space<hbm>> -> memref<128xi32, #tpu.memory_space<hbm>>
      %dma_wait3A_50 = arith.constant 0 : i32
      %dma_wait3A_51 = tpu.memref_slice %arg3[%add3A, %run_scoped3A_31, %dma_wait3A_50] : memref<32x79x128xi32, #tpu.memory_space<hbm>> -> memref<1x1x128xi32, #tpu.memory_space<hbm>>
      %dma_wait3A_52 = tpu.memref_squeeze %dma_wait3A_51 : memref<1x1x128xi32, #tpu.memory_space<hbm>> -> memref<128xi32, #tpu.memory_space<hbm>>
      tpu.wait_dma2 semaphore(%run_scoped3A_40 : memref<!tpu.dma_semaphore, #tpu.memory_space<semaphore_mem>>) src(%dma_wait3A_52 : memref<128xi32, #tpu.memory_space<hbm>>) dst(%arg6 : memref<128xi32, #tpu.memory_space<vmem>>)
      tpu.yield
    }) : () -> ()
    %run_scoped3A_32 = arith.constant 78 : i32
    "tpu.region"() ({
      %run_scoped3A_40 = tpu.sem_alloc : memref<!tpu.dma_semaphore, #tpu.memory_space<semaphore_mem>>
      %dma_start3A_41 = arith.constant 0 : i32
      %dma_start3A_42 = tpu.memref_slice %arg4[%add3A, %run_scoped3A_32, %dma_start3A_41] : memref<32x79x128xi32, #tpu.memory_space<hbm>> -> memref<1x1x128xi32, #tpu.memory_space<hbm>>
      %dma_start3A_43 = tpu.memref_squeeze %dma_start3A_42 : memref<1x1x128xi32, #tpu.memory_space<hbm>> -> memref<128xi32, #tpu.memory_space<hbm>>
      %dma_start3A_44 = arith.constant 0 : i32
      %dma_start3A_45 = tpu.memref_slice %arg4[%add3A, %run_scoped3A_32, %dma_start3A_44] : memref<32x79x128xi32, #tpu.memory_space<hbm>> -> memref<1x1x128xi32, #tpu.memory_space<hbm>>
      %dma_start3A_46 = tpu.memref_squeeze %dma_start3A_45 : memref<1x1x128xi32, #tpu.memory_space<hbm>> -> memref<128xi32, #tpu.memory_space<hbm>>
      tpu.enqueue_dma source(%dma_start3A_46 : memref<128xi32, #tpu.memory_space<hbm>>) target(%arg8 : memref<128xi32, #tpu.memory_space<vmem>>) target_semaphore(%run_scoped3A_40 : memref<!tpu.dma_semaphore, #tpu.memory_space<semaphore_mem>>)
      %dma_wait3A_47 = arith.constant 0 : i32
      %dma_wait3A_48 = tpu.memref_slice %arg4[%add3A, %run_scoped3A_32, %dma_wait3A_47] : memref<32x79x128xi32, #tpu.memory_space<hbm>> -> memref<1x1x128xi32, #tpu.memory_space<hbm>>
      %dma_wait3A_49 = tpu.memref_squeeze %dma_wait3A_48 : memref<1x1x128xi32, #tpu.memory_space<hbm>> -> memref<128xi32, #tpu.memory_space<hbm>>
      %dma_wait3A_50 = arith.constant 0 : i32
      %dma_wait3A_51 = tpu.memref_slice %arg4[%add3A, %run_scoped3A_32, %dma_wait3A_50] : memref<32x79x128xi32, #tpu.memory_space<hbm>> -> memref<1x1x128xi32, #tpu.memory_space<hbm>>
      %dma_wait3A_52 = tpu.memref_squeeze %dma_wait3A_51 : memref<1x1x128xi32, #tpu.memory_space<hbm>> -> memref<128xi32, #tpu.memory_space<hbm>>
      tpu.wait_dma2 semaphore(%run_scoped3A_40 : memref<!tpu.dma_semaphore, #tpu.memory_space<semaphore_mem>>) src(%dma_wait3A_52 : memref<128xi32, #tpu.memory_space<hbm>>) dst(%arg8 : memref<128xi32, #tpu.memory_space<vmem>>)
      tpu.yield
    }) : () -> ()
    %dma_start3A_33 = arith.constant 0 : i32
    %dma_start3A_34 = arith.constant 0 : i32
    %dma_start3A_35 = tpu.memref_slice %arg2[%dma_start3A_33, %dma_start3A_34] : memref<10240x128xf32, #tpu.memory_space<hbm>> -> memref<10240x128xf32, #tpu.memory_space<hbm>>
    tpu.enqueue_indirect_dma source(%dma_start3A_35 : memref<10240x128xf32, #tpu.memory_space<hbm>>) target(%arg10 : memref<128x128xf32, #tpu.memory_space<vmem>>) offsets(%arg6 : memref<128xi32, #tpu.memory_space<vmem>>) semaphore(%arg14 : memref<!tpu.dma_semaphore, #tpu.memory_space<semaphore_mem>>)
    %dma_wait3A_36 = arith.constant 0 : i32
    %dma_wait3A_37 = arith.constant 0 : i32
    %dma_wait3A_38 = tpu.memref_slice %arg2[%dma_wait3A_36, %dma_wait3A_37] : memref<10240x128xf32, #tpu.memory_space<hbm>> -> memref<10240x128xf32, #tpu.memory_space<hbm>>
    tpu.wait_indirect_dma semaphore(%arg14 : memref<!tpu.dma_semaphore, #tpu.memory_space<semaphore_mem>>) src(%dma_wait3A_38 : memref<10240x128xf32, #tpu.memory_space<hbm>>) dst(%arg10 : memref<128x128xf32, #tpu.memory_space<vmem>>)
    "tpu.region"() ({
      %run_scoped3A_40 = tpu.sem_alloc : memref<!tpu.dma_semaphore, #tpu.memory_space<semaphore_mem>>
      %dma_start3A_41 = arith.constant 0 : i32
      %dma_start3A_42 = arith.constant 0 : i32
      %dma_start3A_43 = tpu.memref_slice %arg13[%dma_start3A_41, %dma_start3A_42] : memref<10240x128xf32, #tpu.memory_space<vmem_shared>> -> memref<10240x128xf32, #tpu.memory_space<vmem_shared>>
      tpu.enqueue_indirect_dma source(%arg10 : memref<128x128xf32, #tpu.memory_space<vmem>>) target(%dma_start3A_43 : memref<10240x128xf32, #tpu.memory_space<vmem_shared>>) offsets(%arg8 : memref<128xi32, #tpu.memory_space<vmem>>) semaphore(%run_scoped3A_40 : memref<!tpu.dma_semaphore, #tpu.memory_space<semaphore_mem>>) {add = true}
      %dma_wait3A_44 = arith.constant 0 : i32
      %dma_wait3A_45 = arith.constant 0 : i32
      %dma_wait3A_46 = tpu.memref_slice %arg13[%dma_wait3A_44, %dma_wait3A_45] : memref<10240x128xf32, #tpu.memory_space<vmem_shared>> -> memref<10240x128xf32, #tpu.memory_space<vmem_shared>>
      tpu.wait_indirect_dma semaphore(%run_scoped3A_40 : memref<!tpu.dma_semaphore, #tpu.memory_space<semaphore_mem>>) src(%arg10 : memref<128x128xf32, #tpu.memory_space<vmem>>) dst(%dma_wait3A_46 : memref<10240x128xf32, #tpu.memory_space<vmem_shared>>)
      tpu.yield
    }) : () -> ()
    %barrier3A_39 = arith.constant 0 : index
    tpu.barrier barrier_id(%barrier3A_39)
    "tpu.region"() ({
      %run_scoped3A_40 = tpu.sem_alloc : memref<!tpu.dma_semaphore, #tpu.memory_space<semaphore_mem>>
      %dma_start3A_41 = arith.constant 0 : i32
      %dma_start3A_42 = tpu.memref_slice %arg5[%arg0, %mul3A_7, %dma_start3A_41] : memref<2x10240x128xf32, #tpu.memory_space<hbm>> -> memref<1x640x128xf32, #tpu.memory_space<hbm>>
      %dma_start3A_43 = tpu.memref_squeeze %dma_start3A_42 : memref<1x640x128xf32, #tpu.memory_space<hbm>> -> memref<640x128xf32, #tpu.memory_space<hbm>>
      %dma_start3A_44 = arith.constant 0 : i32
      %dma_start3A_45 = tpu.memref_slice %arg13[%mul3A_7, %dma_start3A_44] : memref<10240x128xf32, #tpu.memory_space<vmem_shared>> -> memref<640x128xf32, #tpu.memory_space<vmem_shared>>
      tpu.enqueue_dma source(%dma_start3A_45 : memref<640x128xf32, #tpu.memory_space<vmem_shared>>) target(%dma_start3A_43 : memref<640x128xf32, #tpu.memory_space<hbm>>) target_semaphore(%run_scoped3A_40 : memref<!tpu.dma_semaphore, #tpu.memory_space<semaphore_mem>>)
      %dma_wait3A_46 = arith.constant 0 : i32
      %dma_wait3A_47 = tpu.memref_slice %arg5[%arg0, %mul3A_7, %dma_wait3A_46] : memref<2x10240x128xf32, #tpu.memory_space<hbm>> -> memref<1x640x128xf32, #tpu.memory_space<hbm>>
      %dma_wait3A_48 = tpu.memref_squeeze %dma_wait3A_47 : memref<1x640x128xf32, #tpu.memory_space<hbm>> -> memref<640x128xf32, #tpu.memory_space<hbm>>
      %dma_wait3A_49 = arith.constant 0 : i32
      %dma_wait3A_50 = tpu.memref_slice %arg13[%mul3A_7, %dma_wait3A_49] : memref<10240x128xf32, #tpu.memory_space<vmem_shared>> -> memref<640x128xf32, #tpu.memory_space<vmem_shared>>
      tpu.wait_dma2 semaphore(%run_scoped3A_40 : memref<!tpu.dma_semaphore, #tpu.memory_space<semaphore_mem>>) src(%dma_wait3A_50 : memref<640x128xf32, #tpu.memory_space<vmem_shared>>) dst(%dma_wait3A_48 : memref<640x128xf32, #tpu.memory_space<hbm>>)
      tpu.yield
    }) : () -> ()
    return
  }
}

module attributes {stable_mosaic.version = 14 : i64} {
  func.func @_pre_body(%arg0: i32, %arg1: memref<1280x128xf32, #tpu.memory_space<vmem>>, %arg2: memref<128x128xf32, #tpu.memory_space<vmem>>, %arg3: memref<1280x144xf32, #tpu.memory_space<vmem>>) attributes {dimension_semantics = [#tpu.dimension_semantics<arbitrary>], iteration_bounds = array<i64: 8>, scalar_prefetch = 0 : i64, scratch_operands = 0 : i64, tpu.core_type = #tpu.core_type<tc>, window_params = [{transform_indices = @transform_0, window_bounds = array<i64: 1280, 128>}, {pipeline_mode = #tpu.pipeline_mode<synchronous>, transform_indices = @transform_1, window_bounds = array<i64: 128, 128>}, {transform_indices = @transform_2, window_bounds = array<i64: 1280, 144>}]} {
    %get3A = arith.constant 0 : index
    %get3A_0 = arith.constant 0 : index
    %get3A_1 = vector.load %arg1[%get3A, %get3A_0] : memref<1280x128xf32, #tpu.memory_space<vmem>>, vector<1280x128xf32>
    %get3A_2 = arith.constant 0 : index
    %get3A_3 = arith.constant 0 : index
    %get3A_4 = vector.load %arg2[%get3A_2, %get3A_3] : memref<128x128xf32, #tpu.memory_space<vmem>>, vector<128x128xf32>
    %dot_general3A = arith.constant dense<0.000000e+00> : vector<1280x128xf32>
    %dot_general3A_5 = tpu.matmul %get3A_1, %get3A_4, %dot_general3A {dimension_numbers = #tpu.dot_dimension_numbers<[1], [0], [0], [1], [0, 0, 1, 1], [], []>, transpose_lhs_hint = false} : vector<1280x128xf32>, vector<128x128xf32>, vector<1280x128xf32> -> vector<1280x128xf32>
    %swap3A = arith.constant 0 : index
    %swap3A_6 = arith.constant 0 : index
    %swap3A_7 = vector.load %arg3[%swap3A, %swap3A_6] : memref<1280x144xf32, #tpu.memory_space<vmem>>, vector<1280x128xf32>
    tpu.vector_store %arg3[%swap3A, %swap3A_6], %dot_general3A_5 {strides = array<i32>} : memref<1280x144xf32, #tpu.memory_space<vmem>>, vector<1280x128xf32>,
    %iota3A = tpu.iota {dimensions = array<i32: 1>} : vector<1280x16xi32>
    %eq3A = arith.constant 0 : i32
    %eq3A_8 = vector.broadcast %eq3A : i32 to vector<1280x16xi32>
    %eq3A_9 = arith.cmpi eq, %iota3A, %eq3A_8 : vector<1280x16xi32>
    %jit3A = arith.constant 1.000000e+00 : f32
    %jit3A_10 = arith.constant 0.000000e+00 : f32
    %broadcast_in_dim3A = vector.broadcast %jit3A : f32 to vector<1280x16xf32>
    %broadcast_in_dim3A_11 = vector.broadcast %jit3A_10 : f32 to vector<1280x16xf32>
    %select_n3A = arith.select %eq3A_9, %broadcast_in_dim3A, %broadcast_in_dim3A_11 : vector<1280x16xi1>, vector<1280x16xf32>
    %swap3A_12 = arith.constant 0 : index
    %swap3A_13 = arith.constant 128 : index
    %swap3A_14 = vector.load %arg3[%swap3A_12, %swap3A_13] : memref<1280x144xf32, #tpu.memory_space<vmem>>, vector<1280x16xf32>
    tpu.vector_store %arg3[%swap3A_12, %swap3A_13], %select_n3A {strides = array<i32>} : memref<1280x144xf32, #tpu.memory_space<vmem>>, vector<1280x16xf32>,
    return
  }
  func.func @transform_0(%arg0: i32) -> (i32, i32) {
    %c0_i32 = arith.constant 0 : i32
    %c0_i32_0 = arith.constant 0 : i32
    return %arg0, %c0_i32 : i32, i32
  }
  func.func @transform_1(%arg0: i32) -> (i32, i32) {
    %c0_i32 = arith.constant 0 : i32
    %c0_i32_0 = arith.constant 0 : i32
    %c0_i32_1 = arith.constant 0 : i32
    return %c0_i32, %c0_i32_0 : i32, i32
  }
  func.func @transform_2(%arg0: i32) -> (i32, i32) {
    %c0_i32 = arith.constant 0 : i32
    %c0_i32_0 = arith.constant 0 : i32
    return %arg0, %c0_i32 : i32, i32
  }
}

module attributes {stable_mosaic.version = 14 : i64} {
  func.func @_tcb1_body(%arg0: i32, %arg1: memref<1280x128xf32, #tpu.memory_space<vmem>>, %arg2: memref<2x1280x144xf32, #tpu.memory_space<vmem>>, %arg3: memref<128x128xf32, #tpu.memory_space<vmem>>, %arg4: memref<1x128xf32, #tpu.memory_space<vmem>>, %arg5: memref<128x128xf32, #tpu.memory_space<vmem>>, %arg6: memref<1280x128xf32, #tpu.memory_space<vmem>>, %arg7: memref<1280x128xf32, #tpu.memory_space<vmem>>, %arg8: memref<1280x16xf32, #tpu.memory_space<vmem>>) attributes {dimension_semantics = [#tpu.dimension_semantics<arbitrary>], iteration_bounds = array<i64: 8>, scalar_prefetch = 0 : i64, scratch_operands = 0 : i64, tpu.core_type = #tpu.core_type<tc>, window_params = [{transform_indices = @transform_0, window_bounds = array<i64: 1280, 128>}, {transform_indices = @transform_1, window_bounds = array<i64: 2, 1280, 144>}, {pipeline_mode = #tpu.pipeline_mode<synchronous>, transform_indices = @transform_2, window_bounds = array<i64: 128, 128>}, {pipeline_mode = #tpu.pipeline_mode<synchronous>, transform_indices = @transform_3, window_bounds = array<i64: 1, 128>}, {pipeline_mode = #tpu.pipeline_mode<synchronous>, transform_indices = @transform_4, window_bounds = array<i64: 128, 128>}, {transform_indices = @transform_5, window_bounds = array<i64: 1280, 128>}, {transform_indices = @transform_6, window_bounds = array<i64: 1280, 128>}, {transform_indices = @transform_7, window_bounds = array<i64: 1280, 16>}]} {
    %get3A = arith.constant 0 : index
    %get3A_0 = arith.constant 0 : index
    %get3A_1 = arith.constant 0 : index
    %get3A_2 = vector.load %arg2[%get3A, %get3A_0, %get3A_1] : memref<2x1280x144xf32, #tpu.memory_space<vmem>>, vector<2x1280x144xf32>
    %slice3A = vector.extract_strided_slice %get3A_2 {offsets = [0, 0, 128], sizes = [1, 1280, 16], strides = [1, 1, 1]} : vector<2x1280x144xf32> to vector<1x1280x16xf32>
    %squeeze3A = vector.shape_cast %slice3A : vector<1x1280x16xf32> to vector<1280x16xf32>
    %slice3A_3 = vector.extract_strided_slice %get3A_2 {offsets = [1, 0, 128], sizes = [1, 1280, 16], strides = [1, 1, 1]} : vector<2x1280x144xf32> to vector<1x1280x16xf32>
    %squeeze3A_4 = vector.shape_cast %slice3A_3 : vector<1x1280x16xf32> to vector<1280x16xf32>
    %add3A = arith.addf %squeeze3A, %squeeze3A_4 : vector<1280x16xf32>
    %max3A = arith.constant 1.000000e+00 : f32
    %max3A_5 = vector.broadcast %max3A : f32 to vector<1280x16xf32>
    %max3A_6 = arith.maximumf %add3A, %max3A_5 : vector<1280x16xf32>
    %div3A = arith.constant 1.000000e+00 : f32
    %div3A_7 = vector.broadcast %div3A : f32 to vector<1280x16xf32>
    %div3A_8 = arith.divf %div3A_7, %max3A_6 : vector<1280x16xf32>
    %swap3A = arith.constant 0 : index
    %swap3A_9 = arith.constant 0 : index
    %swap3A_10 = vector.load %arg8[%swap3A, %swap3A_9] : memref<1280x16xf32, #tpu.memory_space<vmem>>, vector<1280x16xf32>
    tpu.vector_store %arg8[%swap3A, %swap3A_9], %div3A_8 {strides = array<i32>} : memref<1280x16xf32, #tpu.memory_space<vmem>>, vector<1280x16xf32>,
    %slice3A_11 = vector.extract_strided_slice %get3A_2 {offsets = [0, 0, 0], sizes = [1, 1280, 128], strides = [1, 1, 1]} : vector<2x1280x144xf32> to vector<1x1280x128xf32>
    %squeeze3A_12 = vector.shape_cast %slice3A_11 : vector<1x1280x128xf32> to vector<1280x128xf32>
    %slice3A_13 = vector.extract_strided_slice %get3A_2 {offsets = [1, 0, 0], sizes = [1, 1280, 128], strides = [1, 1, 1]} : vector<2x1280x144xf32> to vector<1x1280x128xf32>
    %squeeze3A_14 = vector.shape_cast %slice3A_13 : vector<1x1280x128xf32> to vector<1280x128xf32>
    %add3A_15 = arith.addf %squeeze3A_12, %squeeze3A_14 : vector<1280x128xf32>
    %slice3A_16 = vector.extract_strided_slice %div3A_8 {offsets = [0, 0], sizes = [1280, 1], strides = [1, 1]} : vector<1280x16xf32> to vector<1280x1xf32>
    %mul3A = vector.broadcast %slice3A_16 : vector<1280x1xf32> to vector<1280x128xf32>
    %mul3A_17 = arith.mulf %add3A_15, %mul3A : vector<1280x128xf32>
    %get3A_18 = arith.constant 0 : index
    %get3A_19 = arith.constant 0 : index
    %get3A_20 = vector.load %arg1[%get3A_18, %get3A_19] : memref<1280x128xf32, #tpu.memory_space<vmem>>, vector<1280x128xf32>
    %get3A_21 = arith.constant 0 : index
    %get3A_22 = arith.constant 0 : index
    %get3A_23 = vector.load %arg3[%get3A_21, %get3A_22] : memref<128x128xf32, #tpu.memory_space<vmem>>, vector<128x128xf32>
    %dot_general3A = arith.constant dense<0.000000e+00> : vector<1280x128xf32>
    %dot_general3A_24 = tpu.matmul %get3A_20, %get3A_23, %dot_general3A {dimension_numbers = #tpu.dot_dimension_numbers<[1], [0], [0], [1], [0, 0, 1, 1], [], []>, transpose_lhs_hint = false} : vector<1280x128xf32>, vector<128x128xf32>, vector<1280x128xf32> -> vector<1280x128xf32>
    %add3A_25 = arith.addf %dot_general3A_24, %mul3A_17 : vector<1280x128xf32>
    %get3A_26 = arith.constant 0 : index
    %get3A_27 = arith.constant 0 : index
    %get3A_28 = vector.load %arg4[%get3A_26, %get3A_27] : memref<1x128xf32, #tpu.memory_space<vmem>>, vector<1x128xf32>
    %add3A_29 = vector.broadcast %get3A_28 : vector<1x128xf32> to vector<1280x128xf32>
    %add3A_30 = arith.addf %add3A_25, %add3A_29 : vector<1280x128xf32>
    %max3A_31 = arith.constant 0.000000e+00 : f32
    %max3A_32 = vector.broadcast %max3A_31 : f32 to vector<1280x128xf32>
    %max3A_33 = arith.maximumf %add3A_30, %max3A_32 : vector<1280x128xf32>
    %swap3A_34 = arith.constant 0 : index
    %swap3A_35 = arith.constant 0 : index
    %swap3A_36 = vector.load %arg6[%swap3A_34, %swap3A_35] : memref<1280x128xf32, #tpu.memory_space<vmem>>, vector<1280x128xf32>
    tpu.vector_store %arg6[%swap3A_34, %swap3A_35], %max3A_33 {strides = array<i32>} : memref<1280x128xf32, #tpu.memory_space<vmem>>, vector<1280x128xf32>,
    %get3A_37 = arith.constant 0 : index
    %get3A_38 = arith.constant 0 : index
    %get3A_39 = vector.load %arg5[%get3A_37, %get3A_38] : memref<128x128xf32, #tpu.memory_space<vmem>>, vector<128x128xf32>
    %dot_general3A_40 = arith.constant dense<0.000000e+00> : vector<1280x128xf32>
    %dot_general3A_41 = tpu.matmul %max3A_33, %get3A_39, %dot_general3A_40 {dimension_numbers = #tpu.dot_dimension_numbers<[1], [0], [0], [1], [0, 0, 1, 1], [], []>, transpose_lhs_hint = false} : vector<1280x128xf32>, vector<128x128xf32>, vector<1280x128xf32> -> vector<1280x128xf32>
    %swap3A_42 = arith.constant 0 : index
    %swap3A_43 = arith.constant 0 : index
    %swap3A_44 = vector.load %arg7[%swap3A_42, %swap3A_43] : memref<1280x128xf32, #tpu.memory_space<vmem>>, vector<1280x128xf32>
    tpu.vector_store %arg7[%swap3A_42, %swap3A_43], %dot_general3A_41 {strides = array<i32>} : memref<1280x128xf32, #tpu.memory_space<vmem>>, vector<1280x128xf32>,
    return
  }
  func.func @transform_0(%arg0: i32) -> (i32, i32) {
    %c0_i32 = arith.constant 0 : i32
    %c0_i32_0 = arith.constant 0 : i32
    return %arg0, %c0_i32 : i32, i32
  }
  func.func @transform_1(%arg0: i32) -> (i32, i32, i32) {
    %c0_i32 = arith.constant 0 : i32
    %c0_i32_0 = arith.constant 0 : i32
    %c0_i32_1 = arith.constant 0 : i32
    return %c0_i32, %arg0, %c0_i32_0 : i32, i32, i32
  }
  func.func @transform_2(%arg0: i32) -> (i32, i32) {
    %c0_i32 = arith.constant 0 : i32
    %c0_i32_0 = arith.constant 0 : i32
    %c0_i32_1 = arith.constant 0 : i32
    return %c0_i32, %c0_i32_0 : i32, i32
  }
  func.func @transform_3(%arg0: i32) -> (i32, i32) {
    %c0_i32 = arith.constant 0 : i32
    %c0_i32_0 = arith.constant 0 : i32
    %c0_i32_1 = arith.constant 0 : i32
    return %c0_i32, %c0_i32_0 : i32, i32
  }
  func.func @transform_4(%arg0: i32) -> (i32, i32) {
    %c0_i32 = arith.constant 0 : i32
    %c0_i32_0 = arith.constant 0 : i32
    %c0_i32_1 = arith.constant 0 : i32
    return %c0_i32, %c0_i32_0 : i32, i32
  }
  func.func @transform_5(%arg0: i32) -> (i32, i32) {
    %c0_i32 = arith.constant 0 : i32
    %c0_i32_0 = arith.constant 0 : i32
    return %arg0, %c0_i32 : i32, i32
  }
  func.func @transform_6(%arg0: i32) -> (i32, i32) {
    %c0_i32 = arith.constant 0 : i32
    %c0_i32_0 = arith.constant 0 : i32
    return %arg0, %c0_i32 : i32, i32
  }
  func.func @transform_7(%arg0: i32) -> (i32, i32) {
    %c0_i32 = arith.constant 0 : i32
    %c0_i32_0 = arith.constant 0 : i32
    return %arg0, %c0_i32 : i32, i32
  }
}

module attributes {stable_mosaic.version = 14 : i64} {
  func.func @_tcb2_body(%arg0: i32, %arg1: memref<1280x128xf32, #tpu.memory_space<vmem>>, %arg2: memref<2x1280x128xf32, #tpu.memory_space<vmem>>, %arg3: memref<1280x16xf32, #tpu.memory_space<vmem>>, %arg4: memref<128x128xf32, #tpu.memory_space<vmem>>, %arg5: memref<1x128xf32, #tpu.memory_space<vmem>>, %arg6: memref<128x128xf32, #tpu.memory_space<vmem>>, %arg7: memref<1280x128xf32, #tpu.memory_space<vmem>>, %arg8: memref<1280x128xf32, #tpu.memory_space<vmem>>) attributes {dimension_semantics = [#tpu.dimension_semantics<arbitrary>], iteration_bounds = array<i64: 8>, scalar_prefetch = 0 : i64, scratch_operands = 0 : i64, tpu.core_type = #tpu.core_type<tc>, window_params = [{transform_indices = @transform_0, window_bounds = array<i64: 1280, 128>}, {transform_indices = @transform_1, window_bounds = array<i64: 2, 1280, 128>}, {transform_indices = @transform_2, window_bounds = array<i64: 1280, 16>}, {pipeline_mode = #tpu.pipeline_mode<synchronous>, transform_indices = @transform_3, window_bounds = array<i64: 128, 128>}, {pipeline_mode = #tpu.pipeline_mode<synchronous>, transform_indices = @transform_4, window_bounds = array<i64: 1, 128>}, {pipeline_mode = #tpu.pipeline_mode<synchronous>, transform_indices = @transform_5, window_bounds = array<i64: 128, 128>}, {transform_indices = @transform_6, window_bounds = array<i64: 1280, 128>}, {transform_indices = @transform_7, window_bounds = array<i64: 1280, 128>}]} {
    %get3A = arith.constant 0 : index
    %get3A_0 = arith.constant 0 : index
    %get3A_1 = vector.load %arg3[%get3A, %get3A_0] : memref<1280x16xf32, #tpu.memory_space<vmem>>, vector<1280x16xf32>
    %slice3A = vector.extract_strided_slice %get3A_1 {offsets = [0, 0], sizes = [1280, 1], strides = [1, 1]} : vector<1280x16xf32> to vector<1280x1xf32>
    %get3A_2 = arith.constant 0 : index
    %get3A_3 = arith.constant 0 : index
    %get3A_4 = arith.constant 0 : index
    %get3A_5 = vector.load %arg2[%get3A_2, %get3A_3, %get3A_4] : memref<2x1280x128xf32, #tpu.memory_space<vmem>>, vector<2x1280x128xf32>
    %slice3A_6 = vector.extract_strided_slice %get3A_5 {offsets = [0, 0, 0], sizes = [1, 1280, 128], strides = [1, 1, 1]} : vector<2x1280x128xf32> to vector<1x1280x128xf32>
    %squeeze3A = vector.shape_cast %slice3A_6 : vector<1x1280x128xf32> to vector<1280x128xf32>
    %slice3A_7 = vector.extract_strided_slice %get3A_5 {offsets = [1, 0, 0], sizes = [1, 1280, 128], strides = [1, 1, 1]} : vector<2x1280x128xf32> to vector<1x1280x128xf32>
    %squeeze3A_8 = vector.shape_cast %slice3A_7 : vector<1x1280x128xf32> to vector<1280x128xf32>
    %add3A = arith.addf %squeeze3A, %squeeze3A_8 : vector<1280x128xf32>
    %mul3A = vector.broadcast %slice3A : vector<1280x1xf32> to vector<1280x128xf32>
    %mul3A_9 = arith.mulf %add3A, %mul3A : vector<1280x128xf32>
    %get3A_10 = arith.constant 0 : index
    %get3A_11 = arith.constant 0 : index
    %get3A_12 = vector.load %arg1[%get3A_10, %get3A_11] : memref<1280x128xf32, #tpu.memory_space<vmem>>, vector<1280x128xf32>
    %get3A_13 = arith.constant 0 : index
    %get3A_14 = arith.constant 0 : index
    %get3A_15 = vector.load %arg4[%get3A_13, %get3A_14] : memref<128x128xf32, #tpu.memory_space<vmem>>, vector<128x128xf32>
    %dot_general3A = arith.constant dense<0.000000e+00> : vector<1280x128xf32>
    %dot_general3A_16 = tpu.matmul %get3A_12, %get3A_15, %dot_general3A {dimension_numbers = #tpu.dot_dimension_numbers<[1], [0], [0], [1], [0, 0, 1, 1], [], []>, transpose_lhs_hint = false} : vector<1280x128xf32>, vector<128x128xf32>, vector<1280x128xf32> -> vector<1280x128xf32>
    %add3A_17 = arith.addf %dot_general3A_16, %mul3A_9 : vector<1280x128xf32>
    %get3A_18 = arith.constant 0 : index
    %get3A_19 = arith.constant 0 : index
    %get3A_20 = vector.load %arg5[%get3A_18, %get3A_19] : memref<1x128xf32, #tpu.memory_space<vmem>>, vector<1x128xf32>
    %add3A_21 = vector.broadcast %get3A_20 : vector<1x128xf32> to vector<1280x128xf32>
    %add3A_22 = arith.addf %add3A_17, %add3A_21 : vector<1280x128xf32>
    %max3A = arith.constant 0.000000e+00 : f32
    %max3A_23 = vector.broadcast %max3A : f32 to vector<1280x128xf32>
    %max3A_24 = arith.maximumf %add3A_22, %max3A_23 : vector<1280x128xf32>
    %swap3A = arith.constant 0 : index
    %swap3A_25 = arith.constant 0 : index
    %swap3A_26 = vector.load %arg7[%swap3A, %swap3A_25] : memref<1280x128xf32, #tpu.memory_space<vmem>>, vector<1280x128xf32>
    tpu.vector_store %arg7[%swap3A, %swap3A_25], %max3A_24 {strides = array<i32>} : memref<1280x128xf32, #tpu.memory_space<vmem>>, vector<1280x128xf32>,
    %get3A_27 = arith.constant 0 : index
    %get3A_28 = arith.constant 0 : index
    %get3A_29 = vector.load %arg6[%get3A_27, %get3A_28] : memref<128x128xf32, #tpu.memory_space<vmem>>, vector<128x128xf32>
    %dot_general3A_30 = arith.constant dense<0.000000e+00> : vector<1280x128xf32>
    %dot_general3A_31 = tpu.matmul %max3A_24, %get3A_29, %dot_general3A_30 {dimension_numbers = #tpu.dot_dimension_numbers<[1], [0], [0], [1], [0, 0, 1, 1], [], []>, transpose_lhs_hint = false} : vector<1280x128xf32>, vector<128x128xf32>, vector<1280x128xf32> -> vector<1280x128xf32>
    %swap3A_32 = arith.constant 0 : index
    %swap3A_33 = arith.constant 0 : index
    %swap3A_34 = vector.load %arg8[%swap3A_32, %swap3A_33] : memref<1280x128xf32, #tpu.memory_space<vmem>>, vector<1280x128xf32>
    tpu.vector_store %arg8[%swap3A_32, %swap3A_33], %dot_general3A_31 {strides = array<i32>} : memref<1280x128xf32, #tpu.memory_space<vmem>>, vector<1280x128xf32>,
    return
  }
  func.func @transform_0(%arg0: i32) -> (i32, i32) {
    %c0_i32 = arith.constant 0 : i32
    %c0_i32_0 = arith.constant 0 : i32
    return %arg0, %c0_i32 : i32, i32
  }
  func.func @transform_1(%arg0: i32) -> (i32, i32, i32) {
    %c0_i32 = arith.constant 0 : i32
    %c0_i32_0 = arith.constant 0 : i32
    %c0_i32_1 = arith.constant 0 : i32
    return %c0_i32, %arg0, %c0_i32_0 : i32, i32, i32
  }
  func.func @transform_2(%arg0: i32) -> (i32, i32) {
    %c0_i32 = arith.constant 0 : i32
    %c0_i32_0 = arith.constant 0 : i32
    return %arg0, %c0_i32 : i32, i32
  }
  func.func @transform_3(%arg0: i32) -> (i32, i32) {
    %c0_i32 = arith.constant 0 : i32
    %c0_i32_0 = arith.constant 0 : i32
    %c0_i32_1 = arith.constant 0 : i32
    return %c0_i32, %c0_i32_0 : i32, i32
  }
  func.func @transform_4(%arg0: i32) -> (i32, i32) {
    %c0_i32 = arith.constant 0 : i32
    %c0_i32_0 = arith.constant 0 : i32
    %c0_i32_1 = arith.constant 0 : i32
    return %c0_i32, %c0_i32_0 : i32, i32
  }
  func.func @transform_5(%arg0: i32) -> (i32, i32) {
    %c0_i32 = arith.constant 0 : i32
    %c0_i32_0 = arith.constant 0 : i32
    %c0_i32_1 = arith.constant 0 : i32
    return %c0_i32, %c0_i32_0 : i32, i32
  }
  func.func @transform_6(%arg0: i32) -> (i32, i32) {
    %c0_i32 = arith.constant 0 : i32
    %c0_i32_0 = arith.constant 0 : i32
    return %arg0, %c0_i32 : i32, i32
  }
  func.func @transform_7(%arg0: i32) -> (i32, i32) {
    %c0_i32 = arith.constant 0 : i32
    %c0_i32_0 = arith.constant 0 : i32
    return %arg0, %c0_i32 : i32, i32
  }
}

module attributes {stable_mosaic.version = 14 : i64} {
  func.func @_tcc_body(%arg0: i32, %arg1: memref<1280x128xf32, #tpu.memory_space<vmem>>, %arg2: memref<2x1280x128xf32, #tpu.memory_space<vmem>>, %arg3: memref<1280x16xf32, #tpu.memory_space<vmem>>, %arg4: memref<128x128xf32, #tpu.memory_space<vmem>>, %arg5: memref<1x128xf32, #tpu.memory_space<vmem>>, %arg6: memref<1280x128xf32, #tpu.memory_space<vmem>>) attributes {dimension_semantics = [#tpu.dimension_semantics<arbitrary>], iteration_bounds = array<i64: 8>, scalar_prefetch = 0 : i64, scratch_operands = 0 : i64, tpu.core_type = #tpu.core_type<tc>, window_params = [{transform_indices = @transform_0, window_bounds = array<i64: 1280, 128>}, {transform_indices = @transform_1, window_bounds = array<i64: 2, 1280, 128>}, {transform_indices = @transform_2, window_bounds = array<i64: 1280, 16>}, {pipeline_mode = #tpu.pipeline_mode<synchronous>, transform_indices = @transform_3, window_bounds = array<i64: 128, 128>}, {pipeline_mode = #tpu.pipeline_mode<synchronous>, transform_indices = @transform_4, window_bounds = array<i64: 1, 128>}, {transform_indices = @transform_5, window_bounds = array<i64: 1280, 128>}]} {
    %get3A = arith.constant 0 : index
    %get3A_0 = arith.constant 0 : index
    %get3A_1 = vector.load %arg3[%get3A, %get3A_0] : memref<1280x16xf32, #tpu.memory_space<vmem>>, vector<1280x16xf32>
    %slice3A = vector.extract_strided_slice %get3A_1 {offsets = [0, 0], sizes = [1280, 1], strides = [1, 1]} : vector<1280x16xf32> to vector<1280x1xf32>
    %get3A_2 = arith.constant 0 : index
    %get3A_3 = arith.constant 0 : index
    %get3A_4 = arith.constant 0 : index
    %get3A_5 = vector.load %arg2[%get3A_2, %get3A_3, %get3A_4] : memref<2x1280x128xf32, #tpu.memory_space<vmem>>, vector<2x1280x128xf32>
    %slice3A_6 = vector.extract_strided_slice %get3A_5 {offsets = [0, 0, 0], sizes = [1, 1280, 128], strides = [1, 1, 1]} : vector<2x1280x128xf32> to vector<1x1280x128xf32>
    %squeeze3A = vector.shape_cast %slice3A_6 : vector<1x1280x128xf32> to vector<1280x128xf32>
    %slice3A_7 = vector.extract_strided_slice %get3A_5 {offsets = [1, 0, 0], sizes = [1, 1280, 128], strides = [1, 1, 1]} : vector<2x1280x128xf32> to vector<1x1280x128xf32>
    %squeeze3A_8 = vector.shape_cast %slice3A_7 : vector<1x1280x128xf32> to vector<1280x128xf32>
    %add3A = arith.addf %squeeze3A, %squeeze3A_8 : vector<1280x128xf32>
    %mul3A = vector.broadcast %slice3A : vector<1280x1xf32> to vector<1280x128xf32>
    %mul3A_9 = arith.mulf %add3A, %mul3A : vector<1280x128xf32>
    %get3A_10 = arith.constant 0 : index
    %get3A_11 = arith.constant 0 : index
    %get3A_12 = vector.load %arg1[%get3A_10, %get3A_11] : memref<1280x128xf32, #tpu.memory_space<vmem>>, vector<1280x128xf32>
    %get3A_13 = arith.constant 0 : index
    %get3A_14 = arith.constant 0 : index
    %get3A_15 = vector.load %arg4[%get3A_13, %get3A_14] : memref<128x128xf32, #tpu.memory_space<vmem>>, vector<128x128xf32>
    %dot_general3A = arith.constant dense<0.000000e+00> : vector<1280x128xf32>
    %dot_general3A_16 = tpu.matmul %get3A_12, %get3A_15, %dot_general3A {dimension_numbers = #tpu.dot_dimension_numbers<[1], [0], [0], [1], [0, 0, 1, 1], [], []>, transpose_lhs_hint = false} : vector<1280x128xf32>, vector<128x128xf32>, vector<1280x128xf32> -> vector<1280x128xf32>
    %add3A_17 = arith.addf %dot_general3A_16, %mul3A_9 : vector<1280x128xf32>
    %get3A_18 = arith.constant 0 : index
    %get3A_19 = arith.constant 0 : index
    %get3A_20 = vector.load %arg5[%get3A_18, %get3A_19] : memref<1x128xf32, #tpu.memory_space<vmem>>, vector<1x128xf32>
    %add3A_21 = vector.broadcast %get3A_20 : vector<1x128xf32> to vector<1280x128xf32>
    %add3A_22 = arith.addf %add3A_17, %add3A_21 : vector<1280x128xf32>
    %swap3A = arith.constant 0 : index
    %swap3A_23 = arith.constant 0 : index
    %swap3A_24 = vector.load %arg6[%swap3A, %swap3A_23] : memref<1280x128xf32, #tpu.memory_space<vmem>>, vector<1280x128xf32>
    tpu.vector_store %arg6[%swap3A, %swap3A_23], %add3A_22 {strides = array<i32>} : memref<1280x128xf32, #tpu.memory_space<vmem>>, vector<1280x128xf32>,
    return
  }
  func.func @transform_0(%arg0: i32) -> (i32, i32) {
    %c0_i32 = arith.constant 0 : i32
    %c0_i32_0 = arith.constant 0 : i32
    return %arg0, %c0_i32 : i32, i32
  }
  func.func @transform_1(%arg0: i32) -> (i32, i32, i32) {
    %c0_i32 = arith.constant 0 : i32
    %c0_i32_0 = arith.constant 0 : i32
    %c0_i32_1 = arith.constant 0 : i32
    return %c0_i32, %arg0, %c0_i32_0 : i32, i32, i32
  }
  func.func @transform_2(%arg0: i32) -> (i32, i32) {
    %c0_i32 = arith.constant 0 : i32
    %c0_i32_0 = arith.constant 0 : i32
    return %arg0, %c0_i32 : i32, i32
  }
  func.func @transform_3(%arg0: i32) -> (i32, i32) {
    %c0_i32 = arith.constant 0 : i32
    %c0_i32_0 = arith.constant 0 : i32
    %c0_i32_1 = arith.constant 0 : i32
    return %c0_i32, %c0_i32_0 : i32, i32
  }
  func.func @transform_4(%arg0: i32) -> (i32, i32) {
    %c0_i32 = arith.constant 0 : i32
    %c0_i32_0 = arith.constant 0 : i32
    %c0_i32_1 = arith.constant 0 : i32
    return %c0_i32, %c0_i32_0 : i32, i32
  }
  func.func @transform_5(%arg0: i32) -> (i32, i32) {
    %c0_i32 = arith.constant 0 : i32
    %c0_i32_0 = arith.constant 0 : i32
    return %arg0, %c0_i32 : i32, i32
  }
}

</mosaic_0001>

<sc_bundles>
// kernel: kernel.12.cloned.1.call-start
scs
__scs_entry_jumppad:
0x0: {  	(pc) =	sbr.rel $0x88, $3  }
0x1: {  	(tag) =	ssettag $0x0;
	lr =	simm.s32 $0x1  }
0x2: {  	[smem:$0x3F96] =	sst lr;
	_ =	strace $0xD0000000  }
0x3: {  	_ = 	snop  }
0x4: {  	_ = 	snop  }
0x5: {  	_ = 	snop  }
0x6: {  	_ = 	snop  }
0x7: {  	_ = 	snop  }
__scs_overlays_trampoline_lowered:
0x8: {  	[smem:$0x3FA5] =	sst s0  }
0x9: {  	[smem:$0x3FA6] =	sst s1  }
0xa: {  	[smem:$0x3FA7] =	sst s2  }
0xb: {  	[smem:$0x3FA8] =	sst s3  }
0xc: {  	[smem:$0x3FA9] =	sst s4  }
0xd: {  	[smem:$0x3FAA] =	sst s5  }
0xe: {  	[smem:$0x3FAB] =	sst s6  }
0xf: {  	[smem:$0x3FAC] =	sst s7  }
0x10: {  	[smem:$0x3FAD] =	sst s8  }
0x11: {  	[smem:$0x3FAE] =	sst s9;
	s0 =	simm.s32 @!p0 $0x0  }
0x12: {  	s1 =	sld [smem:$0x3F94];
	s0 =	simm.s32 @p0 $0x1  }
0x13: {  	[smem:$0x3FAF] =	sst s0;
	s0 =	simm.s32 @!p1 $0x0  }
0x14: {  	s2 =	sld [smem:$0x3F93];
	s0 =	simm.s32 @p1 $0x1  }
0x15: {  	[smem:$0x3FB0] =	sst s0;
	s0 =	simm.s32 @!p2 $0x0  }
0x16: {  	s3 =	sld [smem:$0x3FDB];
	s0 =	simm.s32 @p2 $0x1  }
0x17: {  	s4 =	simm.s32 $0x1BF5;
	[smem:$0x3FB2] =	sst s0  }
0x18: {  	s0 =	sld [smem:$0x3F95];
	_ =	swait.ge [sflag:s4], $0x0  }
0x19: {  	s7 =	sld [smem:$0x3F96]  }
0x1a: {  	s8 =	sadd.s32 $0xFFFFE003, lr  }
0x1b: {  	s9 =	sadd.s32 $0xFFFFFEF7, lr;
	s5 =	simm.s32 $0xFFFFFFFF;
	p2 =	slt.u32 s8, $0xFFFFF086  }
0x1c: {  	p1 =	slt.u32 s9, $0xF7A;
	s5 =	simm.s32 @!p2 $0x0  }
0x1d: {  	s5 =	simm.s32 @p1 $0x1;
	p0 =	seq.s32 s7, s2  }
0x1e: {  	s7 =	smul.u32 @!p0 $0xF7A, s2;
	p2 =	seq.s32 @!p0 s5, $0x0  }
0x1f: {  	s9 =	smul.u32 $0xF7A, s1;
	s8 =	simm.s32 @!p0 $0x1BF5;
	p2 =	por !p2, p0  }
0x20: {  	[sflag:s8] =	ssyncset.s32 @!p0 $0xFFFFF086;
	s6 =	sadd.s32 @!p0 s3, s7;
	s7 =	simm.s32 @!p0 $0x108  }
0x21: {  	s3 =	sadd.s32 s3, s9;
	s6 =	sadd.s32 @!p0 $0x88, s6;
	s7 =	simm.s32 @p2 $0x1082  }
0x22: {  	[simem:s7], [sflag:s8] =	dma.local @!p0 [hbm:s6], $0xF7A  }
0x23: {  	s9 =	sor.u32 $0xD0000000, s2;
	s6 =	simm.s32 $0x108;
	_ =	swait.ge @!p0 [sflag:s8], $0x0  }
0x24: {  	s3 =	sadd.s32 $0x88, s3;
	s6 =	simm.s32 @!p1 $0x1082;
	[sflag:s4] =	ssyncset.s32 $0xFFFFF086  }
0x25: {  	[simem:s6], [sflag:s4] =	dma.local [hbm:s3], $0xF7A  }
0x26: {  	[smem:$0x3F96] =	sst s1;
	(tag) =	ssettag s2;
	_ =	strace s9  }
0x27: {  	s1 =	sld [smem:$0x3FA6]  }
0x28: {  	s2 =	sld [smem:$0x3FA7]  }
0x29: {  	s4 =	sld [smem:$0x3FA9]  }
0x2a: {  	p0 =	seq.s32 s5, $0x0;
	s5 =	sld [smem:$0x3FAA]  }
0x2b: {  	s6 =	sld [smem:$0x3FAB]  }
0x2c: {  	s7 =	sld [smem:$0x3FAC]  }
0x2d: {  	s3 =	simm.s32 $0x108;
	s8 =	sld [smem:$0x3FAD]  }
0x2e: {  	s3 =	simm.s32 @!p0 $0x1082;
	s9 =	sld [smem:$0x3FAE]  }
0x2f: {  	lr =	sadd.s32 s0, s3;
	s0 =	sld [smem:$0x3FA5]  }
0x30: {  	s3 =	sld [smem:$0x3FA8]  }
0x31: {  	[smem:$0x3FB1] =	sst s10  }
0x32: {  	s10 =	sld [smem:$0x3FAF];
	_ =	sdelay $0x3  }
0x33: {  	p0 =	seq.s32 s10, $0x1;
	s10 =	sld [smem:$0x3FB1];
	_ =	sdelay $0x3  }
0x34: {  	[smem:$0x3FB1] =	sst s10  }
0x35: {  	s10 =	sld [smem:$0x3FB0];
	_ =	sdelay $0x3  }
0x36: {  	p1 =	seq.s32 s10, $0x1;
	s10 =	sld [smem:$0x3FB1];
	_ =	sdelay $0x3  }
0x37: {  	[smem:$0x3FB1] =	sst s10  }
0x38: {  	s10 =	sld [smem:$0x3FB2]  }
0x39: {  	_ = 	snop;
	(pc) =	sbr.ind lr, $3  }
0x3a: {  	_ = 	snop  }
0x3b: {  	_ = 	snop  }
0x3c: {  	p2 =	seq.s32 s10, $0x1;
	s10 =	sld [smem:$0x3FB1]  }
0x3d: {  	_ =	shalt  }
0x3e: {  	_ =	shalt  }
0x3f: {  	_ =	shalt  }
0x40: {  	_ =	shalt  }
0x41: {  	_ =	shalt  }
0x42: {  	_ =	shalt  }
0x43: {  	_ =	shalt  }
0x44: {  	_ =	shalt  }
0x45: {  	_ =	shalt  }
0x46: {  	_ =	shalt  }
0x47: {  	_ =	shalt  }
0x48: {  	_ =	shalt  }
0x49: {  	_ =	shalt  }
0x4a: {  	_ =	shalt  }
0x4b: {  	_ =	shalt  }
0x4c: {  	_ =	shalt  }
0x4d: {  	_ =	shalt  }
0x4e: {  	_ =	shalt  }
0x4f: {  	_ =	shalt  }
0x50: {  	_ =	shalt  }
0x51: {  	_ =	shalt  }
0x52: {  	_ =	shalt  }
0x53: {  	_ =	shalt  }
0x54: {  	_ =	shalt  }
0x55: {  	_ =	shalt  }
0x56: {  	_ =	shalt  }
0x57: {  	_ =	shalt  }
0x58: {  	_ =	shalt  }
0x59: {  	_ =	shalt  }
0x5a: {  	_ =	shalt  }
0x5b: {  	_ =	shalt  }
0x5c: {  	_ =	shalt  }
0x5d: {  	_ =	shalt  }
0x5e: {  	_ =	shalt  }
0x5f: {  	_ =	shalt  }
0x60: {  	_ =	shalt  }
0x61: {  	_ =	shalt  }
0x62: {  	_ =	shalt  }
0x63: {  	_ =	shalt  }
0x64: {  	_ =	shalt  }
0x65: {  	_ =	shalt  }
0x66: {  	_ =	shalt  }
0x67: {  	_ =	shalt  }
0x68: {  	_ =	shalt  }
0x69: {  	_ =	shalt  }
0x6a: {  	_ =	shalt  }
0x6b: {  	_ =	shalt  }
0x6c: {  	_ =	shalt  }
0x6d: {  	_ =	shalt  }
0x6e: {  	_ =	shalt  }
0x6f: {  	_ =	shalt  }
0x70: {  	_ =	shalt  }
0x71: {  	_ =	shalt  }
0x72: {  	_ =	shalt  }
0x73: {  	_ =	shalt  }
0x74: {  	_ =	shalt  }
0x75: {  	_ =	shalt  }
0x76: {  	_ =	shalt  }
0x77: {  	_ =	shalt  }
0x78: {  	_ =	shalt  }
0x79: {  	_ =	shalt  }
0x7a: {  	_ =	shalt  }
0x7b: {  	_ =	shalt  }
0x7c: {  	_ =	shalt  }
0x7d: {  	_ =	shalt  }
0x7e: {  	_ =	shalt  }
0x7f: {  	_ =	shalt  }
0x80: {  	_ =	shalt  }
0x81: {  	_ =	shalt  }
0x82: {  	_ =	shalt  }
0x83: {  	_ =	shalt  }
0x84: {  	_ =	shalt  }
0x85: {  	_ =	shalt  }
0x86: {  	_ =	shalt  }
0x87: {  	_ =	shalt  }
.Lfunc_end0:
.L_simem_size_0:
called_computation.1_lowered:
.L_overlay_start_0:
0x88: {  	s2 =	sld [smem:$0x3FD9]  }
0x89: {  	s3 =	sld [smem:$0x3FFE];
	_ =	sdelay $0x1  }
0x8a: {  	s1 =	srdreg.scid  }
0x8b: {  	s0 =	sand.u32 $0x1, s1  }
0x8c: {  	s17 =	sshll.u32 s0, $0xA;
	s2 =	sadd.s32 s3, s2  }
0x8d: {  	s2 =	sadd.s32 s2, s17  }
0x8e: {  	[smem:$0x3FBD] =	sst s2  }
0x8f: {  	_ = 	snop  }
0x90: {  	s2 =	sld [smem:$0x3FD0];
	(tm) =	ssettm $0x1  }
0x91: {  	s18 =	sld [smem:$0x3FFB];
	_ =	sdelay $0x3  }
0x92: {  	_ =	strace s18  }
0x93: {  	s3 =	sld [smem:$0x3FFC];
	_ =	sdelay $0x3  }
0x94: {  	_ =	strace s3  }
0x95: {  	s3 =	sld [smem:$0x3FFD];
	_ =	sdelay $0x3  }
0x96: {  	_ =	strace s3  }
0x97: {  	_ =	strace $0x8FFFFFFF  }
0x98: {  	s19 =	sld [smem:$0x3FDB];
	_ =	sdelay $0x1  }
0x99: {  	s4 =	simm.s32 $_scs_section_size  }
0x9a: {  	s5 =	simm.s32 $_size__tile_overlayer_lowered;
	s6 =	simm.s32 $_tile_overlayer_lowered  }
0x9b: {  	s22 =	simm.s32 $0x1BFF;
	s21 =	sshll.u32 s6, $0x1;
	s3 =	sadd.s32 s4, s19  }
0x9c: {  	s7 =	simm.s32 $0x0;
	s20 =	sshll.u32 s5, $0x1;
	s5 =	sadd.s32 s21, s3  }
0x9d: {  	[timem:s7], [sflag:s22] =	dma.local [hbm:s5], s20  }
0x9e: {  	_ =	swait.ge [sflag:s22], s20  }
0x9f: {  	s4 =	ssub.s32 $0x0, s20;
	[sflag:s22] =	ssyncset.done $0x0  }
0xa0: {  	[sflag:s22] =	ssyncadd.s32 s4;
	_ =	sdelay $0x1  }
0xa1: {  	s23 =	simm.s32 $0x1B8B  }
0xa2: {  	_ =	swait.ge [sflag:s23], $0x1  }
0xa3: {  	[sflag:s23] =	ssyncset.done $0x0  }
0xa4: {  	s25 =	simm.s32 $0x1B8E;
	s24 =	sld [smem:$0x3FFE];
	[sflag:s23] =	ssyncadd.s32 $0xFFFFFFFF  }
0xa5: {  	s26 =	simm.s32 $execute0_lowered;
	[smem:$0x3FD2] =	sst s25  }
0xa6: {  	s5 =	sshll.u32 s26, $0x1;
	_ =	strace $0x80000049;
	[dreg:$0x1] =	wrdreg $0xFFFFFFFF  }
0xa7: {  	s28 =	simm.s32 $_size_execute0_lowered;
	s3 =	sadd.s32 s3, s5;
	[dreg:$0x0] =	wrdreg $0x0  }
0xa8: {  	s5 =	sshll.u32 s28, $0x1;
	[dreg:$0x2] =	wrdreg s3  }
0xa9: {  	[dreg:$0x3] =	wrdreg s5  }
0xaa: {  	[dreg:$0x4] =	wrdreg $0xC0  }
0xab: {  	_ =	task [dreg:s7], $0x5FFFF  }
0xac: {  	[dreg:$0x1] =	wrdreg $0xFFFFFFFF  }
0xad: {  	[dreg:$0x0] =	wrdreg $0x60  }
0xae: {  	[dreg:$0x2] =	wrdreg s24  }
0xaf: {  	[dreg:$0x3] =	wrdreg s2  }
0xb0: {  	[dreg:$0x4] =	wrdreg $0x92000  }
0xb1: {  	[dreg:$0x5] =	wrdreg $0x9  }
0xb2: {  	_ =	task.clear_ibuf [dreg:s7], $0x6FFFF;
	_ =	strace $0x90000049  }
0xb3: {  	s29 =	simm.s32 $0x9;
	_ =	strace $0x8000004B  }
0xb4: {  	_ =	swait.ge [sflag:s29], $0x1  }
0xb5: {  	[sflag:s29] =	ssyncadd.s32 $0xFFFFFFFF  }
0xb6: {  	_ =	strace $0x9000004B  }
0xb7: {  	_ =	sfence  }
0xb8: {  	s30 =	sld [smem:$0x0];
	_ =	sdelay $0x2  }
0xb9: {  	s31 =	sshll.u32 s1, $0xD;
	s1 =	sshrl.u32 s1, $0x2  }
0xba: {  	s3 =	sand.u32 $0x4000, s31;
	s1 =	sadd.s32 s1, s30  }
0xbb: {  	s0 =	sor.u32 s3, s0;
	s1 =	sshll.u32 s1, $0x11  }
0xbc: {  	s0 =	sor.u32 s1, s0  }
0xbd: {  	s0 =	sadd.s32 $0x8F2B, s0  }
0xbe: {  	[sflag:s0] =	ssyncadd.remote.s32 $0x1  }
0xbf: {  	_ =	sfence.sel $0xFFFF  }
0xc0: {  	[dreg:$0x0] =	wrdreg $0xFFFFFFFF;
	(pc) =	sbr.abs _section_cstart, $3  }
0xc1: {  	[dreg:$0x1] =	wrdreg $0xFFFFFFFF  }
0xc2: {  	_ =	task.clear_ibuf [dreg:s7], $0x2FFFF;
	_ =	strace $0x9FFFFFFF  }
0xc3: {  	(tm) =	ssettm $0x7FFFFFFF  }
tec
execute0_lowered:
.L_overlay_start_1:
0x0: {  	(tag) =	ssettag $0x1  }
0x1: {  	s0 =	rddreg [dreg:$0x0]  }
0x2: {  	s1 =	rddreg [dreg:$0x1];
	s12 =	stileid.u32  }
0x3: {  	s2 =	rddreg [dreg:$0x2];
	s8 =	smul.u32 $0x14000, s12  }
0x4: {  	s3 =	srdreg.scid;
	s9 =	smul.u32 $0x50000, s12  }
0x5: {  	s4 =	simm.s32 $0x0;
	s3 =	sand.u32 $0x1, s3;
	s15 =	smul.u32 $0x2780, s12  }
0x6: {  	[smem:$0x7FF] =	sst s4;
	s5 =	smul.u32 $0x140000, s3  }
0x7: {  	_ =	strace $0x8000004A;
	s6 =	sshll.u32 s3, $0x4;
	s28 =	ssub.s32 $0x2, s3  }
0x8: {  	s3 =	smul.u32 $0x27800, s3;
	s6 =	sor.u32 s12, s6;
	s11 =	sshrl.u32 s28, $0x1  }
0x9: {  	s9 =	sshrl.u32 s9, $0x2;
	s16 =	sadd.s32 s8, s2;
	s7 =	sadd.s32 s8, s5  }
0xa: {  	s5 =	sadd.s32 $0x1C00, s0;
	s10 =	smul.u32 $0x2780, s6;
	s6 =	sadd.s32 $0x2EC00, s0  }
0xb: {  	s11 =	ssub.s32 s28, s11;
	s3 =	sadd.s32 s15, s3;
	s15 =	simm.s32 $0x3  }
0xc: {  	s7 =	sshrl.u32 s7, $0x3;
	s17 =	smax.u32 s11, $0x1;
	s22 =	sadd.s32 $0x180, s3  }
0xd: {  	s0 =	sadd.s32 s7, s0;
	s10 =	sshrl.u32 s10, $0x3;
	s7 =	sadd.s32 s9, s2  }
0xe: {  	[dreg:$0xb] =	wrdreg s17;
	s8 =	sshrl.u32 s22, $0x3;
	s13 =	sadd.s32 s1, s10  }
0xf: {  	s17 =	simm.s32 $0x80;
	s30 =	sadd.s32 s6, s10;
	[dreg:$0x4] =	wrdreg s13  }
0x10: {  	s29 =	sadd.s32 $0x10, s10;
	s0 =	sadd.s32 $0x38A00, s0;
	[dreg:$0x5] =	wrdreg s30  }
0x11: {  	s14 =	sadd.s32 $0x4E0, s10;
	s18 =	sadd.s32 $0x1000, s7;
	[dreg:$0xa] =	wrdreg s0  }
0x12: {  	s19 =	sadd.s32 $0x2000, s7;
	s20 =	sadd.s32 $0x3000, s7;
	[dreg:$0xc] =	wrdreg s18  }
0x13: {  	s21 =	sadd.s32 $0x4000, s7;
	s23 =	sadd.s32 $0x5000, s7;
	[dreg:$0xd] =	wrdreg s19  }
0x14: {  	s24 =	sadd.s32 $0x6000, s7;
	s22 =	sadd.s32 s8, s6;
	[dreg:$0xe] =	wrdreg s20  }
0x15: {  	s25 =	sadd.s32 $0x7000, s7;
	s26 =	sadd.s32 $0x8000, s7;
	[dreg:$0xf] =	wrdreg s21  }
0x16: {  	s28 =	sadd.s32 $0x9000, s7;
	s11 =	sadd.s32 $0x11000, s7;
	[dreg:$0x10] =	wrdreg s23  }
0x17: {  	s12 =	sadd.s32 $0x12000, s7;
	s31 =	sadd.s32 s1, s29;
	[dreg:$0x11] =	wrdreg s24  }
0x18: {  	s9 =	sadd.s32 s6, s29;
	s10 =	sadd.s32 s1, s14;
	[dreg:$0x13] =	wrdreg s25  }
0x19: {  	s23 =	sadd.s32 s8, s1;
	s24 =	sadd.s32 $0x100, s3;
	[dreg:$0x14] =	wrdreg s26  }
0x1a: {  	s0 =	sshrl.u32 s16, $0x3;
	[dreg:$0x15] =	wrdreg s28;
	s29 =	sadd.s32 $0xA000, s7  }
0x1b: {  	s30 =	sadd.s32 $0xB000, s7;
	s3 =	sadd.s32 $0xD000, s7;
	[dreg:$0x6] =	wrdreg s31  }
0x1c: {  	s8 =	sadd.s32 $0xE000, s7;
	s13 =	sadd.s32 $0x13000, s7;
	[dreg:$0x7] =	wrdreg s9  }
0x1d: {  	s16 =	simm.s32 $0x100;
	s18 =	simm.s32 $0x200;
	[dreg:$0x8] =	wrdreg s10  }
0x1e: {  	s19 =	simm.s32 $0x180;
	s20 =	simm.s32 $0x4200;
	[dreg:$0x12] =	wrdreg s0  }
0x1f: {  	s21 =	simm.s32 $0x1;
	s25 =	simm.s32 $0x2;
	[dreg:$0x16] =	wrdreg s29  }
0x20: {  	s26 =	simm.s32 $0x0;
	s9 =	sadd.s32 s6, s14;
	[dreg:$0x17] =	wrdreg s30  }
0x21: {  	s31 =	sadd.s32 $0xC000, s7;
	s10 =	sadd.s32 $0x10000, s7;
	[dreg:$0x9] =	wrdreg s9  }
0x22: {  	v0 =	vimm.f32 $0.0e+00;
	s14 =	simm.s32 $0x8200;
	[dreg:$0x18] =	wrdreg s31;
	s9 =	sadd.s32 $0xF000, s7  }
.LBB2_1:
0x23: {  	s28 =	simm.s32 $0x0;
	s29 =	simm.s32 $0x200  }
.LBB2_2:
0x24: {  	p0 =	sne.s32 s29, $0x3E00;
	[tilespmem:s28+$0x8270] =	vst v0  }
0x25: {  	[tilespmem:s28+$0x8200] =	vst v0  }
0x26: {  	[tilespmem:s28+$0x8210] =	vst v0  }
.Ltmp0:
0x27: {  	[tilespmem:s28+$0x8220] =	vst v0;
	(pc) =	sbr.rel @p0 .LBB2_2-.Ltmp0, $4  }
0x28: {  	[tilespmem:s28+$0x8230] =	vst v0  }
0x29: {  	[tilespmem:s28+$0x8240] =	vst v0  }
0x2a: {  	[tilespmem:s28+$0x8250] =	vst v0  }
0x2b: {  	[tilespmem:s28+$0x8260] =	vst v0;
	s28 =	sshra.s32 s29, $0x2;
	s29 =	sadd.s32 $0x200, s29  }
0x2c: {  	[tilespmem:s28+$0x8270] =	vst v0  }
0x2d: {  	[tilespmem:s28+$0x8200] =	vst v0  }
0x2e: {  	[tilespmem:s28+$0x8210] =	vst v0  }
0x2f: {  	[tilespmem:s28+$0x8220] =	vst v0  }
0x30: {  	[tilespmem:s28+$0x8230] =	vst v0  }
0x31: {  	[tilespmem:s28+$0x8240] =	vst v0  }
0x32: {  	[tilespmem:s28+$0x8250] =	vst v0  }
0x33: {  	[tilespmem:s28+$0x8260] =	vst v0  }
0x34: {  	[spmem:s7] =	stream.linear.scatter [tilespmem:s14], [sflag:$0x3], $0x1000, $0x38;
	[tilespmem:$0x1D200] =	vst v63  }
0x35: {  	_ =	swait.ge [sflag:s15], $0x1000  }
0x36: {  	[sflag:s15] =	ssyncset.done $0x0  }
0x37: {  	s0 =	rddreg [dreg:$0xc];
	[sflag:s15] =	ssyncadd.s32 $0xFFFFF000  }
0x38: {  	[spmem:s0] =	stream.linear.scatter [tilespmem:s14], [sflag:$0x3], $0x1000, $0x38;
	[tilespmem:$0x1D200] =	vst v63  }
0x39: {  	_ =	swait.ge [sflag:s15], $0x1000  }
0x3a: {  	[sflag:s15] =	ssyncset.done $0x0  }
0x3b: {  	s31 =	rddreg [dreg:$0xd];
	[sflag:s15] =	ssyncadd.s32 $0xFFFFF000  }
0x3c: {  	[spmem:s31] =	stream.linear.scatter [tilespmem:s14], [sflag:$0x3], $0x1000, $0x38;
	[tilespmem:$0x1D200] =	vst v63  }
0x3d: {  	_ =	swait.ge [sflag:s15], $0x1000  }
0x3e: {  	[sflag:s15] =	ssyncset.done $0x0  }
0x3f: {  	s30 =	rddreg [dreg:$0xe];
	[sflag:s15] =	ssyncadd.s32 $0xFFFFF000  }
0x40: {  	[spmem:s30] =	stream.linear.scatter [tilespmem:s14], [sflag:$0x3], $0x1000, $0x38;
	[tilespmem:$0x1D200] =	vst v63  }
0x41: {  	_ =	swait.ge [sflag:s15], $0x1000  }
0x42: {  	[sflag:s15] =	ssyncset.done $0x0  }
0x43: {  	s31 =	rddreg [dreg:$0xf];
	[sflag:s15] =	ssyncadd.s32 $0xFFFFF000  }
0x44: {  	[spmem:s31] =	stream.linear.scatter [tilespmem:s14], [sflag:$0x3], $0x1000, $0x38;
	[tilespmem:$0x1D200] =	vst v63  }
0x45: {  	_ =	swait.ge [sflag:s15], $0x1000  }
0x46: {  	[sflag:s15] =	ssyncset.done $0x0  }
0x47: {  	s30 =	rddreg [dreg:$0x10];
	[sflag:s15] =	ssyncadd.s32 $0xFFFFF000  }
0x48: {  	[spmem:s30] =	stream.linear.scatter [tilespmem:s14], [sflag:$0x3], $0x1000, $0x38;
	[tilespmem:$0x1D200] =	vst v63  }
0x49: {  	_ =	swait.ge [sflag:s15], $0x1000  }
0x4a: {  	[sflag:s15] =	ssyncset.done $0x0  }
0x4b: {  	s31 =	rddreg [dreg:$0x11];
	[sflag:s15] =	ssyncadd.s32 $0xFFFFF000  }
0x4c: {  	[spmem:s31] =	stream.linear.scatter [tilespmem:s14], [sflag:$0x3], $0x1000, $0x38;
	[tilespmem:$0x1D200] =	vst v63  }
0x4d: {  	_ =	swait.ge [sflag:s15], $0x1000  }
0x4e: {  	[sflag:s15] =	ssyncset.done $0x0  }
0x4f: {  	s30 =	rddreg [dreg:$0x13];
	[sflag:s15] =	ssyncadd.s32 $0xFFFFF000  }
0x50: {  	[spmem:s30] =	stream.linear.scatter [tilespmem:s14], [sflag:$0x3], $0x1000, $0x38;
	[tilespmem:$0x1D200] =	vst v63  }
0x51: {  	_ =	swait.ge [sflag:s15], $0x1000  }
0x52: {  	[sflag:s15] =	ssyncset.done $0x0  }
0x53: {  	s31 =	rddreg [dreg:$0x14];
	[sflag:s15] =	ssyncadd.s32 $0xFFFFF000  }
0x54: {  	[spmem:s31] =	stream.linear.scatter [tilespmem:s14], [sflag:$0x3], $0x1000, $0x38;
	[tilespmem:$0x1D200] =	vst v63  }
0x55: {  	_ =	swait.ge [sflag:s15], $0x1000  }
0x56: {  	[sflag:s15] =	ssyncset.done $0x0  }
0x57: {  	s30 =	rddreg [dreg:$0x15];
	[sflag:s15] =	ssyncadd.s32 $0xFFFFF000  }
0x58: {  	[spmem:s30] =	stream.linear.scatter [tilespmem:s14], [sflag:$0x3], $0x1000, $0x38;
	[tilespmem:$0x1D200] =	vst v63  }
0x59: {  	_ =	swait.ge [sflag:s15], $0x1000  }
0x5a: {  	[sflag:s15] =	ssyncset.done $0x0  }
0x5b: {  	s31 =	rddreg [dreg:$0x16];
	[sflag:s15] =	ssyncadd.s32 $0xFFFFF000  }
0x5c: {  	[spmem:s31] =	stream.linear.scatter [tilespmem:s14], [sflag:$0x3], $0x1000, $0x38;
	[tilespmem:$0x1D200] =	vst v63  }
0x5d: {  	_ =	swait.ge [sflag:s15], $0x1000  }
0x5e: {  	[sflag:s15] =	ssyncset.done $0x0  }
0x5f: {  	s30 =	rddreg [dreg:$0x17];
	[sflag:s15] =	ssyncadd.s32 $0xFFFFF000  }
0x60: {  	[spmem:s30] =	stream.linear.scatter [tilespmem:s14], [sflag:$0x3], $0x1000, $0x38;
	[tilespmem:$0x1D200] =	vst v63  }
0x61: {  	_ =	swait.ge [sflag:s15], $0x1000  }
0x62: {  	[sflag:s15] =	ssyncset.done $0x0  }
0x63: {  	s31 =	rddreg [dreg:$0x18];
	[sflag:s15] =	ssyncadd.s32 $0xFFFFF000  }
0x64: {  	[spmem:s31] =	stream.linear.scatter [tilespmem:s14], [sflag:$0x3], $0x1000, $0x38;
	[tilespmem:$0x1D200] =	vst v63  }
0x65: {  	_ =	swait.ge [sflag:s15], $0x1000  }
0x66: {  	[sflag:s15] =	ssyncset.done $0x0  }
0x67: {  	[sflag:s15] =	ssyncadd.s32 $0xFFFFF000  }
0x68: {  	[spmem:s3] =	stream.linear.scatter [tilespmem:s14], [sflag:$0x3], $0x1000, $0x38;
	[tilespmem:$0x1D200] =	vst v63  }
0x69: {  	_ =	swait.ge [sflag:s15], $0x1000  }
0x6a: {  	[sflag:s15] =	ssyncset.done $0x0  }
0x6b: {  	[sflag:s15] =	ssyncadd.s32 $0xFFFFF000  }
0x6c: {  	[spmem:s8] =	stream.linear.scatter [tilespmem:s14], [sflag:$0x3], $0x1000, $0x38;
	[tilespmem:$0x1D200] =	vst v63  }
0x6d: {  	_ =	swait.ge [sflag:s15], $0x1000  }
0x6e: {  	[sflag:s15] =	ssyncset.done $0x0  }
0x6f: {  	[sflag:s15] =	ssyncadd.s32 $0xFFFFF000  }
0x70: {  	[spmem:s9] =	stream.linear.scatter [tilespmem:s14], [sflag:$0x3], $0x1000, $0x38;
	[tilespmem:$0x1D200] =	vst v63  }
0x71: {  	_ =	swait.ge [sflag:s15], $0x1000  }
0x72: {  	[sflag:s15] =	ssyncset.done $0x0  }
0x73: {  	[sflag:s15] =	ssyncadd.s32 $0xFFFFF000  }
0x74: {  	[spmem:s10] =	stream.linear.scatter [tilespmem:s14], [sflag:$0x3], $0x1000, $0x38;
	[tilespmem:$0x1D200] =	vst v63  }
0x75: {  	_ =	swait.ge [sflag:s15], $0x1000  }
0x76: {  	[sflag:s15] =	ssyncset.done $0x0  }
0x77: {  	[sflag:s15] =	ssyncadd.s32 $0xFFFFF000  }
0x78: {  	[spmem:s11] =	stream.linear.scatter [tilespmem:s14], [sflag:$0x3], $0x1000, $0x38;
	[tilespmem:$0x1D200] =	vst v63  }
0x79: {  	_ =	swait.ge [sflag:s15], $0x1000  }
0x7a: {  	[sflag:s15] =	ssyncset.done $0x0  }
0x7b: {  	[sflag:s15] =	ssyncadd.s32 $0xFFFFF000  }
0x7c: {  	[spmem:s12] =	stream.linear.scatter [tilespmem:s14], [sflag:$0x3], $0x1000, $0x38;
	[tilespmem:$0x1D200] =	vst v63  }
0x7d: {  	_ =	swait.ge [sflag:s15], $0x1000  }
0x7e: {  	[sflag:s15] =	ssyncset.done $0x0  }
0x7f: {  	[sflag:s15] =	ssyncadd.s32 $0xFFFFF000  }
0x80: {  	[spmem:s13] =	stream.linear.scatter [tilespmem:s14], [sflag:$0x3], $0x1000, $0x38;
	[tilespmem:$0x1D200] =	vst v63  }
0x81: {  	_ =	swait.ge [sflag:s15], $0x1000  }
0x82: {  	[sflag:s15] =	ssyncset.done $0x0  }
0x83: {  	[sflag:s15] =	ssyncadd.s32 $0xFFFFF000  }
0x84: {  	[bflag:$0x0] =	sbarrier.arrive $0xFFFF  }
0x85: {  	s28 =	simm.s32 $0x0;
	s30 =	rddreg [dreg:$0x4]  }
0x86: {  	[tilespmem:s28], [sflag:$0x3] =	stream.linear.gather [hbm4b:s30+s28], $0x80, $0x38;
	[tilespmem:$0x1D200] =	vst v63  }
0x87: {  	_ =	swait.ge [sflag:s15], $0x80  }
0x88: {  	[sflag:s15] =	ssyncset.done $0x0  }
0x89: {  	s31 =	rddreg [dreg:$0x5];
	[sflag:s15] =	ssyncadd.s32 $0xFFFFFF80  }
0x8a: {  	[tilespmem:s16], [sflag:$0x3] =	stream.linear.gather [hbm4b:s31+s28], $0x80, $0x38;
	[tilespmem:$0x1D200] =	vst v63  }
0x8b: {  	_ =	swait.ge [sflag:s15], $0x80  }
0x8c: {  	[sflag:s15] =	ssyncset.done $0x0  }
0x8d: {  	[sflag:s15] =	ssyncadd.s32 $0xFFFFFF80  }
0x8e: {  	[tilespmem:s18], [sflag:$0x1] =	stream.indirect.gather [hbm4b:s5+s17], $0x80, s28, s17, $0xb8;
	[tilespmem:$0x1D200] =	vst v63  }
0x8f: {  	s30 =	rddreg [dreg:$0x6]  }
0x90: {  	[tilespmem:s17], [sflag:$0x3] =	stream.linear.gather [hbm4b:s30+s28], $0x80, $0x38;
	[tilespmem:$0x1D200] =	vst v63  }
0x91: {  	_ =	swait.ge [sflag:s15], $0x80  }
0x92: {  	[sflag:s15] =	ssyncset.done $0x0  }
0x93: {  	s31 =	rddreg [dreg:$0x7];
	[sflag:s15] =	ssyncadd.s32 $0xFFFFFF80  }
0x94: {  	[tilespmem:s19], [sflag:$0x3] =	stream.linear.gather [hbm4b:s31+s28], $0x80, $0x38;
	[tilespmem:$0x1D200] =	vst v63  }
0x95: {  	_ =	swait.ge [sflag:s15], $0x80  }
0x96: {  	[sflag:s15] =	ssyncset.done $0x0  }
0x97: {  	[sflag:s15] =	ssyncadd.s32 $0xFFFFFF80  }
0x98: {  	[tilespmem:s20], [sflag:$0x2] =	stream.indirect.gather [hbm4b:s5+s17], $0x80, s17, s17, $0xb8;
	[tilespmem:$0x1D200] =	vst v63  }
0x99: {  	_ =	swait.ge [sflag:s21], $0x4000  }
0x9a: {  	[sflag:s21] =	ssyncset.done $0x0  }
0x9b: {  	[sflag:s21] =	ssyncadd.s32 $0xFFFFC000  }
0x9c: {  	[spmem:s2] =	stream.indirect.scatter.add.f32 [tilespmem:s18], [sflag:$0x3], $0x80, s16, s17, $0xb8;
	[tilespmem:$0x1D200] =	vst v63  }
0x9d: {  	_ =	swait.ge [sflag:s15], $0x4000  }
0x9e: {  	s28 =	sshrl.u32 s24, $0x3;
	[sflag:s15] =	ssyncset.done $0x0  }
0x9f: {  	s29 =	sadd.s32 s1, s28;
	[sflag:s15] =	ssyncadd.s32 $0xFFFFC000  }
0xa0: {  	[tilespmem:s4], [sflag:$0x3] =	stream.linear.gather [hbm4b:s29+s4], $0x80, $0x38;
	[tilespmem:$0x1D200] =	vst v63  }
0xa1: {  	_ =	swait.ge [sflag:s15], $0x80  }
0xa2: {  	[sflag:s15] =	ssyncset.done $0x0  }
0xa3: {  	s28 =	sadd.s32 s6, s28;
	[sflag:s15] =	ssyncadd.s32 $0xFFFFFF80  }
0xa4: {  	[tilespmem:s16], [sflag:$0x3] =	stream.linear.gather [hbm4b:s28+s4], $0x80, $0x38;
	[tilespmem:$0x1D200] =	vst v63  }
0xa5: {  	_ =	swait.ge [sflag:s15], $0x80  }
0xa6: {  	[sflag:s15] =	ssyncset.done $0x0  }
0xa7: {  	[sflag:s15] =	ssyncadd.s32 $0xFFFFFF80  }
0xa8: {  	[tilespmem:s18], [sflag:$0x1] =	stream.indirect.gather [hbm4b:s5+s17], $0x80, s4, s17, $0xb8;
	[tilespmem:$0x1D200] =	vst v63  }
0xa9: {  	_ =	swait.ge [sflag:s25], $0x4000  }
0xaa: {  	[sflag:s25] =	ssyncset.done $0x0  }
0xab: {  	[sflag:s25] =	ssyncadd.s32 $0xFFFFC000  }
0xac: {  	[spmem:s2] =	stream.indirect.scatter.add.f32 [tilespmem:s20], [sflag:$0x3], $0x80, s19, s17, $0xb8;
	[tilespmem:$0x1D200] =	vst v63  }
0xad: {  	_ =	swait.ge [sflag:s15], $0x4000  }
0xae: {  	[sflag:s15] =	ssyncset.done $0x0  }
0xaf: {  	s28 =	sadd.s32 $0x0, s23;
	[sflag:s15] =	ssyncadd.s32 $0xFFFFC000  }
0xb0: {  	[tilespmem:s17], [sflag:$0x3] =	stream.linear.gather [hbm4b:s28+s4], $0x80, $0x38;
	[tilespmem:$0x1D200] =	vst v63  }
0xb1: {  	_ =	swait.ge [sflag:s15], $0x80  }
0xb2: {  	[sflag:s15] =	ssyncset.done $0x0  }
0xb3: {  	s28 =	sadd.s32 $0x0, s22;
	[sflag:s15] =	ssyncadd.s32 $0xFFFFFF80  }
0xb4: {  	[tilespmem:s19], [sflag:$0x3] =	stream.linear.gather [hbm4b:s28+s4], $0x80, $0x38;
	[tilespmem:$0x1D200] =	vst v63  }
0xb5: {  	_ =	swait.ge [sflag:s15], $0x80  }
0xb6: {  	[sflag:s15] =	ssyncset.done $0x0  }
0xb7: {  	s29 =	sadd.s32 $0x100, s24;
	s28 =	simm.s32 $0x20;
	[sflag:s15] =	ssyncadd.s32 $0xFFFFFF80  }
.LBB2_4:
0xb8: {  	[tilespmem:s20], [sflag:$0x2] =	stream.indirect.gather [hbm4b:s5+s17], $0x80, s17, s17, $0xb8;
	[tilespmem:$0x1D200] =	vst v63  }
0xb9: {  	s30 =	smov.u32 s28  }
0xba: {  	p0 =	sne.s32 s28, $0x4A0;
	s28 =	sadd.s32 $0x20, s28;
	_ =	swait.ge [sflag:s21], $0x4000  }
0xbb: {  	[sflag:s21] =	ssyncset.done $0x0  }
0xbc: {  	[sflag:s21] =	ssyncadd.s32 $0xFFFFC000  }
0xbd: {  	[spmem:s2] =	stream.indirect.scatter.add.f32 [tilespmem:s18], [sflag:$0x3], $0x80, s16, s17, $0xb8;
	[tilespmem:$0x1D200] =	vst v63  }
0xbe: {  	_ =	swait.ge [sflag:s15], $0x4000  }
0xbf: {  	s31 =	sshrl.u32 s29, $0x3;
	[sflag:s15] =	ssyncset.done $0x0  }
0xc0: {  	s0 =	sadd.s32 s1, s31;
	[sflag:s15] =	ssyncadd.s32 $0xFFFFC000  }
0xc1: {  	[tilespmem:s4], [sflag:$0x3] =	stream.linear.gather [hbm4b:s0+s4], $0x80, $0x38;
	[tilespmem:$0x1D200] =	vst v63  }
0xc2: {  	_ =	swait.ge [sflag:s15], $0x80  }
0xc3: {  	[sflag:s15] =	ssyncset.done $0x0  }
0xc4: {  	s0 =	sadd.s32 s6, s31;
	[sflag:s15] =	ssyncadd.s32 $0xFFFFFF80  }
0xc5: {  	[tilespmem:s16], [sflag:$0x3] =	stream.linear.gather [hbm4b:s0+s4], $0x80, $0x38;
	[tilespmem:$0x1D200] =	vst v63  }
0xc6: {  	_ =	swait.ge [sflag:s15], $0x80  }
0xc7: {  	[sflag:s15] =	ssyncset.done $0x0  }
0xc8: {  	[sflag:s15] =	ssyncadd.s32 $0xFFFFFF80  }
0xc9: {  	[tilespmem:s18], [sflag:$0x1] =	stream.indirect.gather [hbm4b:s5+s17], $0x80, s4, s17, $0xb8;
	[tilespmem:$0x1D200] =	vst v63  }
0xca: {  	_ =	swait.ge [sflag:s25], $0x4000  }
0xcb: {  	[sflag:s25] =	ssyncset.done $0x0  }
0xcc: {  	[sflag:s25] =	ssyncadd.s32 $0xFFFFC000  }
0xcd: {  	[spmem:s2] =	stream.indirect.scatter.add.f32 [tilespmem:s20], [sflag:$0x3], $0x80, s19, s17, $0xb8;
	[tilespmem:$0x1D200] =	vst v63  }
0xce: {  	_ =	swait.ge [sflag:s15], $0x4000  }
0xcf: {  	[sflag:s15] =	ssyncset.done $0x0  }
0xd0: {  	s0 =	sadd.s32 s30, s23;
	[sflag:s15] =	ssyncadd.s32 $0xFFFFC000  }
0xd1: {  	[tilespmem:s17], [sflag:$0x3] =	stream.linear.gather [hbm4b:s0+s4], $0x80, $0x38;
	[tilespmem:$0x1D200] =	vst v63  }
0xd2: {  	_ =	swait.ge [sflag:s15], $0x80  }
0xd3: {  	[sflag:s15] =	ssyncset.done $0x0  }
.Ltmp1:
0xd4: {  	s0 =	sadd.s32 s30, s22;
	[sflag:s15] =	ssyncadd.s32 $0xFFFFFF80;
	(pc) =	sbr.rel @p0 .LBB2_4-.Ltmp1, $4  }
0xd5: {  	[tilespmem:s19], [sflag:$0x3] =	stream.linear.gather [hbm4b:s0+s4], $0x80, $0x38;
	[tilespmem:$0x1D200] =	vst v63  }
0xd6: {  	_ =	swait.ge [sflag:s15], $0x80  }
0xd7: {  	[sflag:s15] =	ssyncset.done $0x0  }
0xd8: {  	s29 =	sadd.s32 $0x100, s29;
	[sflag:s15] =	ssyncadd.s32 $0xFFFFFF80  }
0xd9: {  	[tilespmem:s20], [sflag:$0x2] =	stream.indirect.gather [hbm4b:s5+s17], $0x80, s17, s17, $0xb8;
	[tilespmem:$0x1D200] =	vst v63  }
0xda: {  	_ =	swait.ge [sflag:s21], $0x4000  }
0xdb: {  	[sflag:s21] =	ssyncset.done $0x0  }
0xdc: {  	[sflag:s21] =	ssyncadd.s32 $0xFFFFC000  }
0xdd: {  	[spmem:s2] =	stream.indirect.scatter.add.f32 [tilespmem:s18], [sflag:$0x3], $0x80, s16, s17, $0xb8;
	[tilespmem:$0x1D200] =	vst v63  }
0xde: {  	_ =	swait.ge [sflag:s15], $0x4000  }
0xdf: {  	[sflag:s15] =	ssyncset.done $0x0  }
0xe0: {  	[sflag:s15] =	ssyncadd.s32 $0xFFFFC000  }
0xe1: {  	_ =	swait.ge [sflag:s25], $0x4000  }
0xe2: {  	[sflag:s25] =	ssyncset.done $0x0  }
0xe3: {  	[sflag:s25] =	ssyncadd.s32 $0xFFFFC000  }
0xe4: {  	[spmem:s2] =	stream.indirect.scatter.add.f32 [tilespmem:s20], [sflag:$0x3], $0x80, s19, s17, $0xb8;
	[tilespmem:$0x1D200] =	vst v63  }
0xe5: {  	_ =	swait.ge [sflag:s15], $0x4000  }
0xe6: {  	[sflag:s15] =	ssyncset.done $0x0  }
0xe7: {  	s0 =	rddreg [dreg:$0x8];
	[sflag:s15] =	ssyncadd.s32 $0xFFFFC000  }
0xe8: {  	[tilespmem:s4], [sflag:$0x3] =	stream.linear.gather [hbm4b:s0+s4], $0x80, $0x38;
	[tilespmem:$0x1D200] =	vst v63  }
0xe9: {  	_ =	swait.ge [sflag:s15], $0x80  }
0xea: {  	[sflag:s15] =	ssyncset.done $0x0  }
0xeb: {  	s29 =	rddreg [dreg:$0x9];
	[sflag:s15] =	ssyncadd.s32 $0xFFFFFF80  }
0xec: {  	[tilespmem:s16], [sflag:$0x3] =	stream.linear.gather [hbm4b:s29+s4], $0x80, $0x38;
	[tilespmem:$0x1D200] =	vst v63  }
0xed: {  	_ =	swait.ge [sflag:s15], $0x80  }
0xee: {  	[sflag:s15] =	ssyncset.done $0x0  }
0xef: {  	[sflag:s15] =	ssyncadd.s32 $0xFFFFFF80  }
0xf0: {  	[tilespmem:s18], [sflag:$0x1] =	stream.indirect.gather [hbm4b:s5+s17], $0x80, s4, s17, $0xb8;
	[tilespmem:$0x1D200] =	vst v63  }
0xf1: {  	_ =	swait.ge [sflag:s21], $0x4000  }
0xf2: {  	[sflag:s21] =	ssyncset.done $0x0  }
0xf3: {  	[sflag:s21] =	ssyncadd.s32 $0xFFFFC000  }
0xf4: {  	[spmem:s2] =	stream.indirect.scatter.add.f32 [tilespmem:s18], [sflag:$0x3], $0x80, s16, s17, $0xb8;
	[tilespmem:$0x1D200] =	vst v63  }
0xf5: {  	_ =	swait.ge [sflag:s15], $0x4000  }
0xf6: {  	[sflag:s15] =	ssyncset.done $0x0  }
0xf7: {  	[sflag:s15] =	ssyncadd.s32 $0xFFFFC000  }
0xf8: {  	s30 =	stileid.u32;
	[bflag:$0x0] =	sbarrier.arrive $0xFFFF  }
0xf9: {  	s0 =	sshll.u32 s30, $0x6;
	s28 =	rddreg [dreg:$0xa]  }
0xfa: {  	s0 =	sor.u32 $0x1C03, s0;
	s29 =	rddreg [dreg:$0x12]  }
0xfb: {  	[hbm:s28], [sflag:s0] =	dma.local [spmem:s29], $0x2800  }
0xfc: {  	_ =	swait.ge [sflag:s15], $0x2800  }
0xfd: {  	s26 =	sadd.s32 $0x1, s26;
	s31 =	rddreg [dreg:$0xb]  }
0xfe: {  	p0 =	sne.s32 s26, s31  }
.Ltmp2:
0xff: {  	_ = 	snop;
	(pc) =	sbr.rel @p0 .LBB2_1-.Ltmp2, $3  }
0x100: {  	_ =	sdelay $0x1  }
0x101: {  	[sflag:s15] =	ssyncset.done $0x0  }
0x102: {  	[sflag:s15] =	ssyncadd.s32 $0xFFFFD800  }
0x103: {  	_ =	sfence.sel $0x180000  }
0x104: {  	[bflag:$0x0] =	sbarrier.arrive $0xFFFF  }
0x105: {  	_ =	strace $0x9000004A  }
0x106: {  	s0 =	stileid.u32;
	[bflag:$0x2] =	sbarrier.arrive $0xFFFF  }
0x107: {  	p0 =	sne.s32 s0, $0x0;
	s0 =	rddreg [dreg:$0x3]  }
0x108: {  	s0 =	sadd.s32 @!p0 $0x100000, s0  }
0x109: {  	[sflag:s0] =	ssyncadd.tile.s32 @!p0 $0x1;
	_ =	shalt  }
.Lfunc_end2:
_tile_overlayer_lowered:
.L_overlay_start_2:
0x10a: {  	(tag) =	ssettag $0x2  }
0x10b: {  	s0 =	rddreg [dreg:$0x0];
	s2 =	stileid.u32  }
0x10c: {  	s1 =	rddreg [dreg:$0x1];
	p0 =	sne.s32 s2, $0x0  }
0x10d: {  	s3 =	rddreg [dreg:$0x2];
	[bflag:$0x3] =	sbarrier.arrive $0xFFFF;
	s2 =	simm.s32 @!p0 $0x1C03  }
0x10e: {  	[timem:s3], [sflag:s2] =	dma.local @!p0 [hbm:s0], s1  }
0x10f: {  	s0 =	simm.s32 @!p0 $0x3  }
0x110: {  	_ =	swait.ge @!p0 [sflag:s0], s1  }
0x111: {  	s1 =	ssub.s32 @!p0 $0x0, s1;
	[sflag:s0] =	ssyncset.done @!p0 $0x0  }
0x112: {  	[sflag:s0] =	ssyncadd.s32 @!p0 s1  }
0x113: {  	[bflag:$0x3] =	sbarrier.arrive $0xFFFF  }
0x114: {  	_ =	shalt  }

// kernel: kernel.15.cloned.1.call-start
scs
__scs_entry_jumppad:
0x0: {  	(pc) =	sbr.rel $0x88, $3  }
0x1: {  	(tag) =	ssettag $0x0;
	lr =	simm.s32 $0x1  }
0x2: {  	[smem:$0x3F96] =	sst lr;
	_ =	strace $0xD0000000  }
0x3: {  	_ = 	snop  }
0x4: {  	_ = 	snop  }
0x5: {  	_ = 	snop  }
0x6: {  	_ = 	snop  }
0x7: {  	_ = 	snop  }
__scs_overlays_trampoline_lowered:
0x8: {  	[smem:$0x3FA5] =	sst s0  }
0x9: {  	[smem:$0x3FA6] =	sst s1  }
0xa: {  	[smem:$0x3FA7] =	sst s2  }
0xb: {  	[smem:$0x3FA8] =	sst s3  }
0xc: {  	[smem:$0x3FA9] =	sst s4  }
0xd: {  	[smem:$0x3FAA] =	sst s5  }
0xe: {  	[smem:$0x3FAB] =	sst s6  }
0xf: {  	[smem:$0x3FAC] =	sst s7  }
0x10: {  	[smem:$0x3FAD] =	sst s8  }
0x11: {  	[smem:$0x3FAE] =	sst s9;
	s0 =	simm.s32 @!p0 $0x0  }
0x12: {  	s1 =	sld [smem:$0x3F94];
	s0 =	simm.s32 @p0 $0x1  }
0x13: {  	[smem:$0x3FAF] =	sst s0;
	s0 =	simm.s32 @!p1 $0x0  }
0x14: {  	s2 =	sld [smem:$0x3F93];
	s0 =	simm.s32 @p1 $0x1  }
0x15: {  	[smem:$0x3FB0] =	sst s0;
	s0 =	simm.s32 @!p2 $0x0  }
0x16: {  	s3 =	sld [smem:$0x3FDB];
	s0 =	simm.s32 @p2 $0x1  }
0x17: {  	s4 =	simm.s32 $0x1BF5;
	[smem:$0x3FB2] =	sst s0  }
0x18: {  	s0 =	sld [smem:$0x3F95];
	_ =	swait.ge [sflag:s4], $0x0  }
0x19: {  	s7 =	sld [smem:$0x3F96]  }
0x1a: {  	s8 =	sadd.s32 $0xFFFFE003, lr  }
0x1b: {  	s9 =	sadd.s32 $0xFFFFFEF7, lr;
	s5 =	simm.s32 $0xFFFFFFFF;
	p2 =	slt.u32 s8, $0xFFFFF086  }
0x1c: {  	p1 =	slt.u32 s9, $0xF7A;
	s5 =	simm.s32 @!p2 $0x0  }
0x1d: {  	s5 =	simm.s32 @p1 $0x1;
	p0 =	seq.s32 s7, s2  }
0x1e: {  	s7 =	smul.u32 @!p0 $0xF7A, s2;
	p2 =	seq.s32 @!p0 s5, $0x0  }
0x1f: {  	s9 =	smul.u32 $0xF7A, s1;
	s8 =	simm.s32 @!p0 $0x1BF5;
	p2 =	por !p2, p0  }
0x20: {  	[sflag:s8] =	ssyncset.s32 @!p0 $0xFFFFF086;
	s6 =	sadd.s32 @!p0 s3, s7;
	s7 =	simm.s32 @!p0 $0x108  }
0x21: {  	s3 =	sadd.s32 s3, s9;
	s6 =	sadd.s32 @!p0 $0x88, s6;
	s7 =	simm.s32 @p2 $0x1082  }
0x22: {  	[simem:s7], [sflag:s8] =	dma.local @!p0 [hbm:s6], $0xF7A  }
0x23: {  	s9 =	sor.u32 $0xD0000000, s2;
	s6 =	simm.s32 $0x108;
	_ =	swait.ge @!p0 [sflag:s8], $0x0  }
0x24: {  	s3 =	sadd.s32 $0x88, s3;
	s6 =	simm.s32 @!p1 $0x1082;
	[sflag:s4] =	ssyncset.s32 $0xFFFFF086  }
0x25: {  	[simem:s6], [sflag:s4] =	dma.local [hbm:s3], $0xF7A  }
0x26: {  	[smem:$0x3F96] =	sst s1;
	(tag) =	ssettag s2;
	_ =	strace s9  }
0x27: {  	s1 =	sld [smem:$0x3FA6]  }
0x28: {  	s2 =	sld [smem:$0x3FA7]  }
0x29: {  	s4 =	sld [smem:$0x3FA9]  }
0x2a: {  	p0 =	seq.s32 s5, $0x0;
	s5 =	sld [smem:$0x3FAA]  }
0x2b: {  	s6 =	sld [smem:$0x3FAB]  }
0x2c: {  	s7 =	sld [smem:$0x3FAC]  }
0x2d: {  	s3 =	simm.s32 $0x108;
	s8 =	sld [smem:$0x3FAD]  }
0x2e: {  	s3 =	simm.s32 @!p0 $0x1082;
	s9 =	sld [smem:$0x3FAE]  }
0x2f: {  	lr =	sadd.s32 s0, s3;
	s0 =	sld [smem:$0x3FA5]  }
0x30: {  	s3 =	sld [smem:$0x3FA8]  }
0x31: {  	[smem:$0x3FB1] =	sst s10  }
0x32: {  	s10 =	sld [smem:$0x3FAF];
	_ =	sdelay $0x3  }
0x33: {  	p0 =	seq.s32 s10, $0x1;
	s10 =	sld [smem:$0x3FB1];
	_ =	sdelay $0x3  }
0x34: {  	[smem:$0x3FB1] =	sst s10  }
0x35: {  	s10 =	sld [smem:$0x3FB0];
	_ =	sdelay $0x3  }
0x36: {  	p1 =	seq.s32 s10, $0x1;
	s10 =	sld [smem:$0x3FB1];
	_ =	sdelay $0x3  }
0x37: {  	[smem:$0x3FB1] =	sst s10  }
0x38: {  	s10 =	sld [smem:$0x3FB2]  }
0x39: {  	_ = 	snop;
	(pc) =	sbr.ind lr, $3  }
0x3a: {  	_ = 	snop  }
0x3b: {  	_ = 	snop  }
0x3c: {  	p2 =	seq.s32 s10, $0x1;
	s10 =	sld [smem:$0x3FB1]  }
0x3d: {  	_ =	shalt  }
0x3e: {  	_ =	shalt  }
0x3f: {  	_ =	shalt  }
0x40: {  	_ =	shalt  }
0x41: {  	_ =	shalt  }
0x42: {  	_ =	shalt  }
0x43: {  	_ =	shalt  }
0x44: {  	_ =	shalt  }
0x45: {  	_ =	shalt  }
0x46: {  	_ =	shalt  }
0x47: {  	_ =	shalt  }
0x48: {  	_ =	shalt  }
0x49: {  	_ =	shalt  }
0x4a: {  	_ =	shalt  }
0x4b: {  	_ =	shalt  }
0x4c: {  	_ =	shalt  }
0x4d: {  	_ =	shalt  }
0x4e: {  	_ =	shalt  }
0x4f: {  	_ =	shalt  }
0x50: {  	_ =	shalt  }
0x51: {  	_ =	shalt  }
0x52: {  	_ =	shalt  }
0x53: {  	_ =	shalt  }
0x54: {  	_ =	shalt  }
0x55: {  	_ =	shalt  }
0x56: {  	_ =	shalt  }
0x57: {  	_ =	shalt  }
0x58: {  	_ =	shalt  }
0x59: {  	_ =	shalt  }
0x5a: {  	_ =	shalt  }
0x5b: {  	_ =	shalt  }
0x5c: {  	_ =	shalt  }
0x5d: {  	_ =	shalt  }
0x5e: {  	_ =	shalt  }
0x5f: {  	_ =	shalt  }
0x60: {  	_ =	shalt  }
0x61: {  	_ =	shalt  }
0x62: {  	_ =	shalt  }
0x63: {  	_ =	shalt  }
0x64: {  	_ =	shalt  }
0x65: {  	_ =	shalt  }
0x66: {  	_ =	shalt  }
0x67: {  	_ =	shalt  }
0x68: {  	_ =	shalt  }
0x69: {  	_ =	shalt  }
0x6a: {  	_ =	shalt  }
0x6b: {  	_ =	shalt  }
0x6c: {  	_ =	shalt  }
0x6d: {  	_ =	shalt  }
0x6e: {  	_ =	shalt  }
0x6f: {  	_ =	shalt  }
0x70: {  	_ =	shalt  }
0x71: {  	_ =	shalt  }
0x72: {  	_ =	shalt  }
0x73: {  	_ =	shalt  }
0x74: {  	_ =	shalt  }
0x75: {  	_ =	shalt  }
0x76: {  	_ =	shalt  }
0x77: {  	_ =	shalt  }
0x78: {  	_ =	shalt  }
0x79: {  	_ =	shalt  }
0x7a: {  	_ =	shalt  }
0x7b: {  	_ =	shalt  }
0x7c: {  	_ =	shalt  }
0x7d: {  	_ =	shalt  }
0x7e: {  	_ =	shalt  }
0x7f: {  	_ =	shalt  }
0x80: {  	_ =	shalt  }
0x81: {  	_ =	shalt  }
0x82: {  	_ =	shalt  }
0x83: {  	_ =	shalt  }
0x84: {  	_ =	shalt  }
0x85: {  	_ =	shalt  }
0x86: {  	_ =	shalt  }
0x87: {  	_ =	shalt  }
.Lfunc_end0:
.L_simem_size_0:
called_computation.2_lowered:
.L_overlay_start_0:
0x88: {  	s2 =	sld [smem:$0x3FD9]  }
0x89: {  	s3 =	sld [smem:$0x3FFE];
	_ =	sdelay $0x1  }
0x8a: {  	s1 =	srdreg.scid  }
0x8b: {  	s0 =	sand.u32 $0x1, s1  }
0x8c: {  	s17 =	sshll.u32 s0, $0xA;
	s2 =	sadd.s32 s3, s2  }
0x8d: {  	s2 =	sadd.s32 s2, s17  }
0x8e: {  	[smem:$0x3FBD] =	sst s2  }
0x8f: {  	_ = 	snop  }
0x90: {  	s2 =	sld [smem:$0x3FD0];
	(tm) =	ssettm $0x1  }
0x91: {  	s18 =	sld [smem:$0x3FFB];
	_ =	sdelay $0x3  }
0x92: {  	_ =	strace s18  }
0x93: {  	s3 =	sld [smem:$0x3FFC];
	_ =	sdelay $0x3  }
0x94: {  	_ =	strace s3  }
0x95: {  	s3 =	sld [smem:$0x3FFD];
	_ =	sdelay $0x3  }
0x96: {  	_ =	strace s3  }
0x97: {  	_ =	strace $0x8FFFFFFF  }
0x98: {  	s19 =	sld [smem:$0x3FDB];
	_ =	sdelay $0x1  }
0x99: {  	s4 =	simm.s32 $_scs_section_size  }
0x9a: {  	s5 =	simm.s32 $_size__tile_overlayer_lowered;
	s6 =	simm.s32 $_tile_overlayer_lowered  }
0x9b: {  	s22 =	simm.s32 $0x1BFF;
	s21 =	sshll.u32 s6, $0x1;
	s3 =	sadd.s32 s4, s19  }
0x9c: {  	s7 =	simm.s32 $0x0;
	s20 =	sshll.u32 s5, $0x1;
	s5 =	sadd.s32 s21, s3  }
0x9d: {  	[timem:s7], [sflag:s22] =	dma.local [hbm:s5], s20  }
0x9e: {  	_ =	swait.ge [sflag:s22], s20  }
0x9f: {  	s4 =	ssub.s32 $0x0, s20;
	[sflag:s22] =	ssyncset.done $0x0  }
0xa0: {  	[sflag:s22] =	ssyncadd.s32 s4;
	_ =	sdelay $0x1  }
0xa1: {  	s23 =	simm.s32 $0x1B8B  }
0xa2: {  	_ =	swait.ge [sflag:s23], $0x1  }
0xa3: {  	[sflag:s23] =	ssyncset.done $0x0  }
0xa4: {  	s25 =	simm.s32 $0x1B8E;
	s24 =	sld [smem:$0x3FFE];
	[sflag:s23] =	ssyncadd.s32 $0xFFFFFFFF  }
0xa5: {  	s26 =	simm.s32 $execute0_lowered;
	[smem:$0x3FD2] =	sst s25  }
0xa6: {  	s5 =	sshll.u32 s26, $0x1;
	_ =	strace $0x8000004C;
	[dreg:$0x1] =	wrdreg $0xFFFFFFFF  }
0xa7: {  	s28 =	simm.s32 $_size_execute0_lowered;
	s3 =	sadd.s32 s3, s5;
	[dreg:$0x0] =	wrdreg $0x0  }
0xa8: {  	s5 =	sshll.u32 s28, $0x1;
	[dreg:$0x2] =	wrdreg s3  }
0xa9: {  	[dreg:$0x3] =	wrdreg s5  }
0xaa: {  	[dreg:$0x4] =	wrdreg $0xC0  }
0xab: {  	_ =	task [dreg:s7], $0x5FFFF  }
0xac: {  	[dreg:$0x1] =	wrdreg $0xFFFFFFFF  }
0xad: {  	[dreg:$0x0] =	wrdreg $0x60  }
0xae: {  	[dreg:$0x2] =	wrdreg s24  }
0xaf: {  	[dreg:$0x3] =	wrdreg s2  }
0xb0: {  	[dreg:$0x4] =	wrdreg $0x92000  }
0xb1: {  	[dreg:$0x5] =	wrdreg $0x9  }
0xb2: {  	_ =	task.clear_ibuf [dreg:s7], $0x6FFFF;
	_ =	strace $0x9000004C  }
0xb3: {  	s29 =	simm.s32 $0x9;
	_ =	strace $0x8000004E  }
0xb4: {  	_ =	swait.ge [sflag:s29], $0x1  }
0xb5: {  	[sflag:s29] =	ssyncadd.s32 $0xFFFFFFFF  }
0xb6: {  	_ =	strace $0x9000004E  }
0xb7: {  	_ =	sfence  }
0xb8: {  	s30 =	sld [smem:$0x0];
	_ =	sdelay $0x2  }
0xb9: {  	s31 =	sshll.u32 s1, $0xD;
	s1 =	sshrl.u32 s1, $0x2  }
0xba: {  	s3 =	sand.u32 $0x4000, s31;
	s1 =	sadd.s32 s1, s30  }
0xbb: {  	s0 =	sor.u32 s3, s0;
	s1 =	sshll.u32 s1, $0x11  }
0xbc: {  	s0 =	sor.u32 s1, s0  }
0xbd: {  	s0 =	sadd.s32 $0x8F2B, s0  }
0xbe: {  	[sflag:s0] =	ssyncadd.remote.s32 $0x1  }
0xbf: {  	_ =	sfence.sel $0xFFFF  }
0xc0: {  	[dreg:$0x0] =	wrdreg $0xFFFFFFFF;
	(pc) =	sbr.abs _section_cstart, $3  }
0xc1: {  	[dreg:$0x1] =	wrdreg $0xFFFFFFFF  }
0xc2: {  	_ =	task.clear_ibuf [dreg:s7], $0x2FFFF;
	_ =	strace $0x9FFFFFFF  }
0xc3: {  	(tm) =	ssettm $0x7FFFFFFF  }
tec
execute0_lowered:
.L_overlay_start_1:
0x0: {  	(tag) =	ssettag $0x1  }
0x1: {  	s0 =	rddreg [dreg:$0x0]  }
0x2: {  	s1 =	rddreg [dreg:$0x1];
	s12 =	stileid.u32  }
0x3: {  	s2 =	rddreg [dreg:$0x2];
	s8 =	smul.u32 $0x14000, s12  }
0x4: {  	s3 =	srdreg.scid;
	s9 =	smul.u32 $0x50000, s12  }
0x5: {  	s4 =	simm.s32 $0x0;
	s3 =	sand.u32 $0x1, s3;
	s15 =	smul.u32 $0x2780, s12  }
0x6: {  	[smem:$0x7FF] =	sst s4;
	s5 =	smul.u32 $0x140000, s3  }
0x7: {  	_ =	strace $0x8000004D;
	s6 =	sshll.u32 s3, $0x4;
	s28 =	ssub.s32 $0x2, s3  }
0x8: {  	s3 =	smul.u32 $0x27800, s3;
	s6 =	sor.u32 s12, s6;
	s11 =	sshrl.u32 s28, $0x1  }
0x9: {  	s9 =	sshrl.u32 s9, $0x2;
	s16 =	sadd.s32 s8, s2;
	s7 =	sadd.s32 s8, s5  }
0xa: {  	s5 =	sadd.s32 $0x1C00, s0;
	s10 =	smul.u32 $0x2780, s6;
	s6 =	sadd.s32 $0x2EC00, s0  }
0xb: {  	s11 =	ssub.s32 s28, s11;
	s3 =	sadd.s32 s15, s3;
	s15 =	simm.s32 $0x3  }
0xc: {  	s7 =	sshrl.u32 s7, $0x3;
	s17 =	smax.u32 s11, $0x1;
	s22 =	sadd.s32 $0x180, s3  }
0xd: {  	s0 =	sadd.s32 s7, s0;
	s10 =	sshrl.u32 s10, $0x3;
	s7 =	sadd.s32 s9, s2  }
0xe: {  	[dreg:$0xb] =	wrdreg s17;
	s8 =	sshrl.u32 s22, $0x3;
	s13 =	sadd.s32 s1, s10  }
0xf: {  	s17 =	simm.s32 $0x80;
	s30 =	sadd.s32 s6, s10;
	[dreg:$0x4] =	wrdreg s13  }
0x10: {  	s29 =	sadd.s32 $0x10, s10;
	s0 =	sadd.s32 $0x38A00, s0;
	[dreg:$0x5] =	wrdreg s30  }
0x11: {  	s14 =	sadd.s32 $0x4E0, s10;
	s18 =	sadd.s32 $0x1000, s7;
	[dreg:$0xa] =	wrdreg s0  }
0x12: {  	s19 =	sadd.s32 $0x2000, s7;
	s20 =	sadd.s32 $0x3000, s7;
	[dreg:$0xc] =	wrdreg s18  }
0x13: {  	s21 =	sadd.s32 $0x4000, s7;
	s23 =	sadd.s32 $0x5000, s7;
	[dreg:$0xd] =	wrdreg s19  }
0x14: {  	s24 =	sadd.s32 $0x6000, s7;
	s22 =	sadd.s32 s8, s6;
	[dreg:$0xe] =	wrdreg s20  }
0x15: {  	s25 =	sadd.s32 $0x7000, s7;
	s26 =	sadd.s32 $0x8000, s7;
	[dreg:$0xf] =	wrdreg s21  }
0x16: {  	s28 =	sadd.s32 $0x9000, s7;
	s11 =	sadd.s32 $0x11000, s7;
	[dreg:$0x10] =	wrdreg s23  }
0x17: {  	s12 =	sadd.s32 $0x12000, s7;
	s31 =	sadd.s32 s1, s29;
	[dreg:$0x11] =	wrdreg s24  }
0x18: {  	s9 =	sadd.s32 s6, s29;
	s10 =	sadd.s32 s1, s14;
	[dreg:$0x13] =	wrdreg s25  }
0x19: {  	s23 =	sadd.s32 s8, s1;
	s24 =	sadd.s32 $0x100, s3;
	[dreg:$0x14] =	wrdreg s26  }
0x1a: {  	s0 =	sshrl.u32 s16, $0x3;
	[dreg:$0x15] =	wrdreg s28;
	s29 =	sadd.s32 $0xA000, s7  }
0x1b: {  	s30 =	sadd.s32 $0xB000, s7;
	s3 =	sadd.s32 $0xD000, s7;
	[dreg:$0x6] =	wrdreg s31  }
0x1c: {  	s8 =	sadd.s32 $0xE000, s7;
	s13 =	sadd.s32 $0x13000, s7;
	[dreg:$0x7] =	wrdreg s9  }
0x1d: {  	s16 =	simm.s32 $0x100;
	s18 =	simm.s32 $0x200;
	[dreg:$0x8] =	wrdreg s10  }
0x1e: {  	s19 =	simm.s32 $0x180;
	s20 =	simm.s32 $0x4200;
	[dreg:$0x12] =	wrdreg s0  }
0x1f: {  	s21 =	simm.s32 $0x1;
	s25 =	simm.s32 $0x2;
	[dreg:$0x16] =	wrdreg s29  }
0x20: {  	s26 =	simm.s32 $0x0;
	s9 =	sadd.s32 s6, s14;
	[dreg:$0x17] =	wrdreg s30  }
0x21: {  	s31 =	sadd.s32 $0xC000, s7;
	s10 =	sadd.s32 $0x10000, s7;
	[dreg:$0x9] =	wrdreg s9  }
0x22: {  	v0 =	vimm.f32 $0.0e+00;
	s14 =	simm.s32 $0x8200;
	[dreg:$0x18] =	wrdreg s31;
	s9 =	sadd.s32 $0xF000, s7  }
.LBB2_1:
0x23: {  	s28 =	simm.s32 $0x0;
	s29 =	simm.s32 $0x200  }
.LBB2_2:
0x24: {  	p0 =	sne.s32 s29, $0x3E00;
	[tilespmem:s28+$0x8270] =	vst v0  }
0x25: {  	[tilespmem:s28+$0x8200] =	vst v0  }
0x26: {  	[tilespmem:s28+$0x8210] =	vst v0  }
.Ltmp0:
0x27: {  	[tilespmem:s28+$0x8220] =	vst v0;
	(pc) =	sbr.rel @p0 .LBB2_2-.Ltmp0, $4  }
0x28: {  	[tilespmem:s28+$0x8230] =	vst v0  }
0x29: {  	[tilespmem:s28+$0x8240] =	vst v0  }
0x2a: {  	[tilespmem:s28+$0x8250] =	vst v0  }
0x2b: {  	[tilespmem:s28+$0x8260] =	vst v0;
	s28 =	sshra.s32 s29, $0x2;
	s29 =	sadd.s32 $0x200, s29  }
0x2c: {  	[tilespmem:s28+$0x8270] =	vst v0  }
0x2d: {  	[tilespmem:s28+$0x8200] =	vst v0  }
0x2e: {  	[tilespmem:s28+$0x8210] =	vst v0  }
0x2f: {  	[tilespmem:s28+$0x8220] =	vst v0  }
0x30: {  	[tilespmem:s28+$0x8230] =	vst v0  }
0x31: {  	[tilespmem:s28+$0x8240] =	vst v0  }
0x32: {  	[tilespmem:s28+$0x8250] =	vst v0  }
0x33: {  	[tilespmem:s28+$0x8260] =	vst v0  }
0x34: {  	[spmem:s7] =	stream.linear.scatter [tilespmem:s14], [sflag:$0x3], $0x1000, $0x38;
	[tilespmem:$0x1D200] =	vst v63  }
0x35: {  	_ =	swait.ge [sflag:s15], $0x1000  }
0x36: {  	[sflag:s15] =	ssyncset.done $0x0  }
0x37: {  	s0 =	rddreg [dreg:$0xc];
	[sflag:s15] =	ssyncadd.s32 $0xFFFFF000  }
0x38: {  	[spmem:s0] =	stream.linear.scatter [tilespmem:s14], [sflag:$0x3], $0x1000, $0x38;
	[tilespmem:$0x1D200] =	vst v63  }
0x39: {  	_ =	swait.ge [sflag:s15], $0x1000  }
0x3a: {  	[sflag:s15] =	ssyncset.done $0x0  }
0x3b: {  	s31 =	rddreg [dreg:$0xd];
	[sflag:s15] =	ssyncadd.s32 $0xFFFFF000  }
0x3c: {  	[spmem:s31] =	stream.linear.scatter [tilespmem:s14], [sflag:$0x3], $0x1000, $0x38;
	[tilespmem:$0x1D200] =	vst v63  }
0x3d: {  	_ =	swait.ge [sflag:s15], $0x1000  }
0x3e: {  	[sflag:s15] =	ssyncset.done $0x0  }
0x3f: {  	s30 =	rddreg [dreg:$0xe];
	[sflag:s15] =	ssyncadd.s32 $0xFFFFF000  }
0x40: {  	[spmem:s30] =	stream.linear.scatter [tilespmem:s14], [sflag:$0x3], $0x1000, $0x38;
	[tilespmem:$0x1D200] =	vst v63  }
0x41: {  	_ =	swait.ge [sflag:s15], $0x1000  }
0x42: {  	[sflag:s15] =	ssyncset.done $0x0  }
0x43: {  	s31 =	rddreg [dreg:$0xf];
	[sflag:s15] =	ssyncadd.s32 $0xFFFFF000  }
0x44: {  	[spmem:s31] =	stream.linear.scatter [tilespmem:s14], [sflag:$0x3], $0x1000, $0x38;
	[tilespmem:$0x1D200] =	vst v63  }
0x45: {  	_ =	swait.ge [sflag:s15], $0x1000  }
0x46: {  	[sflag:s15] =	ssyncset.done $0x0  }
0x47: {  	s30 =	rddreg [dreg:$0x10];
	[sflag:s15] =	ssyncadd.s32 $0xFFFFF000  }
0x48: {  	[spmem:s30] =	stream.linear.scatter [tilespmem:s14], [sflag:$0x3], $0x1000, $0x38;
	[tilespmem:$0x1D200] =	vst v63  }
0x49: {  	_ =	swait.ge [sflag:s15], $0x1000  }
0x4a: {  	[sflag:s15] =	ssyncset.done $0x0  }
0x4b: {  	s31 =	rddreg [dreg:$0x11];
	[sflag:s15] =	ssyncadd.s32 $0xFFFFF000  }
0x4c: {  	[spmem:s31] =	stream.linear.scatter [tilespmem:s14], [sflag:$0x3], $0x1000, $0x38;
	[tilespmem:$0x1D200] =	vst v63  }
0x4d: {  	_ =	swait.ge [sflag:s15], $0x1000  }
0x4e: {  	[sflag:s15] =	ssyncset.done $0x0  }
0x4f: {  	s30 =	rddreg [dreg:$0x13];
	[sflag:s15] =	ssyncadd.s32 $0xFFFFF000  }
0x50: {  	[spmem:s30] =	stream.linear.scatter [tilespmem:s14], [sflag:$0x3], $0x1000, $0x38;
	[tilespmem:$0x1D200] =	vst v63  }
0x51: {  	_ =	swait.ge [sflag:s15], $0x1000  }
0x52: {  	[sflag:s15] =	ssyncset.done $0x0  }
0x53: {  	s31 =	rddreg [dreg:$0x14];
	[sflag:s15] =	ssyncadd.s32 $0xFFFFF000  }
0x54: {  	[spmem:s31] =	stream.linear.scatter [tilespmem:s14], [sflag:$0x3], $0x1000, $0x38;
	[tilespmem:$0x1D200] =	vst v63  }
0x55: {  	_ =	swait.ge [sflag:s15], $0x1000  }
0x56: {  	[sflag:s15] =	ssyncset.done $0x0  }
0x57: {  	s30 =	rddreg [dreg:$0x15];
	[sflag:s15] =	ssyncadd.s32 $0xFFFFF000  }
0x58: {  	[spmem:s30] =	stream.linear.scatter [tilespmem:s14], [sflag:$0x3], $0x1000, $0x38;
	[tilespmem:$0x1D200] =	vst v63  }
0x59: {  	_ =	swait.ge [sflag:s15], $0x1000  }
0x5a: {  	[sflag:s15] =	ssyncset.done $0x0  }
0x5b: {  	s31 =	rddreg [dreg:$0x16];
	[sflag:s15] =	ssyncadd.s32 $0xFFFFF000  }
0x5c: {  	[spmem:s31] =	stream.linear.scatter [tilespmem:s14], [sflag:$0x3], $0x1000, $0x38;
	[tilespmem:$0x1D200] =	vst v63  }
0x5d: {  	_ =	swait.ge [sflag:s15], $0x1000  }
0x5e: {  	[sflag:s15] =	ssyncset.done $0x0  }
0x5f: {  	s30 =	rddreg [dreg:$0x17];
	[sflag:s15] =	ssyncadd.s32 $0xFFFFF000  }
0x60: {  	[spmem:s30] =	stream.linear.scatter [tilespmem:s14], [sflag:$0x3], $0x1000, $0x38;
	[tilespmem:$0x1D200] =	vst v63  }
0x61: {  	_ =	swait.ge [sflag:s15], $0x1000  }
0x62: {  	[sflag:s15] =	ssyncset.done $0x0  }
0x63: {  	s31 =	rddreg [dreg:$0x18];
	[sflag:s15] =	ssyncadd.s32 $0xFFFFF000  }
0x64: {  	[spmem:s31] =	stream.linear.scatter [tilespmem:s14], [sflag:$0x3], $0x1000, $0x38;
	[tilespmem:$0x1D200] =	vst v63  }
0x65: {  	_ =	swait.ge [sflag:s15], $0x1000  }
0x66: {  	[sflag:s15] =	ssyncset.done $0x0  }
0x67: {  	[sflag:s15] =	ssyncadd.s32 $0xFFFFF000  }
0x68: {  	[spmem:s3] =	stream.linear.scatter [tilespmem:s14], [sflag:$0x3], $0x1000, $0x38;
	[tilespmem:$0x1D200] =	vst v63  }
0x69: {  	_ =	swait.ge [sflag:s15], $0x1000  }
0x6a: {  	[sflag:s15] =	ssyncset.done $0x0  }
0x6b: {  	[sflag:s15] =	ssyncadd.s32 $0xFFFFF000  }
0x6c: {  	[spmem:s8] =	stream.linear.scatter [tilespmem:s14], [sflag:$0x3], $0x1000, $0x38;
	[tilespmem:$0x1D200] =	vst v63  }
0x6d: {  	_ =	swait.ge [sflag:s15], $0x1000  }
0x6e: {  	[sflag:s15] =	ssyncset.done $0x0  }
0x6f: {  	[sflag:s15] =	ssyncadd.s32 $0xFFFFF000  }
0x70: {  	[spmem:s9] =	stream.linear.scatter [tilespmem:s14], [sflag:$0x3], $0x1000, $0x38;
	[tilespmem:$0x1D200] =	vst v63  }
0x71: {  	_ =	swait.ge [sflag:s15], $0x1000  }
0x72: {  	[sflag:s15] =	ssyncset.done $0x0  }
0x73: {  	[sflag:s15] =	ssyncadd.s32 $0xFFFFF000  }
0x74: {  	[spmem:s10] =	stream.linear.scatter [tilespmem:s14], [sflag:$0x3], $0x1000, $0x38;
	[tilespmem:$0x1D200] =	vst v63  }
0x75: {  	_ =	swait.ge [sflag:s15], $0x1000  }
0x76: {  	[sflag:s15] =	ssyncset.done $0x0  }
0x77: {  	[sflag:s15] =	ssyncadd.s32 $0xFFFFF000  }
0x78: {  	[spmem:s11] =	stream.linear.scatter [tilespmem:s14], [sflag:$0x3], $0x1000, $0x38;
	[tilespmem:$0x1D200] =	vst v63  }
0x79: {  	_ =	swait.ge [sflag:s15], $0x1000  }
0x7a: {  	[sflag:s15] =	ssyncset.done $0x0  }
0x7b: {  	[sflag:s15] =	ssyncadd.s32 $0xFFFFF000  }
0x7c: {  	[spmem:s12] =	stream.linear.scatter [tilespmem:s14], [sflag:$0x3], $0x1000, $0x38;
	[tilespmem:$0x1D200] =	vst v63  }
0x7d: {  	_ =	swait.ge [sflag:s15], $0x1000  }
0x7e: {  	[sflag:s15] =	ssyncset.done $0x0  }
0x7f: {  	[sflag:s15] =	ssyncadd.s32 $0xFFFFF000  }
0x80: {  	[spmem:s13] =	stream.linear.scatter [tilespmem:s14], [sflag:$0x3], $0x1000, $0x38;
	[tilespmem:$0x1D200] =	vst v63  }
0x81: {  	_ =	swait.ge [sflag:s15], $0x1000  }
0x82: {  	[sflag:s15] =	ssyncset.done $0x0  }
0x83: {  	[sflag:s15] =	ssyncadd.s32 $0xFFFFF000  }
0x84: {  	[bflag:$0x0] =	sbarrier.arrive $0xFFFF  }
0x85: {  	s28 =	simm.s32 $0x0;
	s30 =	rddreg [dreg:$0x4]  }
0x86: {  	[tilespmem:s28], [sflag:$0x3] =	stream.linear.gather [hbm4b:s30+s28], $0x80, $0x38;
	[tilespmem:$0x1D200] =	vst v63  }
0x87: {  	_ =	swait.ge [sflag:s15], $0x80  }
0x88: {  	[sflag:s15] =	ssyncset.done $0x0  }
0x89: {  	s31 =	rddreg [dreg:$0x5];
	[sflag:s15] =	ssyncadd.s32 $0xFFFFFF80  }
0x8a: {  	[tilespmem:s16], [sflag:$0x3] =	stream.linear.gather [hbm4b:s31+s28], $0x80, $0x38;
	[tilespmem:$0x1D200] =	vst v63  }
0x8b: {  	_ =	swait.ge [sflag:s15], $0x80  }
0x8c: {  	[sflag:s15] =	ssyncset.done $0x0  }
0x8d: {  	[sflag:s15] =	ssyncadd.s32 $0xFFFFFF80  }
0x8e: {  	[tilespmem:s18], [sflag:$0x1] =	stream.indirect.gather [hbm4b:s5+s17], $0x80, s28, s17, $0xb8;
	[tilespmem:$0x1D200] =	vst v63  }
0x8f: {  	s30 =	rddreg [dreg:$0x6]  }
0x90: {  	[tilespmem:s17], [sflag:$0x3] =	stream.linear.gather [hbm4b:s30+s28], $0x80, $0x38;
	[tilespmem:$0x1D200] =	vst v63  }
0x91: {  	_ =	swait.ge [sflag:s15], $0x80  }
0x92: {  	[sflag:s15] =	ssyncset.done $0x0  }
0x93: {  	s31 =	rddreg [dreg:$0x7];
	[sflag:s15] =	ssyncadd.s32 $0xFFFFFF80  }
0x94: {  	[tilespmem:s19], [sflag:$0x3] =	stream.linear.gather [hbm4b:s31+s28], $0x80, $0x38;
	[tilespmem:$0x1D200] =	vst v63  }
0x95: {  	_ =	swait.ge [sflag:s15], $0x80  }
0x96: {  	[sflag:s15] =	ssyncset.done $0x0  }
0x97: {  	[sflag:s15] =	ssyncadd.s32 $0xFFFFFF80  }
0x98: {  	[tilespmem:s20], [sflag:$0x2] =	stream.indirect.gather [hbm4b:s5+s17], $0x80, s17, s17, $0xb8;
	[tilespmem:$0x1D200] =	vst v63  }
0x99: {  	_ =	swait.ge [sflag:s21], $0x4000  }
0x9a: {  	[sflag:s21] =	ssyncset.done $0x0  }
0x9b: {  	[sflag:s21] =	ssyncadd.s32 $0xFFFFC000  }
0x9c: {  	[spmem:s2] =	stream.indirect.scatter.add.f32 [tilespmem:s18], [sflag:$0x3], $0x80, s16, s17, $0xb8;
	[tilespmem:$0x1D200] =	vst v63  }
0x9d: {  	_ =	swait.ge [sflag:s15], $0x4000  }
0x9e: {  	s28 =	sshrl.u32 s24, $0x3;
	[sflag:s15] =	ssyncset.done $0x0  }
0x9f: {  	s29 =	sadd.s32 s1, s28;
	[sflag:s15] =	ssyncadd.s32 $0xFFFFC000  }
0xa0: {  	[tilespmem:s4], [sflag:$0x3] =	stream.linear.gather [hbm4b:s29+s4], $0x80, $0x38;
	[tilespmem:$0x1D200] =	vst v63  }
0xa1: {  	_ =	swait.ge [sflag:s15], $0x80  }
0xa2: {  	[sflag:s15] =	ssyncset.done $0x0  }
0xa3: {  	s28 =	sadd.s32 s6, s28;
	[sflag:s15] =	ssyncadd.s32 $0xFFFFFF80  }
0xa4: {  	[tilespmem:s16], [sflag:$0x3] =	stream.linear.gather [hbm4b:s28+s4], $0x80, $0x38;
	[tilespmem:$0x1D200] =	vst v63  }
0xa5: {  	_ =	swait.ge [sflag:s15], $0x80  }
0xa6: {  	[sflag:s15] =	ssyncset.done $0x0  }
0xa7: {  	[sflag:s15] =	ssyncadd.s32 $0xFFFFFF80  }
0xa8: {  	[tilespmem:s18], [sflag:$0x1] =	stream.indirect.gather [hbm4b:s5+s17], $0x80, s4, s17, $0xb8;
	[tilespmem:$0x1D200] =	vst v63  }
0xa9: {  	_ =	swait.ge [sflag:s25], $0x4000  }
0xaa: {  	[sflag:s25] =	ssyncset.done $0x0  }
0xab: {  	[sflag:s25] =	ssyncadd.s32 $0xFFFFC000  }
0xac: {  	[spmem:s2] =	stream.indirect.scatter.add.f32 [tilespmem:s20], [sflag:$0x3], $0x80, s19, s17, $0xb8;
	[tilespmem:$0x1D200] =	vst v63  }
0xad: {  	_ =	swait.ge [sflag:s15], $0x4000  }
0xae: {  	[sflag:s15] =	ssyncset.done $0x0  }
0xaf: {  	s28 =	sadd.s32 $0x0, s23;
	[sflag:s15] =	ssyncadd.s32 $0xFFFFC000  }
0xb0: {  	[tilespmem:s17], [sflag:$0x3] =	stream.linear.gather [hbm4b:s28+s4], $0x80, $0x38;
	[tilespmem:$0x1D200] =	vst v63  }
0xb1: {  	_ =	swait.ge [sflag:s15], $0x80  }
0xb2: {  	[sflag:s15] =	ssyncset.done $0x0  }
0xb3: {  	s28 =	sadd.s32 $0x0, s22;
	[sflag:s15] =	ssyncadd.s32 $0xFFFFFF80  }
0xb4: {  	[tilespmem:s19], [sflag:$0x3] =	stream.linear.gather [hbm4b:s28+s4], $0x80, $0x38;
	[tilespmem:$0x1D200] =	vst v63  }
0xb5: {  	_ =	swait.ge [sflag:s15], $0x80  }
0xb6: {  	[sflag:s15] =	ssyncset.done $0x0  }
0xb7: {  	s29 =	sadd.s32 $0x100, s24;
	s28 =	simm.s32 $0x20;
	[sflag:s15] =	ssyncadd.s32 $0xFFFFFF80  }
.LBB2_4:
0xb8: {  	[tilespmem:s20], [sflag:$0x2] =	stream.indirect.gather [hbm4b:s5+s17], $0x80, s17, s17, $0xb8;
	[tilespmem:$0x1D200] =	vst v63  }
0xb9: {  	s30 =	smov.u32 s28  }
0xba: {  	p0 =	sne.s32 s28, $0x4A0;
	s28 =	sadd.s32 $0x20, s28;
	_ =	swait.ge [sflag:s21], $0x4000  }
0xbb: {  	[sflag:s21] =	ssyncset.done $0x0  }
0xbc: {  	[sflag:s21] =	ssyncadd.s32 $0xFFFFC000  }
0xbd: {  	[spmem:s2] =	stream.indirect.scatter.add.f32 [tilespmem:s18], [sflag:$0x3], $0x80, s16, s17, $0xb8;
	[tilespmem:$0x1D200] =	vst v63  }
0xbe: {  	_ =	swait.ge [sflag:s15], $0x4000  }
0xbf: {  	s31 =	sshrl.u32 s29, $0x3;
	[sflag:s15] =	ssyncset.done $0x0  }
0xc0: {  	s0 =	sadd.s32 s1, s31;
	[sflag:s15] =	ssyncadd.s32 $0xFFFFC000  }
0xc1: {  	[tilespmem:s4], [sflag:$0x3] =	stream.linear.gather [hbm4b:s0+s4], $0x80, $0x38;
	[tilespmem:$0x1D200] =	vst v63  }
0xc2: {  	_ =	swait.ge [sflag:s15], $0x80  }
0xc3: {  	[sflag:s15] =	ssyncset.done $0x0  }
0xc4: {  	s0 =	sadd.s32 s6, s31;
	[sflag:s15] =	ssyncadd.s32 $0xFFFFFF80  }
0xc5: {  	[tilespmem:s16], [sflag:$0x3] =	stream.linear.gather [hbm4b:s0+s4], $0x80, $0x38;
	[tilespmem:$0x1D200] =	vst v63  }
0xc6: {  	_ =	swait.ge [sflag:s15], $0x80  }
0xc7: {  	[sflag:s15] =	ssyncset.done $0x0  }
0xc8: {  	[sflag:s15] =	ssyncadd.s32 $0xFFFFFF80  }
0xc9: {  	[tilespmem:s18], [sflag:$0x1] =	stream.indirect.gather [hbm4b:s5+s17], $0x80, s4, s17, $0xb8;
	[tilespmem:$0x1D200] =	vst v63  }
0xca: {  	_ =	swait.ge [sflag:s25], $0x4000  }
0xcb: {  	[sflag:s25] =	ssyncset.done $0x0  }
0xcc: {  	[sflag:s25] =	ssyncadd.s32 $0xFFFFC000  }
0xcd: {  	[spmem:s2] =	stream.indirect.scatter.add.f32 [tilespmem:s20], [sflag:$0x3], $0x80, s19, s17, $0xb8;
	[tilespmem:$0x1D200] =	vst v63  }
0xce: {  	_ =	swait.ge [sflag:s15], $0x4000  }
0xcf: {  	[sflag:s15] =	ssyncset.done $0x0  }
0xd0: {  	s0 =	sadd.s32 s30, s23;
	[sflag:s15] =	ssyncadd.s32 $0xFFFFC000  }
0xd1: {  	[tilespmem:s17], [sflag:$0x3] =	stream.linear.gather [hbm4b:s0+s4], $0x80, $0x38;
	[tilespmem:$0x1D200] =	vst v63  }
0xd2: {  	_ =	swait.ge [sflag:s15], $0x80  }
0xd3: {  	[sflag:s15] =	ssyncset.done $0x0  }
.Ltmp1:
0xd4: {  	s0 =	sadd.s32 s30, s22;
	[sflag:s15] =	ssyncadd.s32 $0xFFFFFF80;
	(pc) =	sbr.rel @p0 .LBB2_4-.Ltmp1, $4  }
0xd5: {  	[tilespmem:s19], [sflag:$0x3] =	stream.linear.gather [hbm4b:s0+s4], $0x80, $0x38;
	[tilespmem:$0x1D200] =	vst v63  }
0xd6: {  	_ =	swait.ge [sflag:s15], $0x80  }
0xd7: {  	[sflag:s15] =	ssyncset.done $0x0  }
0xd8: {  	s29 =	sadd.s32 $0x100, s29;
	[sflag:s15] =	ssyncadd.s32 $0xFFFFFF80  }
0xd9: {  	[tilespmem:s20], [sflag:$0x2] =	stream.indirect.gather [hbm4b:s5+s17], $0x80, s17, s17, $0xb8;
	[tilespmem:$0x1D200] =	vst v63  }
0xda: {  	_ =	swait.ge [sflag:s21], $0x4000  }
0xdb: {  	[sflag:s21] =	ssyncset.done $0x0  }
0xdc: {  	[sflag:s21] =	ssyncadd.s32 $0xFFFFC000  }
0xdd: {  	[spmem:s2] =	stream.indirect.scatter.add.f32 [tilespmem:s18], [sflag:$0x3], $0x80, s16, s17, $0xb8;
	[tilespmem:$0x1D200] =	vst v63  }
0xde: {  	_ =	swait.ge [sflag:s15], $0x4000  }
0xdf: {  	[sflag:s15] =	ssyncset.done $0x0  }
0xe0: {  	[sflag:s15] =	ssyncadd.s32 $0xFFFFC000  }
0xe1: {  	_ =	swait.ge [sflag:s25], $0x4000  }
0xe2: {  	[sflag:s25] =	ssyncset.done $0x0  }
0xe3: {  	[sflag:s25] =	ssyncadd.s32 $0xFFFFC000  }
0xe4: {  	[spmem:s2] =	stream.indirect.scatter.add.f32 [tilespmem:s20], [sflag:$0x3], $0x80, s19, s17, $0xb8;
	[tilespmem:$0x1D200] =	vst v63  }
0xe5: {  	_ =	swait.ge [sflag:s15], $0x4000  }
0xe6: {  	[sflag:s15] =	ssyncset.done $0x0  }
0xe7: {  	s0 =	rddreg [dreg:$0x8];
	[sflag:s15] =	ssyncadd.s32 $0xFFFFC000  }
0xe8: {  	[tilespmem:s4], [sflag:$0x3] =	stream.linear.gather [hbm4b:s0+s4], $0x80, $0x38;
	[tilespmem:$0x1D200] =	vst v63  }
0xe9: {  	_ =	swait.ge [sflag:s15], $0x80  }
0xea: {  	[sflag:s15] =	ssyncset.done $0x0  }
0xeb: {  	s29 =	rddreg [dreg:$0x9];
	[sflag:s15] =	ssyncadd.s32 $0xFFFFFF80  }
0xec: {  	[tilespmem:s16], [sflag:$0x3] =	stream.linear.gather [hbm4b:s29+s4], $0x80, $0x38;
	[tilespmem:$0x1D200] =	vst v63  }
0xed: {  	_ =	swait.ge [sflag:s15], $0x80  }
0xee: {  	[sflag:s15] =	ssyncset.done $0x0  }
0xef: {  	[sflag:s15] =	ssyncadd.s32 $0xFFFFFF80  }
0xf0: {  	[tilespmem:s18], [sflag:$0x1] =	stream.indirect.gather [hbm4b:s5+s17], $0x80, s4, s17, $0xb8;
	[tilespmem:$0x1D200] =	vst v63  }
0xf1: {  	_ =	swait.ge [sflag:s21], $0x4000  }
0xf2: {  	[sflag:s21] =	ssyncset.done $0x0  }
0xf3: {  	[sflag:s21] =	ssyncadd.s32 $0xFFFFC000  }
0xf4: {  	[spmem:s2] =	stream.indirect.scatter.add.f32 [tilespmem:s18], [sflag:$0x3], $0x80, s16, s17, $0xb8;
	[tilespmem:$0x1D200] =	vst v63  }
0xf5: {  	_ =	swait.ge [sflag:s15], $0x4000  }
0xf6: {  	[sflag:s15] =	ssyncset.done $0x0  }
0xf7: {  	[sflag:s15] =	ssyncadd.s32 $0xFFFFC000  }
0xf8: {  	s30 =	stileid.u32;
	[bflag:$0x0] =	sbarrier.arrive $0xFFFF  }
0xf9: {  	s0 =	sshll.u32 s30, $0x6;
	s28 =	rddreg [dreg:$0xa]  }
0xfa: {  	s0 =	sor.u32 $0x1C03, s0;
	s29 =	rddreg [dreg:$0x12]  }
0xfb: {  	[hbm:s28], [sflag:s0] =	dma.local [spmem:s29], $0x2800  }
0xfc: {  	_ =	swait.ge [sflag:s15], $0x2800  }
0xfd: {  	s26 =	sadd.s32 $0x1, s26;
	s31 =	rddreg [dreg:$0xb]  }
0xfe: {  	p0 =	sne.s32 s26, s31  }
.Ltmp2:
0xff: {  	_ = 	snop;
	(pc) =	sbr.rel @p0 .LBB2_1-.Ltmp2, $3  }
0x100: {  	_ =	sdelay $0x1  }
0x101: {  	[sflag:s15] =	ssyncset.done $0x0  }
0x102: {  	[sflag:s15] =	ssyncadd.s32 $0xFFFFD800  }
0x103: {  	_ =	sfence.sel $0x180000  }
0x104: {  	[bflag:$0x0] =	sbarrier.arrive $0xFFFF  }
0x105: {  	_ =	strace $0x9000004D  }
0x106: {  	s0 =	stileid.u32;
	[bflag:$0x2] =	sbarrier.arrive $0xFFFF  }
0x107: {  	p0 =	sne.s32 s0, $0x0;
	s0 =	rddreg [dreg:$0x3]  }
0x108: {  	s0 =	sadd.s32 @!p0 $0x100000, s0  }
0x109: {  	[sflag:s0] =	ssyncadd.tile.s32 @!p0 $0x1;
	_ =	shalt  }
.Lfunc_end2:
_tile_overlayer_lowered:
.L_overlay_start_2:
0x10a: {  	(tag) =	ssettag $0x2  }
0x10b: {  	s0 =	rddreg [dreg:$0x0];
	s2 =	stileid.u32  }
0x10c: {  	s1 =	rddreg [dreg:$0x1];
	p0 =	sne.s32 s2, $0x0  }
0x10d: {  	s3 =	rddreg [dreg:$0x2];
	[bflag:$0x3] =	sbarrier.arrive $0xFFFF;
	s2 =	simm.s32 @!p0 $0x1C03  }
0x10e: {  	[timem:s3], [sflag:s2] =	dma.local @!p0 [hbm:s0], s1  }
0x10f: {  	s0 =	simm.s32 @!p0 $0x3  }
0x110: {  	_ =	swait.ge @!p0 [sflag:s0], s1  }
0x111: {  	s1 =	ssub.s32 @!p0 $0x0, s1;
	[sflag:s0] =	ssyncset.done @!p0 $0x0  }
0x112: {  	[sflag:s0] =	ssyncadd.s32 @!p0 s1  }
0x113: {  	[bflag:$0x3] =	sbarrier.arrive $0xFFFF  }
0x114: {  	_ =	shalt  }

// kernel: kernel.9.cloned.1.call-start
scs
__scs_entry_jumppad:
0x0: {  	(pc) =	sbr.rel $0x88, $3  }
0x1: {  	(tag) =	ssettag $0x0;
	lr =	simm.s32 $0x1  }
0x2: {  	[smem:$0x3F96] =	sst lr;
	_ =	strace $0xD0000000  }
0x3: {  	_ = 	snop  }
0x4: {  	_ = 	snop  }
0x5: {  	_ = 	snop  }
0x6: {  	_ = 	snop  }
0x7: {  	_ = 	snop  }
__scs_overlays_trampoline_lowered:
0x8: {  	[smem:$0x3FA5] =	sst s0  }
0x9: {  	[smem:$0x3FA6] =	sst s1  }
0xa: {  	[smem:$0x3FA7] =	sst s2  }
0xb: {  	[smem:$0x3FA8] =	sst s3  }
0xc: {  	[smem:$0x3FA9] =	sst s4  }
0xd: {  	[smem:$0x3FAA] =	sst s5  }
0xe: {  	[smem:$0x3FAB] =	sst s6  }
0xf: {  	[smem:$0x3FAC] =	sst s7  }
0x10: {  	[smem:$0x3FAD] =	sst s8  }
0x11: {  	[smem:$0x3FAE] =	sst s9;
	s0 =	simm.s32 @!p0 $0x0  }
0x12: {  	s1 =	sld [smem:$0x3F94];
	s0 =	simm.s32 @p0 $0x1  }
0x13: {  	[smem:$0x3FAF] =	sst s0;
	s0 =	simm.s32 @!p1 $0x0  }
0x14: {  	s2 =	sld [smem:$0x3F93];
	s0 =	simm.s32 @p1 $0x1  }
0x15: {  	[smem:$0x3FB0] =	sst s0;
	s0 =	simm.s32 @!p2 $0x0  }
0x16: {  	s3 =	sld [smem:$0x3FDB];
	s0 =	simm.s32 @p2 $0x1  }
0x17: {  	s4 =	simm.s32 $0x1BF5;
	[smem:$0x3FB2] =	sst s0  }
0x18: {  	s0 =	sld [smem:$0x3F95];
	_ =	swait.ge [sflag:s4], $0x0  }
0x19: {  	s7 =	sld [smem:$0x3F96]  }
0x1a: {  	s8 =	sadd.s32 $0xFFFFE003, lr  }
0x1b: {  	s9 =	sadd.s32 $0xFFFFFEF7, lr;
	s5 =	simm.s32 $0xFFFFFFFF;
	p2 =	slt.u32 s8, $0xFFFFF086  }
0x1c: {  	p1 =	slt.u32 s9, $0xF7A;
	s5 =	simm.s32 @!p2 $0x0  }
0x1d: {  	s5 =	simm.s32 @p1 $0x1;
	p0 =	seq.s32 s7, s2  }
0x1e: {  	s7 =	smul.u32 @!p0 $0xF7A, s2;
	p2 =	seq.s32 @!p0 s5, $0x0  }
0x1f: {  	s9 =	smul.u32 $0xF7A, s1;
	s8 =	simm.s32 @!p0 $0x1BF5;
	p2 =	por !p2, p0  }
0x20: {  	[sflag:s8] =	ssyncset.s32 @!p0 $0xFFFFF086;
	s6 =	sadd.s32 @!p0 s3, s7;
	s7 =	simm.s32 @!p0 $0x108  }
0x21: {  	s3 =	sadd.s32 s3, s9;
	s6 =	sadd.s32 @!p0 $0x88, s6;
	s7 =	simm.s32 @p2 $0x1082  }
0x22: {  	[simem:s7], [sflag:s8] =	dma.local @!p0 [hbm:s6], $0xF7A  }
0x23: {  	s9 =	sor.u32 $0xD0000000, s2;
	s6 =	simm.s32 $0x108;
	_ =	swait.ge @!p0 [sflag:s8], $0x0  }
0x24: {  	s3 =	sadd.s32 $0x88, s3;
	s6 =	simm.s32 @!p1 $0x1082;
	[sflag:s4] =	ssyncset.s32 $0xFFFFF086  }
0x25: {  	[simem:s6], [sflag:s4] =	dma.local [hbm:s3], $0xF7A  }
0x26: {  	[smem:$0x3F96] =	sst s1;
	(tag) =	ssettag s2;
	_ =	strace s9  }
0x27: {  	s1 =	sld [smem:$0x3FA6]  }
0x28: {  	s2 =	sld [smem:$0x3FA7]  }
0x29: {  	s4 =	sld [smem:$0x3FA9]  }
0x2a: {  	p0 =	seq.s32 s5, $0x0;
	s5 =	sld [smem:$0x3FAA]  }
0x2b: {  	s6 =	sld [smem:$0x3FAB]  }
0x2c: {  	s7 =	sld [smem:$0x3FAC]  }
0x2d: {  	s3 =	simm.s32 $0x108;
	s8 =	sld [smem:$0x3FAD]  }
0x2e: {  	s3 =	simm.s32 @!p0 $0x1082;
	s9 =	sld [smem:$0x3FAE]  }
0x2f: {  	lr =	sadd.s32 s0, s3;
	s0 =	sld [smem:$0x3FA5]  }
0x30: {  	s3 =	sld [smem:$0x3FA8]  }
0x31: {  	[smem:$0x3FB1] =	sst s10  }
0x32: {  	s10 =	sld [smem:$0x3FAF];
	_ =	sdelay $0x3  }
0x33: {  	p0 =	seq.s32 s10, $0x1;
	s10 =	sld [smem:$0x3FB1];
	_ =	sdelay $0x3  }
0x34: {  	[smem:$0x3FB1] =	sst s10  }
0x35: {  	s10 =	sld [smem:$0x3FB0];
	_ =	sdelay $0x3  }
0x36: {  	p1 =	seq.s32 s10, $0x1;
	s10 =	sld [smem:$0x3FB1];
	_ =	sdelay $0x3  }
0x37: {  	[smem:$0x3FB1] =	sst s10  }
0x38: {  	s10 =	sld [smem:$0x3FB2]  }
0x39: {  	_ = 	snop;
	(pc) =	sbr.ind lr, $3  }
0x3a: {  	_ = 	snop  }
0x3b: {  	_ = 	snop  }
0x3c: {  	p2 =	seq.s32 s10, $0x1;
	s10 =	sld [smem:$0x3FB1]  }
0x3d: {  	_ =	shalt  }
0x3e: {  	_ =	shalt  }
0x3f: {  	_ =	shalt  }
0x40: {  	_ =	shalt  }
0x41: {  	_ =	shalt  }
0x42: {  	_ =	shalt  }
0x43: {  	_ =	shalt  }
0x44: {  	_ =	shalt  }
0x45: {  	_ =	shalt  }
0x46: {  	_ =	shalt  }
0x47: {  	_ =	shalt  }
0x48: {  	_ =	shalt  }
0x49: {  	_ =	shalt  }
0x4a: {  	_ =	shalt  }
0x4b: {  	_ =	shalt  }
0x4c: {  	_ =	shalt  }
0x4d: {  	_ =	shalt  }
0x4e: {  	_ =	shalt  }
0x4f: {  	_ =	shalt  }
0x50: {  	_ =	shalt  }
0x51: {  	_ =	shalt  }
0x52: {  	_ =	shalt  }
0x53: {  	_ =	shalt  }
0x54: {  	_ =	shalt  }
0x55: {  	_ =	shalt  }
0x56: {  	_ =	shalt  }
0x57: {  	_ =	shalt  }
0x58: {  	_ =	shalt  }
0x59: {  	_ =	shalt  }
0x5a: {  	_ =	shalt  }
0x5b: {  	_ =	shalt  }
0x5c: {  	_ =	shalt  }
0x5d: {  	_ =	shalt  }
0x5e: {  	_ =	shalt  }
0x5f: {  	_ =	shalt  }
0x60: {  	_ =	shalt  }
0x61: {  	_ =	shalt  }
0x62: {  	_ =	shalt  }
0x63: {  	_ =	shalt  }
0x64: {  	_ =	shalt  }
0x65: {  	_ =	shalt  }
0x66: {  	_ =	shalt  }
0x67: {  	_ =	shalt  }
0x68: {  	_ =	shalt  }
0x69: {  	_ =	shalt  }
0x6a: {  	_ =	shalt  }
0x6b: {  	_ =	shalt  }
0x6c: {  	_ =	shalt  }
0x6d: {  	_ =	shalt  }
0x6e: {  	_ =	shalt  }
0x6f: {  	_ =	shalt  }
0x70: {  	_ =	shalt  }
0x71: {  	_ =	shalt  }
0x72: {  	_ =	shalt  }
0x73: {  	_ =	shalt  }
0x74: {  	_ =	shalt  }
0x75: {  	_ =	shalt  }
0x76: {  	_ =	shalt  }
0x77: {  	_ =	shalt  }
0x78: {  	_ =	shalt  }
0x79: {  	_ =	shalt  }
0x7a: {  	_ =	shalt  }
0x7b: {  	_ =	shalt  }
0x7c: {  	_ =	shalt  }
0x7d: {  	_ =	shalt  }
0x7e: {  	_ =	shalt  }
0x7f: {  	_ =	shalt  }
0x80: {  	_ =	shalt  }
0x81: {  	_ =	shalt  }
0x82: {  	_ =	shalt  }
0x83: {  	_ =	shalt  }
0x84: {  	_ =	shalt  }
0x85: {  	_ =	shalt  }
0x86: {  	_ =	shalt  }
0x87: {  	_ =	shalt  }
.Lfunc_end0:
.L_simem_size_0:
called_computation_lowered:
.L_overlay_start_0:
0x88: {  	s2 =	sld [smem:$0x3FD9]  }
0x89: {  	s3 =	sld [smem:$0x3FFE];
	_ =	sdelay $0x1  }
0x8a: {  	s1 =	srdreg.scid  }
0x8b: {  	s0 =	sand.u32 $0x1, s1  }
0x8c: {  	s17 =	sshll.u32 s0, $0xA;
	s2 =	sadd.s32 s3, s2  }
0x8d: {  	s2 =	sadd.s32 s2, s17  }
0x8e: {  	[smem:$0x3FBD] =	sst s2  }
0x8f: {  	_ = 	snop  }
0x90: {  	s2 =	sld [smem:$0x3FD0];
	(tm) =	ssettm $0x1  }
0x91: {  	s18 =	sld [smem:$0x3FFB];
	_ =	sdelay $0x3  }
0x92: {  	_ =	strace s18  }
0x93: {  	s3 =	sld [smem:$0x3FFC];
	_ =	sdelay $0x3  }
0x94: {  	_ =	strace s3  }
0x95: {  	s3 =	sld [smem:$0x3FFD];
	_ =	sdelay $0x3  }
0x96: {  	_ =	strace s3  }
0x97: {  	_ =	strace $0x8FFFFFFF  }
0x98: {  	s19 =	sld [smem:$0x3FDB];
	_ =	sdelay $0x1  }
0x99: {  	s4 =	simm.s32 $_scs_section_size  }
0x9a: {  	s5 =	simm.s32 $_size__tile_overlayer_lowered;
	s6 =	simm.s32 $_tile_overlayer_lowered  }
0x9b: {  	s22 =	simm.s32 $0x1BFF;
	s21 =	sshll.u32 s6, $0x1;
	s3 =	sadd.s32 s4, s19  }
0x9c: {  	s7 =	simm.s32 $0x0;
	s20 =	sshll.u32 s5, $0x1;
	s5 =	sadd.s32 s21, s3  }
0x9d: {  	[timem:s7], [sflag:s22] =	dma.local [hbm:s5], s20  }
0x9e: {  	_ =	swait.ge [sflag:s22], s20  }
0x9f: {  	s4 =	ssub.s32 $0x0, s20;
	[sflag:s22] =	ssyncset.done $0x0  }
0xa0: {  	[sflag:s22] =	ssyncadd.s32 s4;
	_ =	sdelay $0x1  }
0xa1: {  	s23 =	simm.s32 $0x1B8B  }
0xa2: {  	_ =	swait.ge [sflag:s23], $0x1  }
0xa3: {  	[sflag:s23] =	ssyncset.done $0x0  }
0xa4: {  	s25 =	simm.s32 $0x1B8E;
	s24 =	sld [smem:$0x3FFE];
	[sflag:s23] =	ssyncadd.s32 $0xFFFFFFFF  }
0xa5: {  	s26 =	simm.s32 $execute0_lowered;
	[smem:$0x3FD2] =	sst s25  }
0xa6: {  	s5 =	sshll.u32 s26, $0x1;
	_ =	strace $0x80000046;
	[dreg:$0x1] =	wrdreg $0xFFFFFFFF  }
0xa7: {  	s28 =	simm.s32 $_size_execute0_lowered;
	s3 =	sadd.s32 s3, s5;
	[dreg:$0x0] =	wrdreg $0x0  }
0xa8: {  	s5 =	sshll.u32 s28, $0x1;
	[dreg:$0x2] =	wrdreg s3  }
0xa9: {  	[dreg:$0x3] =	wrdreg s5  }
0xaa: {  	[dreg:$0x4] =	wrdreg $0xC0  }
0xab: {  	_ =	task [dreg:s7], $0x5FFFF  }
0xac: {  	[dreg:$0x1] =	wrdreg $0xFFFFFFFF  }
0xad: {  	[dreg:$0x0] =	wrdreg $0x60  }
0xae: {  	[dreg:$0x2] =	wrdreg s24  }
0xaf: {  	[dreg:$0x3] =	wrdreg s2  }
0xb0: {  	[dreg:$0x4] =	wrdreg $0x96800  }
0xb1: {  	[dreg:$0x5] =	wrdreg $0x9  }
0xb2: {  	_ =	task.clear_ibuf [dreg:s7], $0x6FFFF;
	_ =	strace $0x90000046  }
0xb3: {  	s29 =	simm.s32 $0x9;
	_ =	strace $0x80000048  }
0xb4: {  	_ =	swait.ge [sflag:s29], $0x1  }
0xb5: {  	[sflag:s29] =	ssyncadd.s32 $0xFFFFFFFF  }
0xb6: {  	_ =	strace $0x90000048  }
0xb7: {  	_ =	sfence  }
0xb8: {  	s30 =	sld [smem:$0x0];
	_ =	sdelay $0x2  }
0xb9: {  	s31 =	sshll.u32 s1, $0xD;
	s1 =	sshrl.u32 s1, $0x2  }
0xba: {  	s3 =	sand.u32 $0x4000, s31;
	s1 =	sadd.s32 s1, s30  }
0xbb: {  	s0 =	sor.u32 s3, s0;
	s1 =	sshll.u32 s1, $0x11  }
0xbc: {  	s0 =	sor.u32 s1, s0  }
0xbd: {  	s0 =	sadd.s32 $0x8F2B, s0  }
0xbe: {  	[sflag:s0] =	ssyncadd.remote.s32 $0x1  }
0xbf: {  	_ =	sfence.sel $0xFFFF  }
0xc0: {  	[dreg:$0x0] =	wrdreg $0xFFFFFFFF;
	(pc) =	sbr.abs _section_cstart, $3  }
0xc1: {  	[dreg:$0x1] =	wrdreg $0xFFFFFFFF  }
0xc2: {  	_ =	task.clear_ibuf [dreg:s7], $0x2FFFF;
	_ =	strace $0x9FFFFFFF  }
0xc3: {  	(tm) =	ssettm $0x7FFFFFFF  }
tec
execute0_lowered:
.L_overlay_start_1:
0x0: {  	(tag) =	ssettag $0x1  }
0x1: {  	s0 =	rddreg [dreg:$0x0]  }
0x2: {  	s1 =	rddreg [dreg:$0x1]  }
0x3: {  	s2 =	rddreg [dreg:$0x2];
	s3 =	srdreg.scid  }
0x4: {  	s4 =	simm.s32 $0x0;
	s21 =	stileid.u32;
	s19 =	simm.s32 $0x9200  }
0x5: {  	s20 =	simm.s32 $0x3;
	s28 =	simm.s32 $0x1;
	s14 =	smul.u32 $0x16800, s21  }
0x6: {  	s29 =	simm.s32 $0x2;
	s30 =	simm.s32 $0x0;
	s16 =	smul.u32 $0x2780, s21  }
0x7: {  	s9 =	sand.u32 $0x1, s3;
	[smem:$0x7FF] =	sst s4;
	s17 =	smul.u32 $0x5A000, s21  }
0x8: {  	s5 =	sadd.s32 $0x1C00, s0;
	s6 =	smul.u32 $0x168000, s9;
	s7 =	sshll.u32 s9, $0x4  }
0x9: {  	_ =	strace $0x80000047;
	s10 =	ssub.s32 $0x2, s9;
	s13 =	smul.u32 $0x27800, s9  }
0xa: {  	s7 =	sor.u32 s21, s7;
	s11 =	sshrl.u32 s10, $0x1;
	s25 =	sadd.s32 s14, s2  }
0xb: {  	s26 =	sshrl.u32 s17, $0x2;
	s21 =	simm.s32 $0x100;
	s8 =	sadd.s32 s14, s6  }
0xc: {  	s7 =	smul.u32 $0x2780, s7;
	s6 =	sadd.s32 $0x2EC00, s0;
	s15 =	ssub.s32 s10, s11  }
0xd: {  	s18 =	sadd.s32 s16, s13;
	s25 =	sshrl.u32 s25, $0x3;
	s8 =	sshrl.u32 s8, $0x3  }
0xe: {  	s16 =	sadd.s32 $0x180, s18;
	s14 =	smax.u32 s15, $0x1;
	s15 =	sadd.s32 s26, s2  }
0xf: {  	s18 =	sadd.s32 $0x100, s18;
	s26 =	simm.s32 $0x4A00;
	s22 =	sshrl.u32 s7, $0x3  }
0x10: {  	s0 =	sadd.s32 s8, s0;
	s31 =	sshrl.u32 s16, $0x3;
	s7 =	sadd.s32 s1, s22  }
0x11: {  	s23 =	sadd.s32 s6, s22;
	s24 =	sadd.s32 $0x10, s22;
	s12 =	sadd.s32 $0x4E0, s22  }
0x12: {  	s13 =	sadd.s32 $0x38A00, s0;
	s16 =	sadd.s32 s31, s6;
	[dreg:$0x4] =	wrdreg s7  }
0x13: {  	s17 =	sadd.s32 s31, s1;
	s22 =	simm.s32 $0x80;
	[dreg:$0x5] =	wrdreg s23  }
0x14: {  	s9 =	sadd.s32 s1, s24;
	s10 =	sadd.s32 s6, s24;
	s11 =	sadd.s32 s1, s12  }
0x15: {  	v0 =	vimm.f32 $0.0e+00;
	s12 =	sadd.s32 s6, s12;
	s23 =	simm.s32 $0x200;
	s24 =	simm.s32 $0x180  }
.LBB2_1:
0x16: {  	[tilespmem:$0x9200] =	vst v0  }
0x17: {  	[tilespmem:$0x9210] =	vst v0  }
0x18: {  	[tilespmem:$0x9220] =	vst v0  }
0x19: {  	[tilespmem:$0x9230] =	vst v0  }
0x1a: {  	[tilespmem:$0x9240] =	vst v0  }
0x1b: {  	[tilespmem:$0x9250] =	vst v0  }
0x1c: {  	[tilespmem:$0x9260] =	vst v0  }
0x1d: {  	[tilespmem:$0x9270] =	vst v0  }
0x1e: {  	[tilespmem:$0x9280] =	vst v0  }
0x1f: {  	[tilespmem:$0x9290] =	vst v0  }
0x20: {  	[tilespmem:$0x92A0] =	vst v0  }
0x21: {  	[tilespmem:$0x92B0] =	vst v0  }
0x22: {  	[tilespmem:$0x92C0] =	vst v0  }
0x23: {  	[tilespmem:$0x92D0] =	vst v0  }
0x24: {  	[tilespmem:$0x92E0] =	vst v0  }
0x25: {  	[tilespmem:$0x92F0] =	vst v0  }
0x26: {  	[tilespmem:$0x9300] =	vst v0  }
0x27: {  	[tilespmem:$0x9310] =	vst v0  }
0x28: {  	[tilespmem:$0x9320] =	vst v0  }
0x29: {  	[tilespmem:$0x9330] =	vst v0  }
0x2a: {  	[tilespmem:$0x9340] =	vst v0  }
0x2b: {  	[tilespmem:$0x9350] =	vst v0  }
0x2c: {  	[tilespmem:$0x9360] =	vst v0  }
0x2d: {  	[tilespmem:$0x9370] =	vst v0  }
0x2e: {  	[tilespmem:$0x9380] =	vst v0  }
0x2f: {  	[tilespmem:$0x9390] =	vst v0  }
0x30: {  	[tilespmem:$0x93A0] =	vst v0  }
0x31: {  	[tilespmem:$0x93B0] =	vst v0  }
0x32: {  	[tilespmem:$0x93C0] =	vst v0  }
0x33: {  	[tilespmem:$0x93D0] =	vst v0  }
0x34: {  	[tilespmem:$0x93E0] =	vst v0  }
0x35: {  	[tilespmem:$0x93F0] =	vst v0  }
0x36: {  	[tilespmem:$0x9400] =	vst v0  }
0x37: {  	[tilespmem:$0x9410] =	vst v0  }
0x38: {  	[tilespmem:$0x9420] =	vst v0  }
0x39: {  	[tilespmem:$0x9430] =	vst v0  }
0x3a: {  	[tilespmem:$0x9440] =	vst v0  }
0x3b: {  	[tilespmem:$0x9450] =	vst v0  }
0x3c: {  	[tilespmem:$0x9460] =	vst v0  }
0x3d: {  	[tilespmem:$0x9470] =	vst v0  }
0x3e: {  	[tilespmem:$0x9480] =	vst v0  }
0x3f: {  	[tilespmem:$0x9490] =	vst v0  }
0x40: {  	[tilespmem:$0x94A0] =	vst v0  }
0x41: {  	[tilespmem:$0x94B0] =	vst v0  }
0x42: {  	[tilespmem:$0x94C0] =	vst v0  }
0x43: {  	[tilespmem:$0x94D0] =	vst v0  }
0x44: {  	[tilespmem:$0x94E0] =	vst v0  }
0x45: {  	[tilespmem:$0x94F0] =	vst v0  }
0x46: {  	[tilespmem:$0x9500] =	vst v0  }
0x47: {  	[tilespmem:$0x9510] =	vst v0  }
0x48: {  	[tilespmem:$0x9520] =	vst v0  }
0x49: {  	[tilespmem:$0x9530] =	vst v0  }
0x4a: {  	[tilespmem:$0x9540] =	vst v0  }
0x4b: {  	[tilespmem:$0x9550] =	vst v0  }
0x4c: {  	[tilespmem:$0x9560] =	vst v0  }
0x4d: {  	[tilespmem:$0x9570] =	vst v0  }
0x4e: {  	[tilespmem:$0x9580] =	vst v0  }
0x4f: {  	[tilespmem:$0x9590] =	vst v0  }
0x50: {  	[tilespmem:$0x95A0] =	vst v0  }
0x51: {  	[tilespmem:$0x95B0] =	vst v0  }
0x52: {  	[tilespmem:$0x95C0] =	vst v0  }
0x53: {  	[tilespmem:$0x95D0] =	vst v0  }
0x54: {  	[tilespmem:$0x95E0] =	vst v0  }
0x55: {  	[tilespmem:$0x95F0] =	vst v0  }
0x56: {  	[tilespmem:$0x9600] =	vst v0  }
0x57: {  	[tilespmem:$0x9610] =	vst v0  }
0x58: {  	[tilespmem:$0x9620] =	vst v0  }
0x59: {  	[tilespmem:$0x9630] =	vst v0  }
0x5a: {  	[tilespmem:$0x9640] =	vst v0  }
0x5b: {  	[tilespmem:$0x9650] =	vst v0  }
0x5c: {  	[tilespmem:$0x9660] =	vst v0  }
0x5d: {  	[tilespmem:$0x9670] =	vst v0;
	s0 =	sadd.s32 $0x0, s15  }
0x5e: {  	[spmem:s0] =	stream.linear.scatter [tilespmem:s19], [sflag:$0x3], $0x480, $0x38;
	[tilespmem:$0x1FE80] =	vst v63  }
0x5f: {  	s0 =	simm.s32 $0x1200;
	_ =	swait.ge [sflag:s20], $0x480  }
.LBB2_2:
0x60: {  	s31 =	sshra.s32 s0, $0x2;
	[sflag:s20] =	ssyncset.done $0x0;
	p0 =	sne.s32 s0, $0x58E00  }
.Ltmp0:
0x61: {  	s31 =	sadd.s32 s31, s15;
	[sflag:s20] =	ssyncadd.s32 $0xFFFFFB80;
	(pc) =	sbr.rel @p0 .LBB2_2-.Ltmp0, $3  }
0x62: {  	[spmem:s31] =	stream.linear.scatter [tilespmem:s19], [sflag:$0x3], $0x480, $0x38;
	[tilespmem:$0x1FE80] =	vst v63  }
0x63: {  	s0 =	sadd.s32 $0x1200, s0;
	_ =	sdelay $0x1  }
0x64: {  	_ =	swait.ge [sflag:s20], $0x480  }
0x65: {  	[sflag:s20] =	ssyncset.done $0x0  }
0x66: {  	[sflag:s20] =	ssyncadd.s32 $0xFFFFFB80  }
0x67: {  	[bflag:$0x0] =	sbarrier.arrive $0xFFFF  }
0x68: {  	s0 =	simm.s32 $0x0;
	s3 =	rddreg [dreg:$0x4]  }
0x69: {  	[tilespmem:s0], [sflag:$0x3] =	stream.linear.gather [hbm4b:s3+s0], $0x80, $0x38;
	[tilespmem:$0x1FE80] =	vst v63  }
0x6a: {  	_ =	swait.ge [sflag:s20], $0x80  }
0x6b: {  	[sflag:s20] =	ssyncset.done $0x0  }
0x6c: {  	s8 =	rddreg [dreg:$0x5];
	[sflag:s20] =	ssyncadd.s32 $0xFFFFFF80  }
0x6d: {  	[tilespmem:s21], [sflag:$0x3] =	stream.linear.gather [hbm4b:s8+s0], $0x80, $0x38;
	[tilespmem:$0x1FE80] =	vst v63  }
0x6e: {  	_ =	swait.ge [sflag:s20], $0x80  }
0x6f: {  	[sflag:s20] =	ssyncset.done $0x0  }
0x70: {  	[sflag:s20] =	ssyncadd.s32 $0xFFFFFF80  }
0x71: {  	[tilespmem:s23], [sflag:$0x1] =	stream.indirect.gather [hbm4b:s5+s22], $0x90, s0, s22, $0xb8;
	[tilespmem:$0x1FE80] =	vst v63  }
0x72: {  	_ = 	snop  }
0x73: {  	[tilespmem:s22], [sflag:$0x3] =	stream.linear.gather [hbm4b:s9+s0], $0x80, $0x38;
	[tilespmem:$0x1FE80] =	vst v63  }
0x74: {  	_ =	swait.ge [sflag:s20], $0x80  }
0x75: {  	[sflag:s20] =	ssyncset.done $0x0  }
0x76: {  	[sflag:s20] =	ssyncadd.s32 $0xFFFFFF80  }
0x77: {  	[tilespmem:s24], [sflag:$0x3] =	stream.linear.gather [hbm4b:s10+s0], $0x80, $0x38;
	[tilespmem:$0x1FE80] =	vst v63  }
0x78: {  	_ =	swait.ge [sflag:s20], $0x80  }
0x79: {  	[sflag:s20] =	ssyncset.done $0x0  }
0x7a: {  	[sflag:s20] =	ssyncadd.s32 $0xFFFFFF80  }
0x7b: {  	[tilespmem:s26], [sflag:$0x2] =	stream.indirect.gather [hbm4b:s5+s22], $0x90, s22, s22, $0xb8;
	[tilespmem:$0x1FE80] =	vst v63  }
0x7c: {  	_ =	swait.ge [sflag:s28], $0x4800  }
0x7d: {  	[sflag:s28] =	ssyncset.done $0x0  }
0x7e: {  	[sflag:s28] =	ssyncadd.s32 $0xFFFFB800  }
0x7f: {  	[spmem:s2] =	stream.indirect.scatter.add.f32 [tilespmem:s23], [sflag:$0x3], $0x90, s21, s22, $0xb8;
	[tilespmem:$0x1FE80] =	vst v63  }
0x80: {  	_ =	swait.ge [sflag:s20], $0x4800  }
0x81: {  	s3 =	sshrl.u32 s18, $0x3;
	[sflag:s20] =	ssyncset.done $0x0  }
0x82: {  	s31 =	sadd.s32 s1, s3;
	[sflag:s20] =	ssyncadd.s32 $0xFFFFB800  }
0x83: {  	[tilespmem:s4], [sflag:$0x3] =	stream.linear.gather [hbm4b:s31+s4], $0x80, $0x38;
	[tilespmem:$0x1FE80] =	vst v63  }
0x84: {  	_ =	swait.ge [sflag:s20], $0x80  }
0x85: {  	[sflag:s20] =	ssyncset.done $0x0  }
0x86: {  	s0 =	sadd.s32 s6, s3;
	[sflag:s20] =	ssyncadd.s32 $0xFFFFFF80  }
0x87: {  	[tilespmem:s21], [sflag:$0x3] =	stream.linear.gather [hbm4b:s0+s4], $0x80, $0x38;
	[tilespmem:$0x1FE80] =	vst v63  }
0x88: {  	_ =	swait.ge [sflag:s20], $0x80  }
0x89: {  	[sflag:s20] =	ssyncset.done $0x0  }
0x8a: {  	[sflag:s20] =	ssyncadd.s32 $0xFFFFFF80  }
0x8b: {  	[tilespmem:s23], [sflag:$0x1] =	stream.indirect.gather [hbm4b:s5+s22], $0x90, s4, s22, $0xb8;
	[tilespmem:$0x1FE80] =	vst v63  }
0x8c: {  	_ =	swait.ge [sflag:s29], $0x4800  }
0x8d: {  	[sflag:s29] =	ssyncset.done $0x0  }
0x8e: {  	[sflag:s29] =	ssyncadd.s32 $0xFFFFB800  }
0x8f: {  	[spmem:s2] =	stream.indirect.scatter.add.f32 [tilespmem:s26], [sflag:$0x3], $0x90, s24, s22, $0xb8;
	[tilespmem:$0x1FE80] =	vst v63  }
0x90: {  	_ =	swait.ge [sflag:s20], $0x4800  }
0x91: {  	[sflag:s20] =	ssyncset.done $0x0  }
0x92: {  	s7 =	sadd.s32 $0x0, s17;
	[sflag:s20] =	ssyncadd.s32 $0xFFFFB800  }
0x93: {  	[tilespmem:s22], [sflag:$0x3] =	stream.linear.gather [hbm4b:s7+s4], $0x80, $0x38;
	[tilespmem:$0x1FE80] =	vst v63  }
0x94: {  	_ =	swait.ge [sflag:s20], $0x80  }
0x95: {  	[sflag:s20] =	ssyncset.done $0x0  }
0x96: {  	s8 =	sadd.s32 $0x0, s16;
	[sflag:s20] =	ssyncadd.s32 $0xFFFFFF80  }
0x97: {  	[tilespmem:s24], [sflag:$0x3] =	stream.linear.gather [hbm4b:s8+s4], $0x80, $0x38;
	[tilespmem:$0x1FE80] =	vst v63  }
0x98: {  	_ =	swait.ge [sflag:s20], $0x80  }
0x99: {  	[sflag:s20] =	ssyncset.done $0x0  }
0x9a: {  	s31 =	simm.s32 $0x20;
	s0 =	sadd.s32 $0x100, s18;
	[sflag:s20] =	ssyncadd.s32 $0xFFFFFF80  }
.LBB2_4:
0x9b: {  	[tilespmem:s26], [sflag:$0x2] =	stream.indirect.gather [hbm4b:s5+s22], $0x90, s22, s22, $0xb8;
	[tilespmem:$0x1FE80] =	vst v63  }
0x9c: {  	s3 =	smov.u32 s31  }
0x9d: {  	p0 =	sne.s32 s31, $0x4A0;
	s31 =	sadd.s32 $0x20, s31;
	_ =	swait.ge [sflag:s28], $0x4800  }
0x9e: {  	[sflag:s28] =	ssyncset.done $0x0  }
0x9f: {  	[sflag:s28] =	ssyncadd.s32 $0xFFFFB800  }
0xa0: {  	[spmem:s2] =	stream.indirect.scatter.add.f32 [tilespmem:s23], [sflag:$0x3], $0x90, s21, s22, $0xb8;
	[tilespmem:$0x1FE80] =	vst v63  }
0xa1: {  	_ =	swait.ge [sflag:s20], $0x4800  }
0xa2: {  	s7 =	sshrl.u32 s0, $0x3;
	[sflag:s20] =	ssyncset.done $0x0  }
0xa3: {  	s8 =	sadd.s32 s1, s7;
	[sflag:s20] =	ssyncadd.s32 $0xFFFFB800  }
0xa4: {  	[tilespmem:s4], [sflag:$0x3] =	stream.linear.gather [hbm4b:s8+s4], $0x80, $0x38;
	[tilespmem:$0x1FE80] =	vst v63  }
0xa5: {  	_ =	swait.ge [sflag:s20], $0x80  }
0xa6: {  	[sflag:s20] =	ssyncset.done $0x0  }
0xa7: {  	s7 =	sadd.s32 s6, s7;
	[sflag:s20] =	ssyncadd.s32 $0xFFFFFF80  }
0xa8: {  	[tilespmem:s21], [sflag:$0x3] =	stream.linear.gather [hbm4b:s7+s4], $0x80, $0x38;
	[tilespmem:$0x1FE80] =	vst v63  }
0xa9: {  	_ =	swait.ge [sflag:s20], $0x80  }
0xaa: {  	[sflag:s20] =	ssyncset.done $0x0  }
0xab: {  	[sflag:s20] =	ssyncadd.s32 $0xFFFFFF80  }
0xac: {  	[tilespmem:s23], [sflag:$0x1] =	stream.indirect.gather [hbm4b:s5+s22], $0x90, s4, s22, $0xb8;
	[tilespmem:$0x1FE80] =	vst v63  }
0xad: {  	_ =	swait.ge [sflag:s29], $0x4800  }
0xae: {  	[sflag:s29] =	ssyncset.done $0x0  }
0xaf: {  	[sflag:s29] =	ssyncadd.s32 $0xFFFFB800  }
0xb0: {  	[spmem:s2] =	stream.indirect.scatter.add.f32 [tilespmem:s26], [sflag:$0x3], $0x90, s24, s22, $0xb8;
	[tilespmem:$0x1FE80] =	vst v63  }
0xb1: {  	_ =	swait.ge [sflag:s20], $0x4800  }
0xb2: {  	[sflag:s20] =	ssyncset.done $0x0  }
0xb3: {  	s7 =	sadd.s32 s3, s17;
	[sflag:s20] =	ssyncadd.s32 $0xFFFFB800  }
0xb4: {  	[tilespmem:s22], [sflag:$0x3] =	stream.linear.gather [hbm4b:s7+s4], $0x80, $0x38;
	[tilespmem:$0x1FE80] =	vst v63  }
0xb5: {  	_ =	swait.ge [sflag:s20], $0x80  }
0xb6: {  	[sflag:s20] =	ssyncset.done $0x0  }
.Ltmp1:
0xb7: {  	s3 =	sadd.s32 s3, s16;
	[sflag:s20] =	ssyncadd.s32 $0xFFFFFF80;
	(pc) =	sbr.rel @p0 .LBB2_4-.Ltmp1, $4  }
0xb8: {  	[tilespmem:s24], [sflag:$0x3] =	stream.linear.gather [hbm4b:s3+s4], $0x80, $0x38;
	[tilespmem:$0x1FE80] =	vst v63  }
0xb9: {  	_ =	swait.ge [sflag:s20], $0x80  }
0xba: {  	[sflag:s20] =	ssyncset.done $0x0  }
0xbb: {  	s0 =	sadd.s32 $0x100, s0;
	[sflag:s20] =	ssyncadd.s32 $0xFFFFFF80  }
0xbc: {  	[tilespmem:s26], [sflag:$0x2] =	stream.indirect.gather [hbm4b:s5+s22], $0x90, s22, s22, $0xb8;
	[tilespmem:$0x1FE80] =	vst v63  }
0xbd: {  	_ =	swait.ge [sflag:s28], $0x4800  }
0xbe: {  	[sflag:s28] =	ssyncset.done $0x0  }
0xbf: {  	[sflag:s28] =	ssyncadd.s32 $0xFFFFB800  }
0xc0: {  	[spmem:s2] =	stream.indirect.scatter.add.f32 [tilespmem:s23], [sflag:$0x3], $0x90, s21, s22, $0xb8;
	[tilespmem:$0x1FE80] =	vst v63  }
0xc1: {  	_ =	swait.ge [sflag:s20], $0x4800  }
0xc2: {  	[sflag:s20] =	ssyncset.done $0x0  }
0xc3: {  	[sflag:s20] =	ssyncadd.s32 $0xFFFFB800  }
0xc4: {  	_ =	swait.ge [sflag:s29], $0x4800  }
0xc5: {  	[sflag:s29] =	ssyncset.done $0x0  }
0xc6: {  	[sflag:s29] =	ssyncadd.s32 $0xFFFFB800  }
0xc7: {  	[spmem:s2] =	stream.indirect.scatter.add.f32 [tilespmem:s26], [sflag:$0x3], $0x90, s24, s22, $0xb8;
	[tilespmem:$0x1FE80] =	vst v63  }
0xc8: {  	_ =	swait.ge [sflag:s20], $0x4800  }
0xc9: {  	[sflag:s20] =	ssyncset.done $0x0  }
0xca: {  	[sflag:s20] =	ssyncadd.s32 $0xFFFFB800  }
0xcb: {  	[tilespmem:s4], [sflag:$0x3] =	stream.linear.gather [hbm4b:s11+s4], $0x80, $0x38;
	[tilespmem:$0x1FE80] =	vst v63  }
0xcc: {  	_ =	swait.ge [sflag:s20], $0x80  }
0xcd: {  	[sflag:s20] =	ssyncset.done $0x0  }
0xce: {  	[sflag:s20] =	ssyncadd.s32 $0xFFFFFF80  }
0xcf: {  	[tilespmem:s21], [sflag:$0x3] =	stream.linear.gather [hbm4b:s12+s4], $0x80, $0x38;
	[tilespmem:$0x1FE80] =	vst v63  }
0xd0: {  	_ =	swait.ge [sflag:s20], $0x80  }
0xd1: {  	[sflag:s20] =	ssyncset.done $0x0  }
0xd2: {  	[sflag:s20] =	ssyncadd.s32 $0xFFFFFF80  }
0xd3: {  	[tilespmem:s23], [sflag:$0x1] =	stream.indirect.gather [hbm4b:s5+s22], $0x90, s4, s22, $0xb8;
	[tilespmem:$0x1FE80] =	vst v63  }
0xd4: {  	_ =	swait.ge [sflag:s28], $0x4800  }
0xd5: {  	[sflag:s28] =	ssyncset.done $0x0  }
0xd6: {  	[sflag:s28] =	ssyncadd.s32 $0xFFFFB800  }
0xd7: {  	[spmem:s2] =	stream.indirect.scatter.add.f32 [tilespmem:s23], [sflag:$0x3], $0x90, s21, s22, $0xb8;
	[tilespmem:$0x1FE80] =	vst v63  }
0xd8: {  	_ =	swait.ge [sflag:s20], $0x4800  }
0xd9: {  	s0 =	stileid.u32;
	s30 =	sadd.s32 $0x1, s30;
	[sflag:s20] =	ssyncset.done $0x0  }
0xda: {  	s0 =	sshll.u32 s0, $0x6;
	p0 =	sne.s32 s30, s14;
	[sflag:s20] =	ssyncadd.s32 $0xFFFFB800  }
.Ltmp2:
0xdb: {  	s0 =	sor.u32 $0x1C03, s0;
	[bflag:$0x0] =	sbarrier.arrive $0xFFFF;
	(pc) =	sbr.rel @p0 .LBB2_1-.Ltmp2, $4  }
0xdc: {  	[hbm:s13], [sflag:s0] =	dma.local [spmem:s25], $0x2D00  }
0xdd: {  	_ =	swait.ge [sflag:s20], $0x2D00  }
0xde: {  	[sflag:s20] =	ssyncset.done $0x0  }
0xdf: {  	[sflag:s20] =	ssyncadd.s32 $0xFFFFD300  }
0xe0: {  	_ =	sfence.sel $0x180000  }
0xe1: {  	[bflag:$0x0] =	sbarrier.arrive $0xFFFF  }
0xe2: {  	_ =	strace $0x90000047  }
0xe3: {  	s0 =	stileid.u32;
	[bflag:$0x2] =	sbarrier.arrive $0xFFFF  }
0xe4: {  	p0 =	sne.s32 s0, $0x0;
	s0 =	rddreg [dreg:$0x3]  }
0xe5: {  	s0 =	sadd.s32 @!p0 $0x100000, s0  }
0xe6: {  	[sflag:s0] =	ssyncadd.tile.s32 @!p0 $0x1;
	_ =	shalt  }
.Lfunc_end2:
_tile_overlayer_lowered:
.L_overlay_start_2:
0xe7: {  	(tag) =	ssettag $0x2  }
0xe8: {  	s0 =	rddreg [dreg:$0x0];
	s2 =	stileid.u32  }
0xe9: {  	s1 =	rddreg [dreg:$0x1];
	p0 =	sne.s32 s2, $0x0  }
0xea: {  	s3 =	rddreg [dreg:$0x2];
	[bflag:$0x3] =	sbarrier.arrive $0xFFFF;
	s2 =	simm.s32 @!p0 $0x1C03  }
0xeb: {  	[timem:s3], [sflag:s2] =	dma.local @!p0 [hbm:s0], s1  }
0xec: {  	s0 =	simm.s32 @!p0 $0x3  }
0xed: {  	_ =	swait.ge @!p0 [sflag:s0], s1  }
0xee: {  	s1 =	ssub.s32 @!p0 $0x0, s1;
	[sflag:s0] =	ssyncset.done @!p0 $0x0  }
0xef: {  	[sflag:s0] =	ssyncadd.s32 @!p0 s1  }
0xf0: {  	[bflag:$0x3] =	sbarrier.arrive $0xFFFF  }
0xf1: {  	_ =	shalt  }

</sc_bundles>
